<compile_context>
chip_gen: v7x
topology: tpu7x:2x2x1
jax: 0.10.2.dev20260603
libtpu: 0.0.44.dev20260713+nightly
codegen_flags: <defaults>
</compile_context>

<pallas_src>
import jax
import jax.numpy as jnp
from jax import lax
from jax.experimental import pallas as pl
from jax.experimental.pallas import tpu as pltpu
from jax.experimental.pallas import tpu_sc as plsc

N_NODES = 10000
N_EDGES = 320000
D = 128
DW = D // 2
N_TILES = 32
NPT = 320
N_PAD = N_TILES * NPT
CHUNK = 3200
N_CHUNKS = N_EDGES // CHUNK
GB = 64
FBLK = 64
NEG1_PAIR = -1082540160


def _mm_body(d_ref, w_ref, b_ref, o_ref, ob_ref):
    val = jnp.maximum(
        jnp.dot(d_ref[...], w_ref[...], preferred_element_type=jnp.float32)
        + b_ref[...],
        0.0,
    )
    o_ref[...] = val
    ob_ref[...] = val.astype(jnp.bfloat16)


def _encode(data_pad, W, b2):
    blk = 2048
    return pl.pallas_call(
        _mm_body,
        grid=(N_PAD // blk,),
        in_specs=[
            pl.BlockSpec((blk, D), lambda i: (i, 0)),
            pl.BlockSpec((D, D), lambda i: (0, 0)),
            pl.BlockSpec((1, D), lambda i: (0, 0)),
        ],
        out_specs=[
            pl.BlockSpec((blk, D), lambda i: (i, 0)),
            pl.BlockSpec((blk, D), lambda i: (i, 0)),
        ],
        out_shape=[
            jax.ShapeDtypeStruct((N_PAD, D), jnp.float32),
            jax.ShapeDtypeStruct((N_PAD, D), jnp.bfloat16),
        ],
    )(data_pad, W, b2)


def _edge_body(x_hbm, xb_hbm, src_hbm, dst_hbm, out1_hbm, out2_hbm,
               acc, dstc, srcc, kdst, ksrc, rows, xblk, o1blk, o2blk,
               sem_d, sem_s, sem_g):
    c = lax.axis_index("c")
    s = lax.axis_index("s")
    t = s * 2 + c
    lo = t * NPT

    iota = lax.iota(jnp.int32, 16)
    negp = jnp.full((16,), NEG1_PAIR, jnp.int32)
    npt_u = jnp.uint32(NPT)
    dnums = lax.GatherDimensionNumbers(
        offset_dims=(), collapsed_slice_dims=(0,), start_index_map=(0,))

    def init_row(r, _):
        for v in range(4):
            acc[r, pl.ds(v * 16, 16)] = negp
        return 0

    lax.fori_loop(0, NPT + 1, init_row, 0)

    def fire_edges(ci):
        base = ci * CHUNK
        buf = lax.rem(ci, 2)
        pltpu.async_copy(dst_hbm.at[pl.ds(base, CHUNK)], dstc.at[buf], sem_d)
        pltpu.async_copy(src_hbm.at[pl.ds(base, CHUNK)], srcc.at[buf], sem_s)

    fire_edges(0)

    def chunk_body(ci, _):
        buf = lax.rem(ci, 2)
        base = ci * CHUNK
        pltpu.make_async_copy(
            dst_hbm.at[pl.ds(base, CHUNK)], dstc.at[buf], sem_d).wait()
        pltpu.make_async_copy(
            src_hbm.at[pl.ds(base, CHUNK)], srcc.at[buf], sem_s).wait()

        @pl.when(ci + 1 < N_CHUNKS)
        def _():
            fire_edges(ci + 1)

        def filt(i, off):
            dvec = dstc[buf, pl.ds(i * 16, 16)]
            svec = srcc[buf, pl.ds(i * 16, 16)]
            dloc = dvec - lo
            m = plsc.bitcast(dloc, jnp.uint32) < npt_u
            mi = m.astype(jnp.int32)
            pos = off + plsc.cumsum(mi) - 1
            plsc.store_scatter(kdst, [pos], dloc, mask=m)
            plsc.store_scatter(ksrc, [pos], svec, mask=m)
            return off + plsc.all_reduce_population_count(m)

        off = lax.fori_loop(0, CHUNK // 16, filt, jnp.zeros((16,), jnp.int32))
        k = off[0]

        for j in range(GB // 16):
            kdst[pl.ds(k + j * 16, 16)] = jnp.full((16,), NPT, jnp.int32)
            ksrc[pl.ds(k + j * 16, 16)] = jnp.zeros((16,), jnp.int32)
        nb = (k + GB - 1) // GB

        def batch(b, _):
            pltpu.async_copy(
                xb_hbm.at[ksrc.at[pl.ds(b * GB, GB)]], rows, sem_g).wait()

            def grp(g, _):
                e0 = b * GB + g * 16
                dvec = kdst[pl.ds(e0, 16)]
                for j in range(16):
                    dj = lax.gather(
                        dvec, jnp.full((16, 1), j, jnp.int32), dnums, (1,),
                        mode=lax.GatherScatterMode.PROMISE_IN_BOUNDS)
                    for v in range(4):
                        col = iota + v * 16
                        old = plsc.bitcast(
                            plsc.load_gather(acc, [dj, col]), jnp.bfloat16)
                        rowv = plsc.bitcast(
                            rows[g * 16 + j, pl.ds(v * 16, 16)],
                            jnp.bfloat16)
                        new = jnp.maximum(old, rowv)
                        plsc.store_scatter(
                            acc, [dj, col], plsc.bitcast(new, jnp.int32))
                return 0

            lax.fori_loop(0, GB // 16, grp, 0)
            return 0

        lax.fori_loop(0, nb, batch, 0)
        return 0

    lax.fori_loop(0, N_CHUNKS, chunk_body, 0)

    def fin(bi, _):
        r0 = lo + bi * FBLK
        pltpu.sync_copy(x_hbm.at[pl.ds(r0, FBLK)], xblk)

        def frow(r, _):
            ar = bi * FBLK + r
            rsp = jnp.broadcast_to(r, (16,))
            for v in range(4):
                ab = plsc.bitcast(acc[ar, pl.ds(v * 16, 16)], jnp.bfloat16)
                a0, a1 = plsc.unpack(ab, format=plsc.PackFormat.INTERLEAVED)
                for h, ah in ((0, a0), (1, a1)):
                    cols = v * 32 + h + 2 * iota
                    xv = plsc.load_gather(xblk, [rsp, cols])
                    valid = ah >= 0.0
                    plsc.store_scatter(
                        o1blk, [rsp, cols], jnp.where(valid, xv, 0.0))
                    plsc.store_scatter(
                        o2blk, [rsp, cols], jnp.where(valid, ah - xv, 0.0))
            return 0

        lax.fori_loop(0, FBLK, frow, 0)
        pltpu.sync_copy(o1blk, out1_hbm.at[pl.ds(r0, FBLK)])
        pltpu.sync_copy(o2blk, out2_hbm.at[pl.ds(r0, FBLK)])
        return 0

    lax.fori_loop(0, NPT // FBLK, fin, 0)


_edge_call = pl.kernel(
    _edge_body,
    out_type=[
        jax.ShapeDtypeStruct((N_PAD, D), jnp.float32),
        jax.ShapeDtypeStruct((N_PAD, D), jnp.float32),
    ],
    mesh=plsc.VectorSubcoreMesh(core_axis_name="c", subcore_axis_name="s"),
    compiler_params=pltpu.CompilerParams(
        needs_layout_passes=False, use_tc_tiling_on_sc=False),
    scratch_types=[
        pltpu.VMEM((NPT + 1, DW), jnp.int32),
        pltpu.VMEM((2, CHUNK), jnp.int32),
        pltpu.VMEM((2, CHUNK), jnp.int32),
        pltpu.VMEM((CHUNK + GB,), jnp.int32),
        pltpu.VMEM((CHUNK + GB,), jnp.int32),
        pltpu.VMEM((GB, DW), jnp.int32),
        pltpu.VMEM((FBLK, D), jnp.float32),
        pltpu.VMEM((FBLK, D), jnp.float32),
        pltpu.VMEM((FBLK, D), jnp.float32),
        pltpu.SemaphoreType.DMA,
        pltpu.SemaphoreType.DMA,
        pltpu.SemaphoreType.DMA,
    ],
)


def kernel(data, edge_index, W, b):
    data_pad = jnp.pad(data, ((0, N_PAD - N_NODES), (0, 0)))
    x, xbf = _encode(data_pad, W, b.reshape(1, D))
    xb = jax.lax.bitcast_convert_type(
        xbf.reshape(N_PAD, DW, 2), jnp.int32)
    src = edge_index[0]
    dst = edge_index[1]
    out1, out2 = _edge_call(x, xb, src, dst)
    return jnp.concatenate([out1[:N_NODES], out2[:N_NODES]], axis=-1)

# --- scband reference (transcript-rebuilt; emitter-appended) ---
"""Pipeline reference for scband-encoder-graph-gru-16947940950354 (READ-ONLY COPY).

The authoritative reference and input builder live on the scoring server;
editing this copy changes nothing except your own understanding.
"""

import jax, jax.numpy as jnp
import numpy as np

N_NODES = 10000
N_EDGES = 320000
D_FEAT = 128


def setup_inputs(seed: int = 0) -> dict:
    key = jax.random.key(seed)
    k1, k2, k3 = jax.random.split(key, 3)
    data = jax.random.normal(k1, (N_NODES, D_FEAT), dtype=jnp.float32)
    edge_index = jax.random.randint(k2, (2, N_EDGES), 0, N_NODES, dtype=jnp.int32)
    # MLP (make_mlp([128,128], ['relu'])) parameters: one Linear(128->128)
    W = jax.random.normal(k3, (D_FEAT, D_FEAT), dtype=jnp.float32) * 0.05
    b = jnp.zeros((D_FEAT,), dtype=jnp.float32)
    return {"data": data, "edge_index": edge_index, "W": W, "b": b}


def reference(data, edge_index, W, b):
    # encoder MLP: Linear + relu
    x = jax.nn.relu(jnp.dot(data, W) + b)
    # EdgeConv with nn=Identity, aggr='max':
    # message for edge (j->i): [x_i, x_j - x_i]; max-aggregated at destination i
    src = edge_index[0]
    dst = edge_index[1]
    x_i = jnp.take(x, dst, axis=0)
    x_j = jnp.take(x, src, axis=0)
    msg = jnp.concatenate([x_i, x_j - x_i], axis=-1)
    out = jax.ops.segment_max(msg, dst, num_segments=N_NODES)
    # nodes with no incoming edges: segment_max yields -inf; PyG fills with 0
    out = jnp.where(jnp.isfinite(out), out, 0.0)
    return out

if __name__ == "__main__":
    import jax
    _d = setup_inputs()
    print(jax.jit(kernel)(*tuple(_d.values())))

</pallas_src>

<mosaic_0001>
#map = affine_map<(d0, d1) -> (0, 0)>
#map1 = affine_map<(d0, d1) -> (0)>
module attributes {stable_mosaic.version = 14 : i64} {
  func.func @_edge_body(%arg0: i32, %arg1: i32, %arg2: memref<10240x128xf32, #tpu.memory_space<hbm>>, %arg3: memref<10240x64xi32, #tpu.memory_space<hbm>>, %arg4: memref<320000xi32, #tpu.memory_space<hbm>>, %arg5: memref<320000xi32, #tpu.memory_space<hbm>>, %arg6: memref<10240x128xf32, #tpu.memory_space<hbm>>, %arg7: memref<10240x128xf32, #tpu.memory_space<hbm>>, %arg8: memref<321x64xi32, #tpu.memory_space<vmem>>, %arg9: memref<2x3200xi32, #tpu.memory_space<vmem>>, %arg10: memref<2x3200xi32, #tpu.memory_space<vmem>>, %arg11: memref<3264xi32, #tpu.memory_space<vmem>>, %arg12: memref<3264xi32, #tpu.memory_space<vmem>>, %arg13: memref<64x64xi32, #tpu.memory_space<vmem>>, %arg14: memref<64x128xf32, #tpu.memory_space<vmem>>, %arg15: memref<64x128xf32, #tpu.memory_space<vmem>>, %arg16: memref<64x128xf32, #tpu.memory_space<vmem>>, %arg17: memref<!tpu.dma_semaphore, #tpu.memory_space<semaphore_mem>>, %arg18: memref<!tpu.dma_semaphore, #tpu.memory_space<semaphore_mem>>, %arg19: memref<!tpu.dma_semaphore, #tpu.memory_space<semaphore_mem>>) attributes {dimension_semantics = [#tpu.dimension_semantics<core_parallel>, #tpu.dimension_semantics<subcore_parallel>], iteration_bounds = array<i64: 2, 16>, scalar_prefetch = 0 : i64, scratch_operands = 12 : i64, tpu.core_type = #tpu.core_type<sc_vector_subcore>, window_params = [{transform_indices = #map}, {transform_indices = #map}, {transform_indices = #map1}, {transform_indices = #map1}, {transform_indices = #map}, {transform_indices = #map}]} {
    %mul3A = arith.constant 2 : i32
    %mul3A_0 = arith.muli %arg1, %mul3A : i32
    %add3A = arith.addi %mul3A_0, %arg0 : i32
    %mul3A_1 = arith.constant 320 : i32
    %mul3A_2 = arith.muli %add3A, %mul3A_1 : i32
    %iota3A = tpu.iota {dimensions = array<i32: 0>} : vector<16xi32>
    %broadcast_in_dim3A = arith.constant -1082540160 : i32
    %broadcast_in_dim3A_3 = vector.broadcast %broadcast_in_dim3A : i32 to vector<16xi32>
    %scan3A = arith.constant 0 : i32
    %scan3A_4 = arith.constant 0 : i32
    %scan3A_5 = arith.constant 321 : i32
    %scan3A_6 = arith.addi %scan3A_4, %scan3A_5 : i32
    %scan3A_7 = arith.constant 1 : i32
    %scan3A_8 = scf.for %scan3A_46 = %scan3A_4 to %scan3A_6 step %scan3A_7 iter_args(%scan3A_47 = %scan3A) -> (i32)  : i32 {
      %swap3A = arith.index_cast %scan3A_46 : i32 to index
      %swap3A_48 = arith.constant 0 : index
      %swap3A_49 = tpu.vector_load %arg8[%swap3A, %swap3A_48] {strides = array<i32>} : memref<321x64xi32, #tpu.memory_space<vmem>>, vector<16xi32>,
      tpu.vector_store %arg8[%swap3A, %swap3A_48], %broadcast_in_dim3A_3 {strides = array<i32>} : memref<321x64xi32, #tpu.memory_space<vmem>>, vector<16xi32>,
      %swap3A_50 = arith.index_cast %scan3A_46 : i32 to index
      %swap3A_51 = arith.constant 16 : index
      %swap3A_52 = tpu.vector_load %arg8[%swap3A_50, %swap3A_51] {strides = array<i32>} : memref<321x64xi32, #tpu.memory_space<vmem>>, vector<16xi32>,
      tpu.vector_store %arg8[%swap3A_50, %swap3A_51], %broadcast_in_dim3A_3 {strides = array<i32>} : memref<321x64xi32, #tpu.memory_space<vmem>>, vector<16xi32>,
      %swap3A_53 = arith.index_cast %scan3A_46 : i32 to index
      %swap3A_54 = arith.constant 32 : index
      %swap3A_55 = tpu.vector_load %arg8[%swap3A_53, %swap3A_54] {strides = array<i32>} : memref<321x64xi32, #tpu.memory_space<vmem>>, vector<16xi32>,
      tpu.vector_store %arg8[%swap3A_53, %swap3A_54], %broadcast_in_dim3A_3 {strides = array<i32>} : memref<321x64xi32, #tpu.memory_space<vmem>>, vector<16xi32>,
      %swap3A_56 = arith.index_cast %scan3A_46 : i32 to index
      %swap3A_57 = arith.constant 48 : index
      %swap3A_58 = tpu.vector_load %arg8[%swap3A_56, %swap3A_57] {strides = array<i32>} : memref<321x64xi32, #tpu.memory_space<vmem>>, vector<16xi32>,
      tpu.vector_store %arg8[%swap3A_56, %swap3A_57], %broadcast_in_dim3A_3 {strides = array<i32>} : memref<321x64xi32, #tpu.memory_space<vmem>>, vector<16xi32>,
      %scan3A_59 = arith.constant 0 : i32
      scf.yield %scan3A_59 : i32
    }
    %scan3A_9 = arith.constant 321 : i32
    %rem3A = arith.constant 0 : i32
    %rem3A_10 = arith.constant 2 : i32
    %rem3A_11 = arith.remsi %rem3A, %rem3A_10 : i32
    %dma_start3A = arith.constant 0 : i32
    %dma_start3A_12 = tpu.memref_slice %arg9[%rem3A_11, %dma_start3A] : memref<2x3200xi32, #tpu.memory_space<vmem>> -> memref<1x3200xi32, #tpu.memory_space<vmem>>
    %dma_start3A_13 = tpu.memref_squeeze %dma_start3A_12 : memref<1x3200xi32, #tpu.memory_space<vmem>> -> memref<3200xi32, #tpu.memory_space<vmem>>
    %dma_start3A_14 = arith.constant 0 : i32
    %dma_start3A_15 = tpu.memref_slice %arg5[%dma_start3A_14] : memref<320000xi32, #tpu.memory_space<hbm>> -> memref<3200xi32, #tpu.memory_space<hbm>>
    %dma_start3A_16 = arith.constant 0 : i32
    %dma_start3A_17 = tpu.memref_slice %arg9[%rem3A_11, %dma_start3A_16] : memref<2x3200xi32, #tpu.memory_space<vmem>> -> memref<1x3200xi32, #tpu.memory_space<vmem>>
    %dma_start3A_18 = tpu.memref_squeeze %dma_start3A_17 : memref<1x3200xi32, #tpu.memory_space<vmem>> -> memref<3200xi32, #tpu.memory_space<vmem>>
    %dma_start3A_19 = arith.constant 0 : i32
    %dma_start3A_20 = tpu.memref_slice %arg5[%dma_start3A_19] : memref<320000xi32, #tpu.memory_space<hbm>> -> memref<3200xi32, #tpu.memory_space<hbm>>
    tpu.enqueue_dma source(%dma_start3A_20 : memref<3200xi32, #tpu.memory_space<hbm>>) target(%dma_start3A_18 : memref<3200xi32, #tpu.memory_space<vmem>>) target_semaphore(%arg17 : memref<!tpu.dma_semaphore, #tpu.memory_space<semaphore_mem>>)
    %dma_start3A_21 = arith.constant 0 : i32
    %dma_start3A_22 = tpu.memref_slice %arg10[%rem3A_11, %dma_start3A_21] : memref<2x3200xi32, #tpu.memory_space<vmem>> -> memref<1x3200xi32, #tpu.memory_space<vmem>>
    %dma_start3A_23 = tpu.memref_squeeze %dma_start3A_22 : memref<1x3200xi32, #tpu.memory_space<vmem>> -> memref<3200xi32, #tpu.memory_space<vmem>>
    %dma_start3A_24 = arith.constant 0 : i32
    %dma_start3A_25 = tpu.memref_slice %arg4[%dma_start3A_24] : memref<320000xi32, #tpu.memory_space<hbm>> -> memref<3200xi32, #tpu.memory_space<hbm>>
    %dma_start3A_26 = arith.constant 0 : i32
    %dma_start3A_27 = tpu.memref_slice %arg10[%rem3A_11, %dma_start3A_26] : memref<2x3200xi32, #tpu.memory_space<vmem>> -> memref<1x3200xi32, #tpu.memory_space<vmem>>
    %dma_start3A_28 = tpu.memref_squeeze %dma_start3A_27 : memref<1x3200xi32, #tpu.memory_space<vmem>> -> memref<3200xi32, #tpu.memory_space<vmem>>
    %dma_start3A_29 = arith.constant 0 : i32
    %dma_start3A_30 = tpu.memref_slice %arg4[%dma_start3A_29] : memref<320000xi32, #tpu.memory_space<hbm>> -> memref<3200xi32, #tpu.memory_space<hbm>>
    tpu.enqueue_dma source(%dma_start3A_30 : memref<3200xi32, #tpu.memory_space<hbm>>) target(%dma_start3A_28 : memref<3200xi32, #tpu.memory_space<vmem>>) target_semaphore(%arg18 : memref<!tpu.dma_semaphore, #tpu.memory_space<semaphore_mem>>)
    %scan3A_31 = arith.constant 320 : i32
    %scan3A_32 = arith.constant 0 : i32
    %scan3A_33 = arith.constant 0 : i32
    %scan3A_34 = arith.constant 100 : i32
    %scan3A_35 = arith.addi %scan3A_33, %scan3A_34 : i32
    %scan3A_36 = arith.constant 1 : i32
    %scan3A_37 = scf.for %scan3A_46 = %scan3A_33 to %scan3A_35 step %scan3A_36 iter_args(%scan3A_47 = %scan3A_32) -> (i32)  : i32 {
      %rem3A_48 = arith.constant 2 : i32
      %rem3A_49 = arith.remsi %scan3A_46, %rem3A_48 : i32
      %mul3A_50 = arith.constant 3200 : i32
      %mul3A_51 = arith.muli %scan3A_46, %mul3A_50 : i32
      %dma_wait3A = arith.constant 0 : i32
      %dma_wait3A_52 = tpu.memref_slice %arg9[%rem3A_49, %dma_wait3A] : memref<2x3200xi32, #tpu.memory_space<vmem>> -> memref<1x3200xi32, #tpu.memory_space<vmem>>
      %dma_wait3A_53 = tpu.memref_squeeze %dma_wait3A_52 : memref<1x3200xi32, #tpu.memory_space<vmem>> -> memref<3200xi32, #tpu.memory_space<vmem>>
      %dma_wait3A_54 = tpu.memref_slice %arg5[%mul3A_51] : memref<320000xi32, #tpu.memory_space<hbm>> -> memref<3200xi32, #tpu.memory_space<hbm>>
      %dma_wait3A_55 = arith.constant 0 : i32
      %dma_wait3A_56 = tpu.memref_slice %arg9[%rem3A_49, %dma_wait3A_55] : memref<2x3200xi32, #tpu.memory_space<vmem>> -> memref<1x3200xi32, #tpu.memory_space<vmem>>
      %dma_wait3A_57 = tpu.memref_squeeze %dma_wait3A_56 : memref<1x3200xi32, #tpu.memory_space<vmem>> -> memref<3200xi32, #tpu.memory_space<vmem>>
      %dma_wait3A_58 = tpu.memref_slice %arg5[%mul3A_51] : memref<320000xi32, #tpu.memory_space<hbm>> -> memref<3200xi32, #tpu.memory_space<hbm>>
      tpu.wait_dma2 semaphore(%arg17 : memref<!tpu.dma_semaphore, #tpu.memory_space<semaphore_mem>>) src(%dma_wait3A_58 : memref<3200xi32, #tpu.memory_space<hbm>>) dst(%dma_wait3A_57 : memref<3200xi32, #tpu.memory_space<vmem>>)
      %dma_wait3A_59 = arith.constant 0 : i32
      %dma_wait3A_60 = tpu.memref_slice %arg10[%rem3A_49, %dma_wait3A_59] : memref<2x3200xi32, #tpu.memory_space<vmem>> -> memref<1x3200xi32, #tpu.memory_space<vmem>>
      %dma_wait3A_61 = tpu.memref_squeeze %dma_wait3A_60 : memref<1x3200xi32, #tpu.memory_space<vmem>> -> memref<3200xi32, #tpu.memory_space<vmem>>
      %dma_wait3A_62 = tpu.memref_slice %arg4[%mul3A_51] : memref<320000xi32, #tpu.memory_space<hbm>> -> memref<3200xi32, #tpu.memory_space<hbm>>
      %dma_wait3A_63 = arith.constant 0 : i32
      %dma_wait3A_64 = tpu.memref_slice %arg10[%rem3A_49, %dma_wait3A_63] : memref<2x3200xi32, #tpu.memory_space<vmem>> -> memref<1x3200xi32, #tpu.memory_space<vmem>>
      %dma_wait3A_65 = tpu.memref_squeeze %dma_wait3A_64 : memref<1x3200xi32, #tpu.memory_space<vmem>> -> memref<3200xi32, #tpu.memory_space<vmem>>
      %dma_wait3A_66 = tpu.memref_slice %arg4[%mul3A_51] : memref<320000xi32, #tpu.memory_space<hbm>> -> memref<3200xi32, #tpu.memory_space<hbm>>
      tpu.wait_dma2 semaphore(%arg18 : memref<!tpu.dma_semaphore, #tpu.memory_space<semaphore_mem>>) src(%dma_wait3A_66 : memref<3200xi32, #tpu.memory_space<hbm>>) dst(%dma_wait3A_65 : memref<3200xi32, #tpu.memory_space<vmem>>)
      %add3A_67 = arith.constant 1 : i32
      %add3A_68 = arith.addi %scan3A_46, %add3A_67 : i32
      %lt3A = arith.constant 100 : i32
      %lt3A_69 = arith.cmpi slt, %add3A_68, %lt3A : i32
      %convert_element_type3A = arith.extui %lt3A_69 : i1 to i32
      %cond3A = arith.constant 0 : i32
      %cond3A_70 = arith.cmpi ne, %convert_element_type3A, %cond3A : i32
      scf.if %cond3A_70 {
        %add3A_159 = arith.constant 1 : i32
        %add3A_160 = arith.addi %scan3A_46, %add3A_159 : i32
        %mul3A_161 = arith.constant 3200 : i32
        %mul3A_162 = arith.muli %add3A_160, %mul3A_161 : i32
        %rem3A_163 = arith.constant 2 : i32
        %rem3A_164 = arith.remsi %add3A_160, %rem3A_163 : i32
        %dma_start3A_165 = arith.constant 0 : i32
        %dma_start3A_166 = tpu.memref_slice %arg9[%rem3A_164, %dma_start3A_165] : memref<2x3200xi32, #tpu.memory_space<vmem>> -> memref<1x3200xi32, #tpu.memory_space<vmem>>
        %dma_start3A_167 = tpu.memref_squeeze %dma_start3A_166 : memref<1x3200xi32, #tpu.memory_space<vmem>> -> memref<3200xi32, #tpu.memory_space<vmem>>
        %dma_start3A_168 = tpu.memref_slice %arg5[%mul3A_162] : memref<320000xi32, #tpu.memory_space<hbm>> -> memref<3200xi32, #tpu.memory_space<hbm>>
        %dma_start3A_169 = arith.constant 0 : i32
        %dma_start3A_170 = tpu.memref_slice %arg9[%rem3A_164, %dma_start3A_169] : memref<2x3200xi32, #tpu.memory_space<vmem>> -> memref<1x3200xi32, #tpu.memory_space<vmem>>
        %dma_start3A_171 = tpu.memref_squeeze %dma_start3A_170 : memref<1x3200xi32, #tpu.memory_space<vmem>> -> memref<3200xi32, #tpu.memory_space<vmem>>
        %dma_start3A_172 = tpu.memref_slice %arg5[%mul3A_162] : memref<320000xi32, #tpu.memory_space<hbm>> -> memref<3200xi32, #tpu.memory_space<hbm>>
        tpu.enqueue_dma source(%dma_start3A_172 : memref<3200xi32, #tpu.memory_space<hbm>>) target(%dma_start3A_171 : memref<3200xi32, #tpu.memory_space<vmem>>) target_semaphore(%arg17 : memref<!tpu.dma_semaphore, #tpu.memory_space<semaphore_mem>>)
        %dma_start3A_173 = arith.constant 0 : i32
        %dma_start3A_174 = tpu.memref_slice %arg10[%rem3A_164, %dma_start3A_173] : memref<2x3200xi32, #tpu.memory_space<vmem>> -> memref<1x3200xi32, #tpu.memory_space<vmem>>
        %dma_start3A_175 = tpu.memref_squeeze %dma_start3A_174 : memref<1x3200xi32, #tpu.memory_space<vmem>> -> memref<3200xi32, #tpu.memory_space<vmem>>
        %dma_start3A_176 = tpu.memref_slice %arg4[%mul3A_162] : memref<320000xi32, #tpu.memory_space<hbm>> -> memref<3200xi32, #tpu.memory_space<hbm>>
        %dma_start3A_177 = arith.constant 0 : i32
        %dma_start3A_178 = tpu.memref_slice %arg10[%rem3A_164, %dma_start3A_177] : memref<2x3200xi32, #tpu.memory_space<vmem>> -> memref<1x3200xi32, #tpu.memory_space<vmem>>
        %dma_start3A_179 = tpu.memref_squeeze %dma_start3A_178 : memref<1x3200xi32, #tpu.memory_space<vmem>> -> memref<3200xi32, #tpu.memory_space<vmem>>
        %dma_start3A_180 = tpu.memref_slice %arg4[%mul3A_162] : memref<320000xi32, #tpu.memory_space<hbm>> -> memref<3200xi32, #tpu.memory_space<hbm>>
        tpu.enqueue_dma source(%dma_start3A_180 : memref<3200xi32, #tpu.memory_space<hbm>>) target(%dma_start3A_179 : memref<3200xi32, #tpu.memory_space<vmem>>) target_semaphore(%arg18 : memref<!tpu.dma_semaphore, #tpu.memory_space<semaphore_mem>>)
      } else {
      }
      %broadcast_in_dim3A_71 = arith.constant 0 : i32
      %broadcast_in_dim3A_72 = vector.broadcast %broadcast_in_dim3A_71 : i32 to vector<16xi32>
      %scan3A_73 = arith.constant 0 : i32
      %scan3A_74 = arith.constant 200 : i32
      %scan3A_75 = arith.addi %scan3A_73, %scan3A_74 : i32
      %scan3A_76 = arith.constant 1 : i32
      %scan3A_77 = scf.for %scan3A_159 = %scan3A_73 to %scan3A_75 step %scan3A_76 iter_args(%scan3A_160 = %broadcast_in_dim3A_72) -> (vector<16xi32>)  : i32 {
        %mul3A_161 = arith.constant 16 : i32
        %mul3A_162 = arith.muli %scan3A_159, %mul3A_161 : i32
        %get3A = arith.index_cast %rem3A_49 : i32 to index
        %get3A_163 = arith.index_cast %mul3A_162 : i32 to index
        %get3A_164 = tpu.vector_load %arg9[%get3A, %get3A_163] {strides = array<i32>} : memref<2x3200xi32, #tpu.memory_space<vmem>>, vector<16xi32>,
        %mul3A_165 = arith.constant 16 : i32
        %mul3A_166 = arith.muli %scan3A_159, %mul3A_165 : i32
        %get3A_167 = arith.index_cast %rem3A_49 : i32 to index
        %get3A_168 = arith.index_cast %mul3A_166 : i32 to index
        %get3A_169 = tpu.vector_load %arg10[%get3A_167, %get3A_168] {strides = array<i32>} : memref<2x3200xi32, #tpu.memory_space<vmem>>, vector<16xi32>,
        %sub3A_170 = vector.broadcast %mul3A_2 : i32 to vector<16xi32>
        %sub3A_171 = arith.subi %get3A_164, %sub3A_170 : vector<16xi32>
        %bitcast3A = vector.bitcast %sub3A_171 : vector<16xi32> to vector<16xi32>
        %lt3A_172 = vector.broadcast %scan3A_31 : i32 to vector<16xi32>
        %lt3A_173 = arith.cmpi ult, %bitcast3A, %lt3A_172 : vector<16xi32>
        %convert_element_type3A_174 = arith.extui %lt3A_173 : vector<16xi1> to vector<16xi32>
        %broadcast_in_dim3A_175 = arith.constant true
        %broadcast_in_dim3A_176 = vector.broadcast %broadcast_in_dim3A_175 : i1 to vector<16xi1>
        %masked_cumsum3A = tpu.scan <sum>, %convert_element_type3A_174 masked %broadcast_in_dim3A_176 : vector<16xi32>, vector<16xi1> -> vector<16xi32>
        %add3A_177 = arith.addi %scan3A_160, %masked_cumsum3A : vector<16xi32>
        %sub3A_178 = arith.constant 1 : i32
        %sub3A_179 = vector.broadcast %sub3A_178 : i32 to vector<16xi32>
        %sub3A_180 = arith.subi %add3A_177, %sub3A_179 : vector<16xi32>
        tpu.vector_store_idx %arg11[%sub3A_180], %sub3A_171 masked %lt3A_173 : memref<3264xi32, #tpu.memory_space<vmem>>[vector<16xi32>], vector<16xi32>, vector<16xi1>
        tpu.vector_store_idx %arg12[%sub3A_180], %get3A_169 masked %lt3A_173 : memref<3264xi32, #tpu.memory_space<vmem>>[vector<16xi32>], vector<16xi32>, vector<16xi1>
        %all_reduce_population_count3A = tpu.all_reduce %lt3A_173 {dim = 0 : i64, kind = #tpu.reduction_kind<sum>} : vector<16xi1> -> vector<16xi32>
        %add3A_181 = arith.addi %scan3A_160, %all_reduce_population_count3A : vector<16xi32>
        scf.yield %add3A_181 : vector<16xi32>
      }
      %scan3A_78 = arith.constant 200 : i32
      %slice3A = vector.extract_strided_slice %scan3A_77 {offsets = [0], sizes = [1], strides = [1]} : vector<16xi32> to vector<1xi32>
      %squeeze3A = vector.extract %slice3A[0] : i32 from vector<1xi32>
      %broadcast_in_dim3A_79 = arith.constant 320 : i32
      %broadcast_in_dim3A_80 = vector.broadcast %broadcast_in_dim3A_79 : i32 to vector<16xi32>
      %add3A_81 = arith.constant 0 : i32
      %add3A_82 = arith.addi %squeeze3A, %add3A_81 : i32
      %swap3A = arith.index_cast %add3A_82 : i32 to index
      %swap3A_83 = tpu.vector_load %arg11[%swap3A] {strides = array<i32>} : memref<3264xi32, #tpu.memory_space<vmem>>, vector<16xi32>,
      tpu.vector_store %arg11[%swap3A], %broadcast_in_dim3A_80 {strides = array<i32>} : memref<3264xi32, #tpu.memory_space<vmem>>, vector<16xi32>,
      %broadcast_in_dim3A_84 = arith.constant 0 : i32
      %broadcast_in_dim3A_85 = vector.broadcast %broadcast_in_dim3A_84 : i32 to vector<16xi32>
      %add3A_86 = arith.constant 0 : i32
      %add3A_87 = arith.addi %squeeze3A, %add3A_86 : i32
      %swap3A_88 = arith.index_cast %add3A_87 : i32 to index
      %swap3A_89 = tpu.vector_load %arg12[%swap3A_88] {strides = array<i32>} : memref<3264xi32, #tpu.memory_space<vmem>>, vector<16xi32>,
      tpu.vector_store %arg12[%swap3A_88], %broadcast_in_dim3A_85 {strides = array<i32>} : memref<3264xi32, #tpu.memory_space<vmem>>, vector<16xi32>,
      %broadcast_in_dim3A_90 = arith.constant 320 : i32
      %broadcast_in_dim3A_91 = vector.broadcast %broadcast_in_dim3A_90 : i32 to vector<16xi32>
      %add3A_92 = arith.constant 16 : i32
      %add3A_93 = arith.addi %squeeze3A, %add3A_92 : i32
      %swap3A_94 = arith.index_cast %add3A_93 : i32 to index
      %swap3A_95 = tpu.vector_load %arg11[%swap3A_94] {strides = array<i32>} : memref<3264xi32, #tpu.memory_space<vmem>>, vector<16xi32>,
      tpu.vector_store %arg11[%swap3A_94], %broadcast_in_dim3A_91 {strides = array<i32>} : memref<3264xi32, #tpu.memory_space<vmem>>, vector<16xi32>,
      %broadcast_in_dim3A_96 = arith.constant 0 : i32
      %broadcast_in_dim3A_97 = vector.broadcast %broadcast_in_dim3A_96 : i32 to vector<16xi32>
      %add3A_98 = arith.constant 16 : i32
      %add3A_99 = arith.addi %squeeze3A, %add3A_98 : i32
      %swap3A_100 = arith.index_cast %add3A_99 : i32 to index
      %swap3A_101 = tpu.vector_load %arg12[%swap3A_100] {strides = array<i32>} : memref<3264xi32, #tpu.memory_space<vmem>>, vector<16xi32>,
      tpu.vector_store %arg12[%swap3A_100], %broadcast_in_dim3A_97 {strides = array<i32>} : memref<3264xi32, #tpu.memory_space<vmem>>, vector<16xi32>,
      %broadcast_in_dim3A_102 = arith.constant 320 : i32
      %broadcast_in_dim3A_103 = vector.broadcast %broadcast_in_dim3A_102 : i32 to vector<16xi32>
      %add3A_104 = arith.constant 32 : i32
      %add3A_105 = arith.addi %squeeze3A, %add3A_104 : i32
      %swap3A_106 = arith.index_cast %add3A_105 : i32 to index
      %swap3A_107 = tpu.vector_load %arg11[%swap3A_106] {strides = array<i32>} : memref<3264xi32, #tpu.memory_space<vmem>>, vector<16xi32>,
      tpu.vector_store %arg11[%swap3A_106], %broadcast_in_dim3A_103 {strides = array<i32>} : memref<3264xi32, #tpu.memory_space<vmem>>, vector<16xi32>,
      %broadcast_in_dim3A_108 = arith.constant 0 : i32
      %broadcast_in_dim3A_109 = vector.broadcast %broadcast_in_dim3A_108 : i32 to vector<16xi32>
      %add3A_110 = arith.constant 32 : i32
      %add3A_111 = arith.addi %squeeze3A, %add3A_110 : i32
      %swap3A_112 = arith.index_cast %add3A_111 : i32 to index
      %swap3A_113 = tpu.vector_load %arg12[%swap3A_112] {strides = array<i32>} : memref<3264xi32, #tpu.memory_space<vmem>>, vector<16xi32>,
      tpu.vector_store %arg12[%swap3A_112], %broadcast_in_dim3A_109 {strides = array<i32>} : memref<3264xi32, #tpu.memory_space<vmem>>, vector<16xi32>,
      %broadcast_in_dim3A_114 = arith.constant 320 : i32
      %broadcast_in_dim3A_115 = vector.broadcast %broadcast_in_dim3A_114 : i32 to vector<16xi32>
      %add3A_116 = arith.constant 48 : i32
      %add3A_117 = arith.addi %squeeze3A, %add3A_116 : i32
      %swap3A_118 = arith.index_cast %add3A_117 : i32 to index
      %swap3A_119 = tpu.vector_load %arg11[%swap3A_118] {strides = array<i32>} : memref<3264xi32, #tpu.memory_space<vmem>>, vector<16xi32>,
      tpu.vector_store %arg11[%swap3A_118], %broadcast_in_dim3A_115 {strides = array<i32>} : memref<3264xi32, #tpu.memory_space<vmem>>, vector<16xi32>,
      %broadcast_in_dim3A_120 = arith.constant 0 : i32
      %broadcast_in_dim3A_121 = vector.broadcast %broadcast_in_dim3A_120 : i32 to vector<16xi32>
      %add3A_122 = arith.constant 48 : i32
      %add3A_123 = arith.addi %squeeze3A, %add3A_122 : i32
      %swap3A_124 = arith.index_cast %add3A_123 : i32 to index
      %swap3A_125 = tpu.vector_load %arg12[%swap3A_124] {strides = array<i32>} : memref<3264xi32, #tpu.memory_space<vmem>>, vector<16xi32>,
      tpu.vector_store %arg12[%swap3A_124], %broadcast_in_dim3A_121 {strides = array<i32>} : memref<3264xi32, #tpu.memory_space<vmem>>, vector<16xi32>,
      %add3A_126 = arith.constant 64 : i32
      %add3A_127 = arith.addi %squeeze3A, %add3A_126 : i32
      %sub3A = arith.constant 1 : i32
      %sub3A_128 = arith.subi %add3A_127, %sub3A : i32
      %jit3A = arith.constant 64 : i32
      %div3A = arith.divsi %sub3A_128, %jit3A : i32
      %sign3A = arith.constant 0 : i32
      %sign3A_129 = arith.cmpi sgt, %sub3A_128, %sign3A : i32
      %sign3A_130 = arith.extui %sign3A_129 : i1 to i32
      %sign3A_131 = arith.constant 0 : i32
      %sign3A_132 = arith.cmpi slt, %sub3A_128, %sign3A_131 : i32
      %sign3A_133 = arith.extui %sign3A_132 : i1 to i32
      %sign3A_134 = arith.subi %sign3A_130, %sign3A_133 : i32
      %sign3A_135 = arith.constant 0 : i32
      %sign3A_136 = arith.cmpi sgt, %jit3A, %sign3A_135 : i32
      %sign3A_137 = arith.extui %sign3A_136 : i1 to i32
      %sign3A_138 = arith.constant 0 : i32
      %sign3A_139 = arith.cmpi slt, %jit3A, %sign3A_138 : i32
      %sign3A_140 = arith.extui %sign3A_139 : i1 to i32
      %sign3A_141 = arith.subi %sign3A_137, %sign3A_140 : i32
      %ne3A = arith.cmpi ne, %sign3A_134, %sign3A_141 : i32
      %rem3A_142 = arith.remsi %sub3A_128, %jit3A : i32
      %ne3A_143 = arith.constant 0 : i32
      %ne3A_144 = arith.cmpi ne, %rem3A_142, %ne3A_143 : i32
      %and3A = arith.andi %ne3A, %ne3A_144 : i1
      %sub3A_145 = arith.constant 1 : i32
      %sub3A_146 = arith.subi %div3A, %sub3A_145 : i32
      %select_n3A = arith.select %and3A, %sub3A_146, %div3A : i32
      %while3A = arith.constant 0 : i32
      %while3A_147 = arith.constant 0 : i32
      %while3A_148 = arith.subi %select_n3A, %while3A : i32
      %while3A_149 = arith.addi %while3A, %while3A_148 : i32
      %while3A_150 = arith.constant 1 : i32
      %while3A_151 = arith.divsi %while3A_148, %while3A_150 : i32
      %while3A_152 = arith.muli %while3A_151, %while3A_150 : i32
      %while3A_153 = arith.addi %while3A, %while3A_152 : i32
      %while3A_154 = arith.constant 1 : i32
      %while3A_155 = scf.for %while3A_159 = %while3A to %while3A_153 step %while3A_154 iter_args(%while3A_160 = %while3A_147) -> (i32)  : i32 {
        %mul3A_161 = arith.constant 64 : i32
        %mul3A_162 = arith.muli %while3A_159, %mul3A_161 : i32
        %dma_start3A_163 = tpu.memref_slice %arg12[%mul3A_162] : memref<3264xi32, #tpu.memory_space<vmem>> -> memref<64xi32, #tpu.memory_space<vmem>>
        %dma_start3A_164 = arith.constant 0 : i32
        %dma_start3A_165 = arith.constant 0 : i32
        %dma_start3A_166 = tpu.memref_slice %arg3[%dma_start3A_164, %dma_start3A_165] : memref<10240x64xi32, #tpu.memory_space<hbm>> -> memref<10240x64xi32, #tpu.memory_space<hbm>>
        tpu.enqueue_indirect_dma source(%dma_start3A_166 : memref<10240x64xi32, #tpu.memory_space<hbm>>) target(%arg13 : memref<64x64xi32, #tpu.memory_space<vmem>>) offsets(%dma_start3A_163 : memref<64xi32, #tpu.memory_space<vmem>>) semaphore(%arg19 : memref<!tpu.dma_semaphore, #tpu.memory_space<semaphore_mem>>)
        %dma_wait3A_167 = tpu.memref_slice %arg12[%mul3A_162] : memref<3264xi32, #tpu.memory_space<vmem>> -> memref<64xi32, #tpu.memory_space<vmem>>
        %dma_wait3A_168 = arith.constant 0 : i32
        %dma_wait3A_169 = arith.constant 0 : i32
        %dma_wait3A_170 = tpu.memref_slice %arg3[%dma_wait3A_168, %dma_wait3A_169] : memref<10240x64xi32, #tpu.memory_space<hbm>> -> memref<10240x64xi32, #tpu.memory_space<hbm>>
        tpu.wait_indirect_dma semaphore(%arg19 : memref<!tpu.dma_semaphore, #tpu.memory_space<semaphore_mem>>) src(%dma_wait3A_170 : memref<10240x64xi32, #tpu.memory_space<hbm>>) dst(%arg13 : memref<64x64xi32, #tpu.memory_space<vmem>>)
        %scan3A_171 = arith.constant 0 : i32
        %scan3A_172 = arith.constant 0 : i32
        %scan3A_173 = arith.constant 4 : i32
        %scan3A_174 = arith.addi %scan3A_172, %scan3A_173 : i32
        %scan3A_175 = arith.constant 1 : i32
        %scan3A_176 = scf.for %scan3A_179 = %scan3A_172 to %scan3A_174 step %scan3A_175 iter_args(%scan3A_180 = %scan3A_171) -> (i32)  : i32 {
          %mul3A_181 = arith.constant 64 : i32
          %mul3A_182 = arith.muli %while3A_159, %mul3A_181 : i32
          %mul3A_183 = arith.constant 16 : i32
          %mul3A_184 = arith.muli %scan3A_179, %mul3A_183 : i32
          %add3A_185 = arith.addi %mul3A_182, %mul3A_184 : i32
          %get3A = arith.index_cast %add3A_185 : i32 to index
          %get3A_186 = tpu.vector_load %arg11[%get3A] {strides = array<i32>} : memref<3264xi32, #tpu.memory_space<vmem>>, vector<16xi32>,
          %broadcast_in_dim3A_187 = arith.constant 0 : i32
          %broadcast_in_dim3A_188 = vector.broadcast %broadcast_in_dim3A_187 : i32 to vector<16x1xi32>
          %gather3A = vector.shape_cast %broadcast_in_dim3A_188 : vector<16x1xi32> to vector<16xi32>
          %gather3A_189 = tpu.dynamic_gather %get3A_186[%gather3A] in [0] : vector<16xi32>, vector<16xi32> -> vector<16xi32>
          %add3A_190 = arith.constant 0 : i32
          %add3A_191 = vector.broadcast %add3A_190 : i32 to vector<16xi32>
          %add3A_192 = arith.addi %iota3A, %add3A_191 : vector<16xi32>
          %gather3A_193 = tpu.vector_load_idx %arg8[%gather3A_189, %add3A_192] : memref<321x64xi32, #tpu.memory_space<vmem>>[vector<16xi32>, vector<16xi32>], vector<16xi32>,
          %bitcast3A = vector.bitcast %gather3A_193 : vector<16xi32> to vector<32xbf16>
          %mul3A_194 = arith.constant 16 : i32
          %mul3A_195 = arith.muli %scan3A_179, %mul3A_194 : i32
          %add3A_196 = arith.constant 0 : i32
          %add3A_197 = arith.addi %mul3A_195, %add3A_196 : i32
          %get3A_198 = arith.index_cast %add3A_197 : i32 to index
          %get3A_199 = arith.constant 0 : index
          %get3A_200 = tpu.vector_load %arg13[%get3A_198, %get3A_199] {strides = array<i32>} : memref<64x64xi32, #tpu.memory_space<vmem>>, vector<16xi32>,
          %bitcast3A_201 = vector.bitcast %get3A_200 : vector<16xi32> to vector<32xbf16>
          %max3A = arith.maximumf %bitcast3A, %bitcast3A_201 : vector<32xbf16>
          %bitcast3A_202 = vector.bitcast %max3A : vector<32xbf16> to vector<16xi32>
          tpu.vector_store_idx %arg8[%gather3A_189, %add3A_192], %bitcast3A_202 : memref<321x64xi32, #tpu.memory_space<vmem>>[vector<16xi32>, vector<16xi32>], vector<16xi32>,
          %add3A_203 = arith.constant 16 : i32
          %add3A_204 = vector.broadcast %add3A_203 : i32 to vector<16xi32>
          %add3A_205 = arith.addi %iota3A, %add3A_204 : vector<16xi32>
          %gather3A_206 = tpu.vector_load_idx %arg8[%gather3A_189, %add3A_205] : memref<321x64xi32, #tpu.memory_space<vmem>>[vector<16xi32>, vector<16xi32>], vector<16xi32>,
          %bitcast3A_207 = vector.bitcast %gather3A_206 : vector<16xi32> to vector<32xbf16>
          %mul3A_208 = arith.constant 16 : i32
          %mul3A_209 = arith.muli %scan3A_179, %mul3A_208 : i32
          %add3A_210 = arith.constant 0 : i32
          %add3A_211 = arith.addi %mul3A_209, %add3A_210 : i32
          %get3A_212 = arith.index_cast %add3A_211 : i32 to index
          %get3A_213 = arith.constant 16 : index
          %get3A_214 = tpu.vector_load %arg13[%get3A_212, %get3A_213] {strides = array<i32>} : memref<64x64xi32, #tpu.memory_space<vmem>>, vector<16xi32>,
          %bitcast3A_215 = vector.bitcast %get3A_214 : vector<16xi32> to vector<32xbf16>
          %max3A_216 = arith.maximumf %bitcast3A_207, %bitcast3A_215 : vector<32xbf16>
          %bitcast3A_217 = vector.bitcast %max3A_216 : vector<32xbf16> to vector<16xi32>
          tpu.vector_store_idx %arg8[%gather3A_189, %add3A_205], %bitcast3A_217 : memref<321x64xi32, #tpu.memory_space<vmem>>[vector<16xi32>, vector<16xi32>], vector<16xi32>,
          %add3A_218 = arith.constant 32 : i32
          %add3A_219 = vector.broadcast %add3A_218 : i32 to vector<16xi32>
          %add3A_220 = arith.addi %iota3A, %add3A_219 : vector<16xi32>
          %gather3A_221 = tpu.vector_load_idx %arg8[%gather3A_189, %add3A_220] : memref<321x64xi32, #tpu.memory_space<vmem>>[vector<16xi32>, vector<16xi32>], vector<16xi32>,
          %bitcast3A_222 = vector.bitcast %gather3A_221 : vector<16xi32> to vector<32xbf16>
          %mul3A_223 = arith.constant 16 : i32
          %mul3A_224 = arith.muli %scan3A_179, %mul3A_223 : i32
          %add3A_225 = arith.constant 0 : i32
          %add3A_226 = arith.addi %mul3A_224, %add3A_225 : i32
          %get3A_227 = arith.index_cast %add3A_226 : i32 to index
          %get3A_228 = arith.constant 32 : index
          %get3A_229 = tpu.vector_load %arg13[%get3A_227, %get3A_228] {strides = array<i32>} : memref<64x64xi32, #tpu.memory_space<vmem>>, vector<16xi32>,
          %bitcast3A_230 = vector.bitcast %get3A_229 : vector<16xi32> to vector<32xbf16>
          %max3A_231 = arith.maximumf %bitcast3A_222, %bitcast3A_230 : vector<32xbf16>
          %bitcast3A_232 = vector.bitcast %max3A_231 : vector<32xbf16> to vector<16xi32>
          tpu.vector_store_idx %arg8[%gather3A_189, %add3A_220], %bitcast3A_232 : memref<321x64xi32, #tpu.memory_space<vmem>>[vector<16xi32>, vector<16xi32>], vector<16xi32>,
          %add3A_233 = arith.constant 48 : i32
          %add3A_234 = vector.broadcast %add3A_233 : i32 to vector<16xi32>
          %add3A_235 = arith.addi %iota3A, %add3A_234 : vector<16xi32>
          %gather3A_236 = tpu.vector_load_idx %arg8[%gather3A_189, %add3A_235] : memref<321x64xi32, #tpu.memory_space<vmem>>[vector<16xi32>, vector<16xi32>], vector<16xi32>,
          %bitcast3A_237 = vector.bitcast %gather3A_236 : vector<16xi32> to vector<32xbf16>
          %mul3A_238 = arith.constant 16 : i32
          %mul3A_239 = arith.muli %scan3A_179, %mul3A_238 : i32
          %add3A_240 = arith.constant 0 : i32
          %add3A_241 = arith.addi %mul3A_239, %add3A_240 : i32
          %get3A_242 = arith.index_cast %add3A_241 : i32 to index
          %get3A_243 = arith.constant 48 : index
          %get3A_244 = tpu.vector_load %arg13[%get3A_242, %get3A_243] {strides = array<i32>} : memref<64x64xi32, #tpu.memory_space<vmem>>, vector<16xi32>,
          %bitcast3A_245 = vector.bitcast %get3A_244 : vector<16xi32> to vector<32xbf16>
          %max3A_246 = arith.maximumf %bitcast3A_237, %bitcast3A_245 : vector<32xbf16>
          %bitcast3A_247 = vector.bitcast %max3A_246 : vector<32xbf16> to vector<16xi32>
          tpu.vector_store_idx %arg8[%gather3A_189, %add3A_235], %bitcast3A_247 : memref<321x64xi32, #tpu.memory_space<vmem>>[vector<16xi32>, vector<16xi32>], vector<16xi32>,
          %broadcast_in_dim3A_248 = arith.constant 1 : i32
          %broadcast_in_dim3A_249 = vector.broadcast %broadcast_in_dim3A_248 : i32 to vector<16x1xi32>
          %gather3A_250 = vector.shape_cast %broadcast_in_dim3A_249 : vector<16x1xi32> to vector<16xi32>
          %gather3A_251 = tpu.dynamic_gather %get3A_186[%gather3A_250] in [0] : vector<16xi32>, vector<16xi32> -> vector<16xi32>
          %add3A_252 = arith.constant 0 : i32
          %add3A_253 = vector.broadcast %add3A_252 : i32 to vector<16xi32>
          %add3A_254 = arith.addi %iota3A, %add3A_253 : vector<16xi32>
          %gather3A_255 = tpu.vector_load_idx %arg8[%gather3A_251, %add3A_254] : memref<321x64xi32, #tpu.memory_space<vmem>>[vector<16xi32>, vector<16xi32>], vector<16xi32>,
          %bitcast3A_256 = vector.bitcast %gather3A_255 : vector<16xi32> to vector<32xbf16>
          %mul3A_257 = arith.constant 16 : i32
          %mul3A_258 = arith.muli %scan3A_179, %mul3A_257 : i32
          %add3A_259 = arith.constant 1 : i32
          %add3A_260 = arith.addi %mul3A_258, %add3A_259 : i32
          %get3A_261 = arith.index_cast %add3A_260 : i32 to index
          %get3A_262 = arith.constant 0 : index
          %get3A_263 = tpu.vector_load %arg13[%get3A_261, %get3A_262] {strides = array<i32>} : memref<64x64xi32, #tpu.memory_space<vmem>>, vector<16xi32>,
          %bitcast3A_264 = vector.bitcast %get3A_263 : vector<16xi32> to vector<32xbf16>
          %max3A_265 = arith.maximumf %bitcast3A_256, %bitcast3A_264 : vector<32xbf16>
          %bitcast3A_266 = vector.bitcast %max3A_265 : vector<32xbf16> to vector<16xi32>
          tpu.vector_store_idx %arg8[%gather3A_251, %add3A_254], %bitcast3A_266 : memref<321x64xi32, #tpu.memory_space<vmem>>[vector<16xi32>, vector<16xi32>], vector<16xi32>,
          %add3A_267 = arith.constant 16 : i32
          %add3A_268 = vector.broadcast %add3A_267 : i32 to vector<16xi32>
          %add3A_269 = arith.addi %iota3A, %add3A_268 : vector<16xi32>
          %gather3A_270 = tpu.vector_load_idx %arg8[%gather3A_251, %add3A_269] : memref<321x64xi32, #tpu.memory_space<vmem>>[vector<16xi32>, vector<16xi32>], vector<16xi32>,
          %bitcast3A_271 = vector.bitcast %gather3A_270 : vector<16xi32> to vector<32xbf16>
          %mul3A_272 = arith.constant 16 : i32
          %mul3A_273 = arith.muli %scan3A_179, %mul3A_272 : i32
          %add3A_274 = arith.constant 1 : i32
          %add3A_275 = arith.addi %mul3A_273, %add3A_274 : i32
          %get3A_276 = arith.index_cast %add3A_275 : i32 to index
          %get3A_277 = arith.constant 16 : index
          %get3A_278 = tpu.vector_load %arg13[%get3A_276, %get3A_277] {strides = array<i32>} : memref<64x64xi32, #tpu.memory_space<vmem>>, vector<16xi32>,
          %bitcast3A_279 = vector.bitcast %get3A_278 : vector<16xi32> to vector<32xbf16>
          %max3A_280 = arith.maximumf %bitcast3A_271, %bitcast3A_279 : vector<32xbf16>
          %bitcast3A_281 = vector.bitcast %max3A_280 : vector<32xbf16> to vector<16xi32>
          tpu.vector_store_idx %arg8[%gather3A_251, %add3A_269], %bitcast3A_281 : memref<321x64xi32, #tpu.memory_space<vmem>>[vector<16xi32>, vector<16xi32>], vector<16xi32>,
          %add3A_282 = arith.constant 32 : i32
          %add3A_283 = vector.broadcast %add3A_282 : i32 to vector<16xi32>
          %add3A_284 = arith.addi %iota3A, %add3A_283 : vector<16xi32>
          %gather3A_285 = tpu.vector_load_idx %arg8[%gather3A_251, %add3A_284] : memref<321x64xi32, #tpu.memory_space<vmem>>[vector<16xi32>, vector<16xi32>], vector<16xi32>,
          %bitcast3A_286 = vector.bitcast %gather3A_285 : vector<16xi32> to vector<32xbf16>
          %mul3A_287 = arith.constant 16 : i32
          %mul3A_288 = arith.muli %scan3A_179, %mul3A_287 : i32
          %add3A_289 = arith.constant 1 : i32
          %add3A_290 = arith.addi %mul3A_288, %add3A_289 : i32
          %get3A_291 = arith.index_cast %add3A_290 : i32 to index
          %get3A_292 = arith.constant 32 : index
          %get3A_293 = tpu.vector_load %arg13[%get3A_291, %get3A_292] {strides = array<i32>} : memref<64x64xi32, #tpu.memory_space<vmem>>, vector<16xi32>,
          %bitcast3A_294 = vector.bitcast %get3A_293 : vector<16xi32> to vector<32xbf16>
          %max3A_295 = arith.maximumf %bitcast3A_286, %bitcast3A_294 : vector<32xbf16>
          %bitcast3A_296 = vector.bitcast %max3A_295 : vector<32xbf16> to vector<16xi32>
          tpu.vector_store_idx %arg8[%gather3A_251, %add3A_284], %bitcast3A_296 : memref<321x64xi32, #tpu.memory_space<vmem>>[vector<16xi32>, vector<16xi32>], vector<16xi32>,
          %add3A_297 = arith.constant 48 : i32
          %add3A_298 = vector.broadcast %add3A_297 : i32 to vector<16xi32>
          %add3A_299 = arith.addi %iota3A, %add3A_298 : vector<16xi32>
          %gather3A_300 = tpu.vector_load_idx %arg8[%gather3A_251, %add3A_299] : memref<321x64xi32, #tpu.memory_space<vmem>>[vector<16xi32>, vector<16xi32>], vector<16xi32>,
          %bitcast3A_301 = vector.bitcast %gather3A_300 : vector<16xi32> to vector<32xbf16>
          %mul3A_302 = arith.constant 16 : i32
          %mul3A_303 = arith.muli %scan3A_179, %mul3A_302 : i32
          %add3A_304 = arith.constant 1 : i32
          %add3A_305 = arith.addi %mul3A_303, %add3A_304 : i32
          %get3A_306 = arith.index_cast %add3A_305 : i32 to index
          %get3A_307 = arith.constant 48 : index
          %get3A_308 = tpu.vector_load %arg13[%get3A_306, %get3A_307] {strides = array<i32>} : memref<64x64xi32, #tpu.memory_space<vmem>>, vector<16xi32>,
          %bitcast3A_309 = vector.bitcast %get3A_308 : vector<16xi32> to vector<32xbf16>
          %max3A_310 = arith.maximumf %bitcast3A_301, %bitcast3A_309 : vector<32xbf16>
          %bitcast3A_311 = vector.bitcast %max3A_310 : vector<32xbf16> to vector<16xi32>
          tpu.vector_store_idx %arg8[%gather3A_251, %add3A_299], %bitcast3A_311 : memref<321x64xi32, #tpu.memory_space<vmem>>[vector<16xi32>, vector<16xi32>], vector<16xi32>,
          %broadcast_in_dim3A_312 = arith.constant 2 : i32
          %broadcast_in_dim3A_313 = vector.broadcast %broadcast_in_dim3A_312 : i32 to vector<16x1xi32>
          %gather3A_314 = vector.shape_cast %broadcast_in_dim3A_313 : vector<16x1xi32> to vector<16xi32>
          %gather3A_315 = tpu.dynamic_gather %get3A_186[%gather3A_314] in [0] : vector<16xi32>, vector<16xi32> -> vector<16xi32>
          %add3A_316 = arith.constant 0 : i32
          %add3A_317 = vector.broadcast %add3A_316 : i32 to vector<16xi32>
          %add3A_318 = arith.addi %iota3A, %add3A_317 : vector<16xi32>
          %gather3A_319 = tpu.vector_load_idx %arg8[%gather3A_315, %add3A_318] : memref<321x64xi32, #tpu.memory_space<vmem>>[vector<16xi32>, vector<16xi32>], vector<16xi32>,
          %bitcast3A_320 = vector.bitcast %gather3A_319 : vector<16xi32> to vector<32xbf16>
          %mul3A_321 = arith.constant 16 : i32
          %mul3A_322 = arith.muli %scan3A_179, %mul3A_321 : i32
          %add3A_323 = arith.constant 2 : i32
          %add3A_324 = arith.addi %mul3A_322, %add3A_323 : i32
          %get3A_325 = arith.index_cast %add3A_324 : i32 to index
          %get3A_326 = arith.constant 0 : index
          %get3A_327 = tpu.vector_load %arg13[%get3A_325, %get3A_326] {strides = array<i32>} : memref<64x64xi32, #tpu.memory_space<vmem>>, vector<16xi32>,
          %bitcast3A_328 = vector.bitcast %get3A_327 : vector<16xi32> to vector<32xbf16>
          %max3A_329 = arith.maximumf %bitcast3A_320, %bitcast3A_328 : vector<32xbf16>
          %bitcast3A_330 = vector.bitcast %max3A_329 : vector<32xbf16> to vector<16xi32>
          tpu.vector_store_idx %arg8[%gather3A_315, %add3A_318], %bitcast3A_330 : memref<321x64xi32, #tpu.memory_space<vmem>>[vector<16xi32>, vector<16xi32>], vector<16xi32>,
          %add3A_331 = arith.constant 16 : i32
          %add3A_332 = vector.broadcast %add3A_331 : i32 to vector<16xi32>
          %add3A_333 = arith.addi %iota3A, %add3A_332 : vector<16xi32>
          %gather3A_334 = tpu.vector_load_idx %arg8[%gather3A_315, %add3A_333] : memref<321x64xi32, #tpu.memory_space<vmem>>[vector<16xi32>, vector<16xi32>], vector<16xi32>,
          %bitcast3A_335 = vector.bitcast %gather3A_334 : vector<16xi32> to vector<32xbf16>
          %mul3A_336 = arith.constant 16 : i32
          %mul3A_337 = arith.muli %scan3A_179, %mul3A_336 : i32
          %add3A_338 = arith.constant 2 : i32
          %add3A_339 = arith.addi %mul3A_337, %add3A_338 : i32
          %get3A_340 = arith.index_cast %add3A_339 : i32 to index
          %get3A_341 = arith.constant 16 : index
          %get3A_342 = tpu.vector_load %arg13[%get3A_340, %get3A_341] {strides = array<i32>} : memref<64x64xi32, #tpu.memory_space<vmem>>, vector<16xi32>,
          %bitcast3A_343 = vector.bitcast %get3A_342 : vector<16xi32> to vector<32xbf16>
          %max3A_344 = arith.maximumf %bitcast3A_335, %bitcast3A_343 : vector<32xbf16>
          %bitcast3A_345 = vector.bitcast %max3A_344 : vector<32xbf16> to vector<16xi32>
          tpu.vector_store_idx %arg8[%gather3A_315, %add3A_333], %bitcast3A_345 : memref<321x64xi32, #tpu.memory_space<vmem>>[vector<16xi32>, vector<16xi32>], vector<16xi32>,
          %add3A_346 = arith.constant 32 : i32
          %add3A_347 = vector.broadcast %add3A_346 : i32 to vector<16xi32>
          %add3A_348 = arith.addi %iota3A, %add3A_347 : vector<16xi32>
          %gather3A_349 = tpu.vector_load_idx %arg8[%gather3A_315, %add3A_348] : memref<321x64xi32, #tpu.memory_space<vmem>>[vector<16xi32>, vector<16xi32>], vector<16xi32>,
          %bitcast3A_350 = vector.bitcast %gather3A_349 : vector<16xi32> to vector<32xbf16>
          %mul3A_351 = arith.constant 16 : i32
          %mul3A_352 = arith.muli %scan3A_179, %mul3A_351 : i32
          %add3A_353 = arith.constant 2 : i32
          %add3A_354 = arith.addi %mul3A_352, %add3A_353 : i32
          %get3A_355 = arith.index_cast %add3A_354 : i32 to index
          %get3A_356 = arith.constant 32 : index
          %get3A_357 = tpu.vector_load %arg13[%get3A_355, %get3A_356] {strides = array<i32>} : memref<64x64xi32, #tpu.memory_space<vmem>>, vector<16xi32>,
          %bitcast3A_358 = vector.bitcast %get3A_357 : vector<16xi32> to vector<32xbf16>
          %max3A_359 = arith.maximumf %bitcast3A_350, %bitcast3A_358 : vector<32xbf16>
          %bitcast3A_360 = vector.bitcast %max3A_359 : vector<32xbf16> to vector<16xi32>
          tpu.vector_store_idx %arg8[%gather3A_315, %add3A_348], %bitcast3A_360 : memref<321x64xi32, #tpu.memory_space<vmem>>[vector<16xi32>, vector<16xi32>], vector<16xi32>,
          %add3A_361 = arith.constant 48 : i32
          %add3A_362 = vector.broadcast %add3A_361 : i32 to vector<16xi32>
          %add3A_363 = arith.addi %iota3A, %add3A_362 : vector<16xi32>
          %gather3A_364 = tpu.vector_load_idx %arg8[%gather3A_315, %add3A_363] : memref<321x64xi32, #tpu.memory_space<vmem>>[vector<16xi32>, vector<16xi32>], vector<16xi32>,
          %bitcast3A_365 = vector.bitcast %gather3A_364 : vector<16xi32> to vector<32xbf16>
          %mul3A_366 = arith.constant 16 : i32
          %mul3A_367 = arith.muli %scan3A_179, %mul3A_366 : i32
          %add3A_368 = arith.constant 2 : i32
          %add3A_369 = arith.addi %mul3A_367, %add3A_368 : i32
          %get3A_370 = arith.index_cast %add3A_369 : i32 to index
          %get3A_371 = arith.constant 48 : index
          %get3A_372 = tpu.vector_load %arg13[%get3A_370, %get3A_371] {strides = array<i32>} : memref<64x64xi32, #tpu.memory_space<vmem>>, vector<16xi32>,
          %bitcast3A_373 = vector.bitcast %get3A_372 : vector<16xi32> to vector<32xbf16>
          %max3A_374 = arith.maximumf %bitcast3A_365, %bitcast3A_373 : vector<32xbf16>
          %bitcast3A_375 = vector.bitcast %max3A_374 : vector<32xbf16> to vector<16xi32>
          tpu.vector_store_idx %arg8[%gather3A_315, %add3A_363], %bitcast3A_375 : memref<321x64xi32, #tpu.memory_space<vmem>>[vector<16xi32>, vector<16xi32>], vector<16xi32>,
          %broadcast_in_dim3A_376 = arith.constant 3 : i32
          %broadcast_in_dim3A_377 = vector.broadcast %broadcast_in_dim3A_376 : i32 to vector<16x1xi32>
          %gather3A_378 = vector.shape_cast %broadcast_in_dim3A_377 : vector<16x1xi32> to vector<16xi32>
          %gather3A_379 = tpu.dynamic_gather %get3A_186[%gather3A_378] in [0] : vector<16xi32>, vector<16xi32> -> vector<16xi32>
          %add3A_380 = arith.constant 0 : i32
          %add3A_381 = vector.broadcast %add3A_380 : i32 to vector<16xi32>
          %add3A_382 = arith.addi %iota3A, %add3A_381 : vector<16xi32>
          %gather3A_383 = tpu.vector_load_idx %arg8[%gather3A_379, %add3A_382] : memref<321x64xi32, #tpu.memory_space<vmem>>[vector<16xi32>, vector<16xi32>], vector<16xi32>,
          %bitcast3A_384 = vector.bitcast %gather3A_383 : vector<16xi32> to vector<32xbf16>
          %mul3A_385 = arith.constant 16 : i32
          %mul3A_386 = arith.muli %scan3A_179, %mul3A_385 : i32
          %add3A_387 = arith.constant 3 : i32
          %add3A_388 = arith.addi %mul3A_386, %add3A_387 : i32
          %get3A_389 = arith.index_cast %add3A_388 : i32 to index
          %get3A_390 = arith.constant 0 : index
          %get3A_391 = tpu.vector_load %arg13[%get3A_389, %get3A_390] {strides = array<i32>} : memref<64x64xi32, #tpu.memory_space<vmem>>, vector<16xi32>,
          %bitcast3A_392 = vector.bitcast %get3A_391 : vector<16xi32> to vector<32xbf16>
          %max3A_393 = arith.maximumf %bitcast3A_384, %bitcast3A_392 : vector<32xbf16>
          %bitcast3A_394 = vector.bitcast %max3A_393 : vector<32xbf16> to vector<16xi32>
          tpu.vector_store_idx %arg8[%gather3A_379, %add3A_382], %bitcast3A_394 : memref<321x64xi32, #tpu.memory_space<vmem>>[vector<16xi32>, vector<16xi32>], vector<16xi32>,
          %add3A_395 = arith.constant 16 : i32
          %add3A_396 = vector.broadcast %add3A_395 : i32 to vector<16xi32>
          %add3A_397 = arith.addi %iota3A, %add3A_396 : vector<16xi32>
          %gather3A_398 = tpu.vector_load_idx %arg8[%gather3A_379, %add3A_397] : memref<321x64xi32, #tpu.memory_space<vmem>>[vector<16xi32>, vector<16xi32>], vector<16xi32>,
          %bitcast3A_399 = vector.bitcast %gather3A_398 : vector<16xi32> to vector<32xbf16>
          %mul3A_400 = arith.constant 16 : i32
          %mul3A_401 = arith.muli %scan3A_179, %mul3A_400 : i32
          %add3A_402 = arith.constant 3 : i32
          %add3A_403 = arith.addi %mul3A_401, %add3A_402 : i32
          %get3A_404 = arith.index_cast %add3A_403 : i32 to index
          %get3A_405 = arith.constant 16 : index
          %get3A_406 = tpu.vector_load %arg13[%get3A_404, %get3A_405] {strides = array<i32>} : memref<64x64xi32, #tpu.memory_space<vmem>>, vector<16xi32>,
          %bitcast3A_407 = vector.bitcast %get3A_406 : vector<16xi32> to vector<32xbf16>
          %max3A_408 = arith.maximumf %bitcast3A_399, %bitcast3A_407 : vector<32xbf16>
          %bitcast3A_409 = vector.bitcast %max3A_408 : vector<32xbf16> to vector<16xi32>
          tpu.vector_store_idx %arg8[%gather3A_379, %add3A_397], %bitcast3A_409 : memref<321x64xi32, #tpu.memory_space<vmem>>[vector<16xi32>, vector<16xi32>], vector<16xi32>,
          %add3A_410 = arith.constant 32 : i32
          %add3A_411 = vector.broadcast %add3A_410 : i32 to vector<16xi32>
          %add3A_412 = arith.addi %iota3A, %add3A_411 : vector<16xi32>
          %gather3A_413 = tpu.vector_load_idx %arg8[%gather3A_379, %add3A_412] : memref<321x64xi32, #tpu.memory_space<vmem>>[vector<16xi32>, vector<16xi32>], vector<16xi32>,
          %bitcast3A_414 = vector.bitcast %gather3A_413 : vector<16xi32> to vector<32xbf16>
          %mul3A_415 = arith.constant 16 : i32
          %mul3A_416 = arith.muli %scan3A_179, %mul3A_415 : i32
          %add3A_417 = arith.constant 3 : i32
          %add3A_418 = arith.addi %mul3A_416, %add3A_417 : i32
          %get3A_419 = arith.index_cast %add3A_418 : i32 to index
          %get3A_420 = arith.constant 32 : index
          %get3A_421 = tpu.vector_load %arg13[%get3A_419, %get3A_420] {strides = array<i32>} : memref<64x64xi32, #tpu.memory_space<vmem>>, vector<16xi32>,
          %bitcast3A_422 = vector.bitcast %get3A_421 : vector<16xi32> to vector<32xbf16>
          %max3A_423 = arith.maximumf %bitcast3A_414, %bitcast3A_422 : vector<32xbf16>
          %bitcast3A_424 = vector.bitcast %max3A_423 : vector<32xbf16> to vector<16xi32>
          tpu.vector_store_idx %arg8[%gather3A_379, %add3A_412], %bitcast3A_424 : memref<321x64xi32, #tpu.memory_space<vmem>>[vector<16xi32>, vector<16xi32>], vector<16xi32>,
          %add3A_425 = arith.constant 48 : i32
          %add3A_426 = vector.broadcast %add3A_425 : i32 to vector<16xi32>
          %add3A_427 = arith.addi %iota3A, %add3A_426 : vector<16xi32>
          %gather3A_428 = tpu.vector_load_idx %arg8[%gather3A_379, %add3A_427] : memref<321x64xi32, #tpu.memory_space<vmem>>[vector<16xi32>, vector<16xi32>], vector<16xi32>,
          %bitcast3A_429 = vector.bitcast %gather3A_428 : vector<16xi32> to vector<32xbf16>
          %mul3A_430 = arith.constant 16 : i32
          %mul3A_431 = arith.muli %scan3A_179, %mul3A_430 : i32
          %add3A_432 = arith.constant 3 : i32
          %add3A_433 = arith.addi %mul3A_431, %add3A_432 : i32
          %get3A_434 = arith.index_cast %add3A_433 : i32 to index
          %get3A_435 = arith.constant 48 : index
          %get3A_436 = tpu.vector_load %arg13[%get3A_434, %get3A_435] {strides = array<i32>} : memref<64x64xi32, #tpu.memory_space<vmem>>, vector<16xi32>,
          %bitcast3A_437 = vector.bitcast %get3A_436 : vector<16xi32> to vector<32xbf16>
          %max3A_438 = arith.maximumf %bitcast3A_429, %bitcast3A_437 : vector<32xbf16>
          %bitcast3A_439 = vector.bitcast %max3A_438 : vector<32xbf16> to vector<16xi32>
          tpu.vector_store_idx %arg8[%gather3A_379, %add3A_427], %bitcast3A_439 : memref<321x64xi32, #tpu.memory_space<vmem>>[vector<16xi32>, vector<16xi32>], vector<16xi32>,
          %broadcast_in_dim3A_440 = arith.constant 4 : i32
          %broadcast_in_dim3A_441 = vector.broadcast %broadcast_in_dim3A_440 : i32 to vector<16x1xi32>
          %gather3A_442 = vector.shape_cast %broadcast_in_dim3A_441 : vector<16x1xi32> to vector<16xi32>
          %gather3A_443 = tpu.dynamic_gather %get3A_186[%gather3A_442] in [0] : vector<16xi32>, vector<16xi32> -> vector<16xi32>
          %add3A_444 = arith.constant 0 : i32
          %add3A_445 = vector.broadcast %add3A_444 : i32 to vector<16xi32>
          %add3A_446 = arith.addi %iota3A, %add3A_445 : vector<16xi32>
          %gather3A_447 = tpu.vector_load_idx %arg8[%gather3A_443, %add3A_446] : memref<321x64xi32, #tpu.memory_space<vmem>>[vector<16xi32>, vector<16xi32>], vector<16xi32>,
          %bitcast3A_448 = vector.bitcast %gather3A_447 : vector<16xi32> to vector<32xbf16>
          %mul3A_449 = arith.constant 16 : i32
          %mul3A_450 = arith.muli %scan3A_179, %mul3A_449 : i32
          %add3A_451 = arith.constant 4 : i32
          %add3A_452 = arith.addi %mul3A_450, %add3A_451 : i32
          %get3A_453 = arith.index_cast %add3A_452 : i32 to index
          %get3A_454 = arith.constant 0 : index
          %get3A_455 = tpu.vector_load %arg13[%get3A_453, %get3A_454] {strides = array<i32>} : memref<64x64xi32, #tpu.memory_space<vmem>>, vector<16xi32>,
          %bitcast3A_456 = vector.bitcast %get3A_455 : vector<16xi32> to vector<32xbf16>
          %max3A_457 = arith.maximumf %bitcast3A_448, %bitcast3A_456 : vector<32xbf16>
          %bitcast3A_458 = vector.bitcast %max3A_457 : vector<32xbf16> to vector<16xi32>
          tpu.vector_store_idx %arg8[%gather3A_443, %add3A_446], %bitcast3A_458 : memref<321x64xi32, #tpu.memory_space<vmem>>[vector<16xi32>, vector<16xi32>], vector<16xi32>,
          %add3A_459 = arith.constant 16 : i32
          %add3A_460 = vector.broadcast %add3A_459 : i32 to vector<16xi32>
          %add3A_461 = arith.addi %iota3A, %add3A_460 : vector<16xi32>
          %gather3A_462 = tpu.vector_load_idx %arg8[%gather3A_443, %add3A_461] : memref<321x64xi32, #tpu.memory_space<vmem>>[vector<16xi32>, vector<16xi32>], vector<16xi32>,
          %bitcast3A_463 = vector.bitcast %gather3A_462 : vector<16xi32> to vector<32xbf16>
          %mul3A_464 = arith.constant 16 : i32
          %mul3A_465 = arith.muli %scan3A_179, %mul3A_464 : i32
          %add3A_466 = arith.constant 4 : i32
          %add3A_467 = arith.addi %mul3A_465, %add3A_466 : i32
          %get3A_468 = arith.index_cast %add3A_467 : i32 to index
          %get3A_469 = arith.constant 16 : index
          %get3A_470 = tpu.vector_load %arg13[%get3A_468, %get3A_469] {strides = array<i32>} : memref<64x64xi32, #tpu.memory_space<vmem>>, vector<16xi32>,
          %bitcast3A_471 = vector.bitcast %get3A_470 : vector<16xi32> to vector<32xbf16>
          %max3A_472 = arith.maximumf %bitcast3A_463, %bitcast3A_471 : vector<32xbf16>
          %bitcast3A_473 = vector.bitcast %max3A_472 : vector<32xbf16> to vector<16xi32>
          tpu.vector_store_idx %arg8[%gather3A_443, %add3A_461], %bitcast3A_473 : memref<321x64xi32, #tpu.memory_space<vmem>>[vector<16xi32>, vector<16xi32>], vector<16xi32>,
          %add3A_474 = arith.constant 32 : i32
          %add3A_475 = vector.broadcast %add3A_474 : i32 to vector<16xi32>
          %add3A_476 = arith.addi %iota3A, %add3A_475 : vector<16xi32>
          %gather3A_477 = tpu.vector_load_idx %arg8[%gather3A_443, %add3A_476] : memref<321x64xi32, #tpu.memory_space<vmem>>[vector<16xi32>, vector<16xi32>], vector<16xi32>,
          %bitcast3A_478 = vector.bitcast %gather3A_477 : vector<16xi32> to vector<32xbf16>
          %mul3A_479 = arith.constant 16 : i32
          %mul3A_480 = arith.muli %scan3A_179, %mul3A_479 : i32
          %add3A_481 = arith.constant 4 : i32
          %add3A_482 = arith.addi %mul3A_480, %add3A_481 : i32
          %get3A_483 = arith.index_cast %add3A_482 : i32 to index
          %get3A_484 = arith.constant 32 : index
          %get3A_485 = tpu.vector_load %arg13[%get3A_483, %get3A_484] {strides = array<i32>} : memref<64x64xi32, #tpu.memory_space<vmem>>, vector<16xi32>,
          %bitcast3A_486 = vector.bitcast %get3A_485 : vector<16xi32> to vector<32xbf16>
          %max3A_487 = arith.maximumf %bitcast3A_478, %bitcast3A_486 : vector<32xbf16>
          %bitcast3A_488 = vector.bitcast %max3A_487 : vector<32xbf16> to vector<16xi32>
          tpu.vector_store_idx %arg8[%gather3A_443, %add3A_476], %bitcast3A_488 : memref<321x64xi32, #tpu.memory_space<vmem>>[vector<16xi32>, vector<16xi32>], vector<16xi32>,
          %add3A_489 = arith.constant 48 : i32
          %add3A_490 = vector.broadcast %add3A_489 : i32 to vector<16xi32>
          %add3A_491 = arith.addi %iota3A, %add3A_490 : vector<16xi32>
          %gather3A_492 = tpu.vector_load_idx %arg8[%gather3A_443, %add3A_491] : memref<321x64xi32, #tpu.memory_space<vmem>>[vector<16xi32>, vector<16xi32>], vector<16xi32>,
          %bitcast3A_493 = vector.bitcast %gather3A_492 : vector<16xi32> to vector<32xbf16>
          %mul3A_494 = arith.constant 16 : i32
          %mul3A_495 = arith.muli %scan3A_179, %mul3A_494 : i32
          %add3A_496 = arith.constant 4 : i32
          %add3A_497 = arith.addi %mul3A_495, %add3A_496 : i32
          %get3A_498 = arith.index_cast %add3A_497 : i32 to index
          %get3A_499 = arith.constant 48 : index
          %get3A_500 = tpu.vector_load %arg13[%get3A_498, %get3A_499] {strides = array<i32>} : memref<64x64xi32, #tpu.memory_space<vmem>>, vector<16xi32>,
          %bitcast3A_501 = vector.bitcast %get3A_500 : vector<16xi32> to vector<32xbf16>
          %max3A_502 = arith.maximumf %bitcast3A_493, %bitcast3A_501 : vector<32xbf16>
          %bitcast3A_503 = vector.bitcast %max3A_502 : vector<32xbf16> to vector<16xi32>
          tpu.vector_store_idx %arg8[%gather3A_443, %add3A_491], %bitcast3A_503 : memref<321x64xi32, #tpu.memory_space<vmem>>[vector<16xi32>, vector<16xi32>], vector<16xi32>,
          %broadcast_in_dim3A_504 = arith.constant 5 : i32
          %broadcast_in_dim3A_505 = vector.broadcast %broadcast_in_dim3A_504 : i32 to vector<16x1xi32>
          %gather3A_506 = vector.shape_cast %broadcast_in_dim3A_505 : vector<16x1xi32> to vector<16xi32>
          %gather3A_507 = tpu.dynamic_gather %get3A_186[%gather3A_506] in [0] : vector<16xi32>, vector<16xi32> -> vector<16xi32>
          %add3A_508 = arith.constant 0 : i32
          %add3A_509 = vector.broadcast %add3A_508 : i32 to vector<16xi32>
          %add3A_510 = arith.addi %iota3A, %add3A_509 : vector<16xi32>
          %gather3A_511 = tpu.vector_load_idx %arg8[%gather3A_507, %add3A_510] : memref<321x64xi32, #tpu.memory_space<vmem>>[vector<16xi32>, vector<16xi32>], vector<16xi32>,
          %bitcast3A_512 = vector.bitcast %gather3A_511 : vector<16xi32> to vector<32xbf16>
          %mul3A_513 = arith.constant 16 : i32
          %mul3A_514 = arith.muli %scan3A_179, %mul3A_513 : i32
          %add3A_515 = arith.constant 5 : i32
          %add3A_516 = arith.addi %mul3A_514, %add3A_515 : i32
          %get3A_517 = arith.index_cast %add3A_516 : i32 to index
          %get3A_518 = arith.constant 0 : index
          %get3A_519 = tpu.vector_load %arg13[%get3A_517, %get3A_518] {strides = array<i32>} : memref<64x64xi32, #tpu.memory_space<vmem>>, vector<16xi32>,
          %bitcast3A_520 = vector.bitcast %get3A_519 : vector<16xi32> to vector<32xbf16>
          %max3A_521 = arith.maximumf %bitcast3A_512, %bitcast3A_520 : vector<32xbf16>
          %bitcast3A_522 = vector.bitcast %max3A_521 : vector<32xbf16> to vector<16xi32>
          tpu.vector_store_idx %arg8[%gather3A_507, %add3A_510], %bitcast3A_522 : memref<321x64xi32, #tpu.memory_space<vmem>>[vector<16xi32>, vector<16xi32>], vector<16xi32>,
          %add3A_523 = arith.constant 16 : i32
          %add3A_524 = vector.broadcast %add3A_523 : i32 to vector<16xi32>
          %add3A_525 = arith.addi %iota3A, %add3A_524 : vector<16xi32>
          %gather3A_526 = tpu.vector_load_idx %arg8[%gather3A_507, %add3A_525] : memref<321x64xi32, #tpu.memory_space<vmem>>[vector<16xi32>, vector<16xi32>], vector<16xi32>,
          %bitcast3A_527 = vector.bitcast %gather3A_526 : vector<16xi32> to vector<32xbf16>
          %mul3A_528 = arith.constant 16 : i32
          %mul3A_529 = arith.muli %scan3A_179, %mul3A_528 : i32
          %add3A_530 = arith.constant 5 : i32
          %add3A_531 = arith.addi %mul3A_529, %add3A_530 : i32
          %get3A_532 = arith.index_cast %add3A_531 : i32 to index
          %get3A_533 = arith.constant 16 : index
          %get3A_534 = tpu.vector_load %arg13[%get3A_532, %get3A_533] {strides = array<i32>} : memref<64x64xi32, #tpu.memory_space<vmem>>, vector<16xi32>,
          %bitcast3A_535 = vector.bitcast %get3A_534 : vector<16xi32> to vector<32xbf16>
          %max3A_536 = arith.maximumf %bitcast3A_527, %bitcast3A_535 : vector<32xbf16>
          %bitcast3A_537 = vector.bitcast %max3A_536 : vector<32xbf16> to vector<16xi32>
          tpu.vector_store_idx %arg8[%gather3A_507, %add3A_525], %bitcast3A_537 : memref<321x64xi32, #tpu.memory_space<vmem>>[vector<16xi32>, vector<16xi32>], vector<16xi32>,
          %add3A_538 = arith.constant 32 : i32
          %add3A_539 = vector.broadcast %add3A_538 : i32 to vector<16xi32>
          %add3A_540 = arith.addi %iota3A, %add3A_539 : vector<16xi32>
          %gather3A_541 = tpu.vector_load_idx %arg8[%gather3A_507, %add3A_540] : memref<321x64xi32, #tpu.memory_space<vmem>>[vector<16xi32>, vector<16xi32>], vector<16xi32>,
          %bitcast3A_542 = vector.bitcast %gather3A_541 : vector<16xi32> to vector<32xbf16>
          %mul3A_543 = arith.constant 16 : i32
          %mul3A_544 = arith.muli %scan3A_179, %mul3A_543 : i32
          %add3A_545 = arith.constant 5 : i32
          %add3A_546 = arith.addi %mul3A_544, %add3A_545 : i32
          %get3A_547 = arith.index_cast %add3A_546 : i32 to index
          %get3A_548 = arith.constant 32 : index
          %get3A_549 = tpu.vector_load %arg13[%get3A_547, %get3A_548] {strides = array<i32>} : memref<64x64xi32, #tpu.memory_space<vmem>>, vector<16xi32>,
          %bitcast3A_550 = vector.bitcast %get3A_549 : vector<16xi32> to vector<32xbf16>
          %max3A_551 = arith.maximumf %bitcast3A_542, %bitcast3A_550 : vector<32xbf16>
          %bitcast3A_552 = vector.bitcast %max3A_551 : vector<32xbf16> to vector<16xi32>
          tpu.vector_store_idx %arg8[%gather3A_507, %add3A_540], %bitcast3A_552 : memref<321x64xi32, #tpu.memory_space<vmem>>[vector<16xi32>, vector<16xi32>], vector<16xi32>,
          %add3A_553 = arith.constant 48 : i32
          %add3A_554 = vector.broadcast %add3A_553 : i32 to vector<16xi32>
          %add3A_555 = arith.addi %iota3A, %add3A_554 : vector<16xi32>
          %gather3A_556 = tpu.vector_load_idx %arg8[%gather3A_507, %add3A_555] : memref<321x64xi32, #tpu.memory_space<vmem>>[vector<16xi32>, vector<16xi32>], vector<16xi32>,
          %bitcast3A_557 = vector.bitcast %gather3A_556 : vector<16xi32> to vector<32xbf16>
          %mul3A_558 = arith.constant 16 : i32
          %mul3A_559 = arith.muli %scan3A_179, %mul3A_558 : i32
          %add3A_560 = arith.constant 5 : i32
          %add3A_561 = arith.addi %mul3A_559, %add3A_560 : i32
          %get3A_562 = arith.index_cast %add3A_561 : i32 to index
          %get3A_563 = arith.constant 48 : index
          %get3A_564 = tpu.vector_load %arg13[%get3A_562, %get3A_563] {strides = array<i32>} : memref<64x64xi32, #tpu.memory_space<vmem>>, vector<16xi32>,
          %bitcast3A_565 = vector.bitcast %get3A_564 : vector<16xi32> to vector<32xbf16>
          %max3A_566 = arith.maximumf %bitcast3A_557, %bitcast3A_565 : vector<32xbf16>
          %bitcast3A_567 = vector.bitcast %max3A_566 : vector<32xbf16> to vector<16xi32>
          tpu.vector_store_idx %arg8[%gather3A_507, %add3A_555], %bitcast3A_567 : memref<321x64xi32, #tpu.memory_space<vmem>>[vector<16xi32>, vector<16xi32>], vector<16xi32>,
          %broadcast_in_dim3A_568 = arith.constant 6 : i32
          %broadcast_in_dim3A_569 = vector.broadcast %broadcast_in_dim3A_568 : i32 to vector<16x1xi32>
          %gather3A_570 = vector.shape_cast %broadcast_in_dim3A_569 : vector<16x1xi32> to vector<16xi32>
          %gather3A_571 = tpu.dynamic_gather %get3A_186[%gather3A_570] in [0] : vector<16xi32>, vector<16xi32> -> vector<16xi32>
          %add3A_572 = arith.constant 0 : i32
          %add3A_573 = vector.broadcast %add3A_572 : i32 to vector<16xi32>
          %add3A_574 = arith.addi %iota3A, %add3A_573 : vector<16xi32>
          %gather3A_575 = tpu.vector_load_idx %arg8[%gather3A_571, %add3A_574] : memref<321x64xi32, #tpu.memory_space<vmem>>[vector<16xi32>, vector<16xi32>], vector<16xi32>,
          %bitcast3A_576 = vector.bitcast %gather3A_575 : vector<16xi32> to vector<32xbf16>
          %mul3A_577 = arith.constant 16 : i32
          %mul3A_578 = arith.muli %scan3A_179, %mul3A_577 : i32
          %add3A_579 = arith.constant 6 : i32
          %add3A_580 = arith.addi %mul3A_578, %add3A_579 : i32
          %get3A_581 = arith.index_cast %add3A_580 : i32 to index
          %get3A_582 = arith.constant 0 : index
          %get3A_583 = tpu.vector_load %arg13[%get3A_581, %get3A_582] {strides = array<i32>} : memref<64x64xi32, #tpu.memory_space<vmem>>, vector<16xi32>,
          %bitcast3A_584 = vector.bitcast %get3A_583 : vector<16xi32> to vector<32xbf16>
          %max3A_585 = arith.maximumf %bitcast3A_576, %bitcast3A_584 : vector<32xbf16>
          %bitcast3A_586 = vector.bitcast %max3A_585 : vector<32xbf16> to vector<16xi32>
          tpu.vector_store_idx %arg8[%gather3A_571, %add3A_574], %bitcast3A_586 : memref<321x64xi32, #tpu.memory_space<vmem>>[vector<16xi32>, vector<16xi32>], vector<16xi32>,
          %add3A_587 = arith.constant 16 : i32
          %add3A_588 = vector.broadcast %add3A_587 : i32 to vector<16xi32>
          %add3A_589 = arith.addi %iota3A, %add3A_588 : vector<16xi32>
          %gather3A_590 = tpu.vector_load_idx %arg8[%gather3A_571, %add3A_589] : memref<321x64xi32, #tpu.memory_space<vmem>>[vector<16xi32>, vector<16xi32>], vector<16xi32>,
          %bitcast3A_591 = vector.bitcast %gather3A_590 : vector<16xi32> to vector<32xbf16>
          %mul3A_592 = arith.constant 16 : i32
          %mul3A_593 = arith.muli %scan3A_179, %mul3A_592 : i32
          %add3A_594 = arith.constant 6 : i32
          %add3A_595 = arith.addi %mul3A_593, %add3A_594 : i32
          %get3A_596 = arith.index_cast %add3A_595 : i32 to index
          %get3A_597 = arith.constant 16 : index
          %get3A_598 = tpu.vector_load %arg13[%get3A_596, %get3A_597] {strides = array<i32>} : memref<64x64xi32, #tpu.memory_space<vmem>>, vector<16xi32>,
          %bitcast3A_599 = vector.bitcast %get3A_598 : vector<16xi32> to vector<32xbf16>
          %max3A_600 = arith.maximumf %bitcast3A_591, %bitcast3A_599 : vector<32xbf16>
          %bitcast3A_601 = vector.bitcast %max3A_600 : vector<32xbf16> to vector<16xi32>
          tpu.vector_store_idx %arg8[%gather3A_571, %add3A_589], %bitcast3A_601 : memref<321x64xi32, #tpu.memory_space<vmem>>[vector<16xi32>, vector<16xi32>], vector<16xi32>,
          %add3A_602 = arith.constant 32 : i32
          %add3A_603 = vector.broadcast %add3A_602 : i32 to vector<16xi32>
          %add3A_604 = arith.addi %iota3A, %add3A_603 : vector<16xi32>
          %gather3A_605 = tpu.vector_load_idx %arg8[%gather3A_571, %add3A_604] : memref<321x64xi32, #tpu.memory_space<vmem>>[vector<16xi32>, vector<16xi32>], vector<16xi32>,
          %bitcast3A_606 = vector.bitcast %gather3A_605 : vector<16xi32> to vector<32xbf16>
          %mul3A_607 = arith.constant 16 : i32
          %mul3A_608 = arith.muli %scan3A_179, %mul3A_607 : i32
          %add3A_609 = arith.constant 6 : i32
          %add3A_610 = arith.addi %mul3A_608, %add3A_609 : i32
          %get3A_611 = arith.index_cast %add3A_610 : i32 to index
          %get3A_612 = arith.constant 32 : index
          %get3A_613 = tpu.vector_load %arg13[%get3A_611, %get3A_612] {strides = array<i32>} : memref<64x64xi32, #tpu.memory_space<vmem>>, vector<16xi32>,
          %bitcast3A_614 = vector.bitcast %get3A_613 : vector<16xi32> to vector<32xbf16>
          %max3A_615 = arith.maximumf %bitcast3A_606, %bitcast3A_614 : vector<32xbf16>
          %bitcast3A_616 = vector.bitcast %max3A_615 : vector<32xbf16> to vector<16xi32>
          tpu.vector_store_idx %arg8[%gather3A_571, %add3A_604], %bitcast3A_616 : memref<321x64xi32, #tpu.memory_space<vmem>>[vector<16xi32>, vector<16xi32>], vector<16xi32>,
          %add3A_617 = arith.constant 48 : i32
          %add3A_618 = vector.broadcast %add3A_617 : i32 to vector<16xi32>
          %add3A_619 = arith.addi %iota3A, %add3A_618 : vector<16xi32>
          %gather3A_620 = tpu.vector_load_idx %arg8[%gather3A_571, %add3A_619] : memref<321x64xi32, #tpu.memory_space<vmem>>[vector<16xi32>, vector<16xi32>], vector<16xi32>,
          %bitcast3A_621 = vector.bitcast %gather3A_620 : vector<16xi32> to vector<32xbf16>
          %mul3A_622 = arith.constant 16 : i32
          %mul3A_623 = arith.muli %scan3A_179, %mul3A_622 : i32
          %add3A_624 = arith.constant 6 : i32
          %add3A_625 = arith.addi %mul3A_623, %add3A_624 : i32
          %get3A_626 = arith.index_cast %add3A_625 : i32 to index
          %get3A_627 = arith.constant 48 : index
          %get3A_628 = tpu.vector_load %arg13[%get3A_626, %get3A_627] {strides = array<i32>} : memref<64x64xi32, #tpu.memory_space<vmem>>, vector<16xi32>,
          %bitcast3A_629 = vector.bitcast %get3A_628 : vector<16xi32> to vector<32xbf16>
          %max3A_630 = arith.maximumf %bitcast3A_621, %bitcast3A_629 : vector<32xbf16>
          %bitcast3A_631 = vector.bitcast %max3A_630 : vector<32xbf16> to vector<16xi32>
          tpu.vector_store_idx %arg8[%gather3A_571, %add3A_619], %bitcast3A_631 : memref<321x64xi32, #tpu.memory_space<vmem>>[vector<16xi32>, vector<16xi32>], vector<16xi32>,
          %broadcast_in_dim3A_632 = arith.constant 7 : i32
          %broadcast_in_dim3A_633 = vector.broadcast %broadcast_in_dim3A_632 : i32 to vector<16x1xi32>
          %gather3A_634 = vector.shape_cast %broadcast_in_dim3A_633 : vector<16x1xi32> to vector<16xi32>
          %gather3A_635 = tpu.dynamic_gather %get3A_186[%gather3A_634] in [0] : vector<16xi32>, vector<16xi32> -> vector<16xi32>
          %add3A_636 = arith.constant 0 : i32
          %add3A_637 = vector.broadcast %add3A_636 : i32 to vector<16xi32>
          %add3A_638 = arith.addi %iota3A, %add3A_637 : vector<16xi32>
          %gather3A_639 = tpu.vector_load_idx %arg8[%gather3A_635, %add3A_638] : memref<321x64xi32, #tpu.memory_space<vmem>>[vector<16xi32>, vector<16xi32>], vector<16xi32>,
          %bitcast3A_640 = vector.bitcast %gather3A_639 : vector<16xi32> to vector<32xbf16>
          %mul3A_641 = arith.constant 16 : i32
          %mul3A_642 = arith.muli %scan3A_179, %mul3A_641 : i32
          %add3A_643 = arith.constant 7 : i32
          %add3A_644 = arith.addi %mul3A_642, %add3A_643 : i32
          %get3A_645 = arith.index_cast %add3A_644 : i32 to index
          %get3A_646 = arith.constant 0 : index
          %get3A_647 = tpu.vector_load %arg13[%get3A_645, %get3A_646] {strides = array<i32>} : memref<64x64xi32, #tpu.memory_space<vmem>>, vector<16xi32>,
          %bitcast3A_648 = vector.bitcast %get3A_647 : vector<16xi32> to vector<32xbf16>
          %max3A_649 = arith.maximumf %bitcast3A_640, %bitcast3A_648 : vector<32xbf16>
          %bitcast3A_650 = vector.bitcast %max3A_649 : vector<32xbf16> to vector<16xi32>
          tpu.vector_store_idx %arg8[%gather3A_635, %add3A_638], %bitcast3A_650 : memref<321x64xi32, #tpu.memory_space<vmem>>[vector<16xi32>, vector<16xi32>], vector<16xi32>,
          %add3A_651 = arith.constant 16 : i32
          %add3A_652 = vector.broadcast %add3A_651 : i32 to vector<16xi32>
          %add3A_653 = arith.addi %iota3A, %add3A_652 : vector<16xi32>
          %gather3A_654 = tpu.vector_load_idx %arg8[%gather3A_635, %add3A_653] : memref<321x64xi32, #tpu.memory_space<vmem>>[vector<16xi32>, vector<16xi32>], vector<16xi32>,
          %bitcast3A_655 = vector.bitcast %gather3A_654 : vector<16xi32> to vector<32xbf16>
          %mul3A_656 = arith.constant 16 : i32
          %mul3A_657 = arith.muli %scan3A_179, %mul3A_656 : i32
          %add3A_658 = arith.constant 7 : i32
          %add3A_659 = arith.addi %mul3A_657, %add3A_658 : i32
          %get3A_660 = arith.index_cast %add3A_659 : i32 to index
          %get3A_661 = arith.constant 16 : index
          %get3A_662 = tpu.vector_load %arg13[%get3A_660, %get3A_661] {strides = array<i32>} : memref<64x64xi32, #tpu.memory_space<vmem>>, vector<16xi32>,
          %bitcast3A_663 = vector.bitcast %get3A_662 : vector<16xi32> to vector<32xbf16>
          %max3A_664 = arith.maximumf %bitcast3A_655, %bitcast3A_663 : vector<32xbf16>
          %bitcast3A_665 = vector.bitcast %max3A_664 : vector<32xbf16> to vector<16xi32>
          tpu.vector_store_idx %arg8[%gather3A_635, %add3A_653], %bitcast3A_665 : memref<321x64xi32, #tpu.memory_space<vmem>>[vector<16xi32>, vector<16xi32>], vector<16xi32>,
          %add3A_666 = arith.constant 32 : i32
          %add3A_667 = vector.broadcast %add3A_666 : i32 to vector<16xi32>
          %add3A_668 = arith.addi %iota3A, %add3A_667 : vector<16xi32>
          %gather3A_669 = tpu.vector_load_idx %arg8[%gather3A_635, %add3A_668] : memref<321x64xi32, #tpu.memory_space<vmem>>[vector<16xi32>, vector<16xi32>], vector<16xi32>,
          %bitcast3A_670 = vector.bitcast %gather3A_669 : vector<16xi32> to vector<32xbf16>
          %mul3A_671 = arith.constant 16 : i32
          %mul3A_672 = arith.muli %scan3A_179, %mul3A_671 : i32
          %add3A_673 = arith.constant 7 : i32
          %add3A_674 = arith.addi %mul3A_672, %add3A_673 : i32
          %get3A_675 = arith.index_cast %add3A_674 : i32 to index
          %get3A_676 = arith.constant 32 : index
          %get3A_677 = tpu.vector_load %arg13[%get3A_675, %get3A_676] {strides = array<i32>} : memref<64x64xi32, #tpu.memory_space<vmem>>, vector<16xi32>,
          %bitcast3A_678 = vector.bitcast %get3A_677 : vector<16xi32> to vector<32xbf16>
          %max3A_679 = arith.maximumf %bitcast3A_670, %bitcast3A_678 : vector<32xbf16>
          %bitcast3A_680 = vector.bitcast %max3A_679 : vector<32xbf16> to vector<16xi32>
          tpu.vector_store_idx %arg8[%gather3A_635, %add3A_668], %bitcast3A_680 : memref<321x64xi32, #tpu.memory_space<vmem>>[vector<16xi32>, vector<16xi32>], vector<16xi32>,
          %add3A_681 = arith.constant 48 : i32
          %add3A_682 = vector.broadcast %add3A_681 : i32 to vector<16xi32>
          %add3A_683 = arith.addi %iota3A, %add3A_682 : vector<16xi32>
          %gather3A_684 = tpu.vector_load_idx %arg8[%gather3A_635, %add3A_683] : memref<321x64xi32, #tpu.memory_space<vmem>>[vector<16xi32>, vector<16xi32>], vector<16xi32>,
          %bitcast3A_685 = vector.bitcast %gather3A_684 : vector<16xi32> to vector<32xbf16>
          %mul3A_686 = arith.constant 16 : i32
          %mul3A_687 = arith.muli %scan3A_179, %mul3A_686 : i32
          %add3A_688 = arith.constant 7 : i32
          %add3A_689 = arith.addi %mul3A_687, %add3A_688 : i32
          %get3A_690 = arith.index_cast %add3A_689 : i32 to index
          %get3A_691 = arith.constant 48 : index
          %get3A_692 = tpu.vector_load %arg13[%get3A_690, %get3A_691] {strides = array<i32>} : memref<64x64xi32, #tpu.memory_space<vmem>>, vector<16xi32>,
          %bitcast3A_693 = vector.bitcast %get3A_692 : vector<16xi32> to vector<32xbf16>
          %max3A_694 = arith.maximumf %bitcast3A_685, %bitcast3A_693 : vector<32xbf16>
          %bitcast3A_695 = vector.bitcast %max3A_694 : vector<32xbf16> to vector<16xi32>
          tpu.vector_store_idx %arg8[%gather3A_635, %add3A_683], %bitcast3A_695 : memref<321x64xi32, #tpu.memory_space<vmem>>[vector<16xi32>, vector<16xi32>], vector<16xi32>,
          %broadcast_in_dim3A_696 = arith.constant 8 : i32
          %broadcast_in_dim3A_697 = vector.broadcast %broadcast_in_dim3A_696 : i32 to vector<16x1xi32>
          %gather3A_698 = vector.shape_cast %broadcast_in_dim3A_697 : vector<16x1xi32> to vector<16xi32>
          %gather3A_699 = tpu.dynamic_gather %get3A_186[%gather3A_698] in [0] : vector<16xi32>, vector<16xi32> -> vector<16xi32>
          %add3A_700 = arith.constant 0 : i32
          %add3A_701 = vector.broadcast %add3A_700 : i32 to vector<16xi32>
          %add3A_702 = arith.addi %iota3A, %add3A_701 : vector<16xi32>
          %gather3A_703 = tpu.vector_load_idx %arg8[%gather3A_699, %add3A_702] : memref<321x64xi32, #tpu.memory_space<vmem>>[vector<16xi32>, vector<16xi32>], vector<16xi32>,
          %bitcast3A_704 = vector.bitcast %gather3A_703 : vector<16xi32> to vector<32xbf16>
          %mul3A_705 = arith.constant 16 : i32
          %mul3A_706 = arith.muli %scan3A_179, %mul3A_705 : i32
          %add3A_707 = arith.constant 8 : i32
          %add3A_708 = arith.addi %mul3A_706, %add3A_707 : i32
          %get3A_709 = arith.index_cast %add3A_708 : i32 to index
          %get3A_710 = arith.constant 0 : index
          %get3A_711 = tpu.vector_load %arg13[%get3A_709, %get3A_710] {strides = array<i32>} : memref<64x64xi32, #tpu.memory_space<vmem>>, vector<16xi32>,
          %bitcast3A_712 = vector.bitcast %get3A_711 : vector<16xi32> to vector<32xbf16>
          %max3A_713 = arith.maximumf %bitcast3A_704, %bitcast3A_712 : vector<32xbf16>
          %bitcast3A_714 = vector.bitcast %max3A_713 : vector<32xbf16> to vector<16xi32>
          tpu.vector_store_idx %arg8[%gather3A_699, %add3A_702], %bitcast3A_714 : memref<321x64xi32, #tpu.memory_space<vmem>>[vector<16xi32>, vector<16xi32>], vector<16xi32>,
          %add3A_715 = arith.constant 16 : i32
          %add3A_716 = vector.broadcast %add3A_715 : i32 to vector<16xi32>
          %add3A_717 = arith.addi %iota3A, %add3A_716 : vector<16xi32>
          %gather3A_718 = tpu.vector_load_idx %arg8[%gather3A_699, %add3A_717] : memref<321x64xi32, #tpu.memory_space<vmem>>[vector<16xi32>, vector<16xi32>], vector<16xi32>,
          %bitcast3A_719 = vector.bitcast %gather3A_718 : vector<16xi32> to vector<32xbf16>
          %mul3A_720 = arith.constant 16 : i32
          %mul3A_721 = arith.muli %scan3A_179, %mul3A_720 : i32
          %add3A_722 = arith.constant 8 : i32
          %add3A_723 = arith.addi %mul3A_721, %add3A_722 : i32
          %get3A_724 = arith.index_cast %add3A_723 : i32 to index
          %get3A_725 = arith.constant 16 : index
          %get3A_726 = tpu.vector_load %arg13[%get3A_724, %get3A_725] {strides = array<i32>} : memref<64x64xi32, #tpu.memory_space<vmem>>, vector<16xi32>,
          %bitcast3A_727 = vector.bitcast %get3A_726 : vector<16xi32> to vector<32xbf16>
          %max3A_728 = arith.maximumf %bitcast3A_719, %bitcast3A_727 : vector<32xbf16>
          %bitcast3A_729 = vector.bitcast %max3A_728 : vector<32xbf16> to vector<16xi32>
          tpu.vector_store_idx %arg8[%gather3A_699, %add3A_717], %bitcast3A_729 : memref<321x64xi32, #tpu.memory_space<vmem>>[vector<16xi32>, vector<16xi32>], vector<16xi32>,
          %add3A_730 = arith.constant 32 : i32
          %add3A_731 = vector.broadcast %add3A_730 : i32 to vector<16xi32>
          %add3A_732 = arith.addi %iota3A, %add3A_731 : vector<16xi32>
          %gather3A_733 = tpu.vector_load_idx %arg8[%gather3A_699, %add3A_732] : memref<321x64xi32, #tpu.memory_space<vmem>>[vector<16xi32>, vector<16xi32>], vector<16xi32>,
          %bitcast3A_734 = vector.bitcast %gather3A_733 : vector<16xi32> to vector<32xbf16>
          %mul3A_735 = arith.constant 16 : i32
          %mul3A_736 = arith.muli %scan3A_179, %mul3A_735 : i32
          %add3A_737 = arith.constant 8 : i32
          %add3A_738 = arith.addi %mul3A_736, %add3A_737 : i32
          %get3A_739 = arith.index_cast %add3A_738 : i32 to index
          %get3A_740 = arith.constant 32 : index
          %get3A_741 = tpu.vector_load %arg13[%get3A_739, %get3A_740] {strides = array<i32>} : memref<64x64xi32, #tpu.memory_space<vmem>>, vector<16xi32>,
          %bitcast3A_742 = vector.bitcast %get3A_741 : vector<16xi32> to vector<32xbf16>
          %max3A_743 = arith.maximumf %bitcast3A_734, %bitcast3A_742 : vector<32xbf16>
          %bitcast3A_744 = vector.bitcast %max3A_743 : vector<32xbf16> to vector<16xi32>
          tpu.vector_store_idx %arg8[%gather3A_699, %add3A_732], %bitcast3A_744 : memref<321x64xi32, #tpu.memory_space<vmem>>[vector<16xi32>, vector<16xi32>], vector<16xi32>,
          %add3A_745 = arith.constant 48 : i32
          %add3A_746 = vector.broadcast %add3A_745 : i32 to vector<16xi32>
          %add3A_747 = arith.addi %iota3A, %add3A_746 : vector<16xi32>
          %gather3A_748 = tpu.vector_load_idx %arg8[%gather3A_699, %add3A_747] : memref<321x64xi32, #tpu.memory_space<vmem>>[vector<16xi32>, vector<16xi32>], vector<16xi32>,
          %bitcast3A_749 = vector.bitcast %gather3A_748 : vector<16xi32> to vector<32xbf16>
          %mul3A_750 = arith.constant 16 : i32
          %mul3A_751 = arith.muli %scan3A_179, %mul3A_750 : i32
          %add3A_752 = arith.constant 8 : i32
          %add3A_753 = arith.addi %mul3A_751, %add3A_752 : i32
          %get3A_754 = arith.index_cast %add3A_753 : i32 to index
          %get3A_755 = arith.constant 48 : index
          %get3A_756 = tpu.vector_load %arg13[%get3A_754, %get3A_755] {strides = array<i32>} : memref<64x64xi32, #tpu.memory_space<vmem>>, vector<16xi32>,
          %bitcast3A_757 = vector.bitcast %get3A_756 : vector<16xi32> to vector<32xbf16>
          %max3A_758 = arith.maximumf %bitcast3A_749, %bitcast3A_757 : vector<32xbf16>
          %bitcast3A_759 = vector.bitcast %max3A_758 : vector<32xbf16> to vector<16xi32>
          tpu.vector_store_idx %arg8[%gather3A_699, %add3A_747], %bitcast3A_759 : memref<321x64xi32, #tpu.memory_space<vmem>>[vector<16xi32>, vector<16xi32>], vector<16xi32>,
          %broadcast_in_dim3A_760 = arith.constant 9 : i32
          %broadcast_in_dim3A_761 = vector.broadcast %broadcast_in_dim3A_760 : i32 to vector<16x1xi32>
          %gather3A_762 = vector.shape_cast %broadcast_in_dim3A_761 : vector<16x1xi32> to vector<16xi32>
          %gather3A_763 = tpu.dynamic_gather %get3A_186[%gather3A_762] in [0] : vector<16xi32>, vector<16xi32> -> vector<16xi32>
          %add3A_764 = arith.constant 0 : i32
          %add3A_765 = vector.broadcast %add3A_764 : i32 to vector<16xi32>
          %add3A_766 = arith.addi %iota3A, %add3A_765 : vector<16xi32>
          %gather3A_767 = tpu.vector_load_idx %arg8[%gather3A_763, %add3A_766] : memref<321x64xi32, #tpu.memory_space<vmem>>[vector<16xi32>, vector<16xi32>], vector<16xi32>,
          %bitcast3A_768 = vector.bitcast %gather3A_767 : vector<16xi32> to vector<32xbf16>
          %mul3A_769 = arith.constant 16 : i32
          %mul3A_770 = arith.muli %scan3A_179, %mul3A_769 : i32
          %add3A_771 = arith.constant 9 : i32
          %add3A_772 = arith.addi %mul3A_770, %add3A_771 : i32
          %get3A_773 = arith.index_cast %add3A_772 : i32 to index
          %get3A_774 = arith.constant 0 : index
          %get3A_775 = tpu.vector_load %arg13[%get3A_773, %get3A_774] {strides = array<i32>} : memref<64x64xi32, #tpu.memory_space<vmem>>, vector<16xi32>,
          %bitcast3A_776 = vector.bitcast %get3A_775 : vector<16xi32> to vector<32xbf16>
          %max3A_777 = arith.maximumf %bitcast3A_768, %bitcast3A_776 : vector<32xbf16>
          %bitcast3A_778 = vector.bitcast %max3A_777 : vector<32xbf16> to vector<16xi32>
          tpu.vector_store_idx %arg8[%gather3A_763, %add3A_766], %bitcast3A_778 : memref<321x64xi32, #tpu.memory_space<vmem>>[vector<16xi32>, vector<16xi32>], vector<16xi32>,
          %add3A_779 = arith.constant 16 : i32
          %add3A_780 = vector.broadcast %add3A_779 : i32 to vector<16xi32>
          %add3A_781 = arith.addi %iota3A, %add3A_780 : vector<16xi32>
          %gather3A_782 = tpu.vector_load_idx %arg8[%gather3A_763, %add3A_781] : memref<321x64xi32, #tpu.memory_space<vmem>>[vector<16xi32>, vector<16xi32>], vector<16xi32>,
          %bitcast3A_783 = vector.bitcast %gather3A_782 : vector<16xi32> to vector<32xbf16>
          %mul3A_784 = arith.constant 16 : i32
          %mul3A_785 = arith.muli %scan3A_179, %mul3A_784 : i32
          %add3A_786 = arith.constant 9 : i32
          %add3A_787 = arith.addi %mul3A_785, %add3A_786 : i32
          %get3A_788 = arith.index_cast %add3A_787 : i32 to index
          %get3A_789 = arith.constant 16 : index
          %get3A_790 = tpu.vector_load %arg13[%get3A_788, %get3A_789] {strides = array<i32>} : memref<64x64xi32, #tpu.memory_space<vmem>>, vector<16xi32>,
          %bitcast3A_791 = vector.bitcast %get3A_790 : vector<16xi32> to vector<32xbf16>
          %max3A_792 = arith.maximumf %bitcast3A_783, %bitcast3A_791 : vector<32xbf16>
          %bitcast3A_793 = vector.bitcast %max3A_792 : vector<32xbf16> to vector<16xi32>
          tpu.vector_store_idx %arg8[%gather3A_763, %add3A_781], %bitcast3A_793 : memref<321x64xi32, #tpu.memory_space<vmem>>[vector<16xi32>, vector<16xi32>], vector<16xi32>,
          %add3A_794 = arith.constant 32 : i32
          %add3A_795 = vector.broadcast %add3A_794 : i32 to vector<16xi32>
          %add3A_796 = arith.addi %iota3A, %add3A_795 : vector<16xi32>
          %gather3A_797 = tpu.vector_load_idx %arg8[%gather3A_763, %add3A_796] : memref<321x64xi32, #tpu.memory_space<vmem>>[vector<16xi32>, vector<16xi32>], vector<16xi32>,
          %bitcast3A_798 = vector.bitcast %gather3A_797 : vector<16xi32> to vector<32xbf16>
          %mul3A_799 = arith.constant 16 : i32
          %mul3A_800 = arith.muli %scan3A_179, %mul3A_799 : i32
          %add3A_801 = arith.constant 9 : i32
          %add3A_802 = arith.addi %mul3A_800, %add3A_801 : i32
          %get3A_803 = arith.index_cast %add3A_802 : i32 to index
          %get3A_804 = arith.constant 32 : index
          %get3A_805 = tpu.vector_load %arg13[%get3A_803, %get3A_804] {strides = array<i32>} : memref<64x64xi32, #tpu.memory_space<vmem>>, vector<16xi32>,
          %bitcast3A_806 = vector.bitcast %get3A_805 : vector<16xi32> to vector<32xbf16>
          %max3A_807 = arith.maximumf %bitcast3A_798, %bitcast3A_806 : vector<32xbf16>
          %bitcast3A_808 = vector.bitcast %max3A_807 : vector<32xbf16> to vector<16xi32>
          tpu.vector_store_idx %arg8[%gather3A_763, %add3A_796], %bitcast3A_808 : memref<321x64xi32, #tpu.memory_space<vmem>>[vector<16xi32>, vector<16xi32>], vector<16xi32>,
          %add3A_809 = arith.constant 48 : i32
          %add3A_810 = vector.broadcast %add3A_809 : i32 to vector<16xi32>
          %add3A_811 = arith.addi %iota3A, %add3A_810 : vector<16xi32>
          %gather3A_812 = tpu.vector_load_idx %arg8[%gather3A_763, %add3A_811] : memref<321x64xi32, #tpu.memory_space<vmem>>[vector<16xi32>, vector<16xi32>], vector<16xi32>,
          %bitcast3A_813 = vector.bitcast %gather3A_812 : vector<16xi32> to vector<32xbf16>
          %mul3A_814 = arith.constant 16 : i32
          %mul3A_815 = arith.muli %scan3A_179, %mul3A_814 : i32
          %add3A_816 = arith.constant 9 : i32
          %add3A_817 = arith.addi %mul3A_815, %add3A_816 : i32
          %get3A_818 = arith.index_cast %add3A_817 : i32 to index
          %get3A_819 = arith.constant 48 : index
          %get3A_820 = tpu.vector_load %arg13[%get3A_818, %get3A_819] {strides = array<i32>} : memref<64x64xi32, #tpu.memory_space<vmem>>, vector<16xi32>,
          %bitcast3A_821 = vector.bitcast %get3A_820 : vector<16xi32> to vector<32xbf16>
          %max3A_822 = arith.maximumf %bitcast3A_813, %bitcast3A_821 : vector<32xbf16>
          %bitcast3A_823 = vector.bitcast %max3A_822 : vector<32xbf16> to vector<16xi32>
          tpu.vector_store_idx %arg8[%gather3A_763, %add3A_811], %bitcast3A_823 : memref<321x64xi32, #tpu.memory_space<vmem>>[vector<16xi32>, vector<16xi32>], vector<16xi32>,
          %broadcast_in_dim3A_824 = arith.constant 10 : i32
          %broadcast_in_dim3A_825 = vector.broadcast %broadcast_in_dim3A_824 : i32 to vector<16x1xi32>
          %gather3A_826 = vector.shape_cast %broadcast_in_dim3A_825 : vector<16x1xi32> to vector<16xi32>
          %gather3A_827 = tpu.dynamic_gather %get3A_186[%gather3A_826] in [0] : vector<16xi32>, vector<16xi32> -> vector<16xi32>
          %add3A_828 = arith.constant 0 : i32
          %add3A_829 = vector.broadcast %add3A_828 : i32 to vector<16xi32>
          %add3A_830 = arith.addi %iota3A, %add3A_829 : vector<16xi32>
          %gather3A_831 = tpu.vector_load_idx %arg8[%gather3A_827, %add3A_830] : memref<321x64xi32, #tpu.memory_space<vmem>>[vector<16xi32>, vector<16xi32>], vector<16xi32>,
          %bitcast3A_832 = vector.bitcast %gather3A_831 : vector<16xi32> to vector<32xbf16>
          %mul3A_833 = arith.constant 16 : i32
          %mul3A_834 = arith.muli %scan3A_179, %mul3A_833 : i32
          %add3A_835 = arith.constant 10 : i32
          %add3A_836 = arith.addi %mul3A_834, %add3A_835 : i32
          %get3A_837 = arith.index_cast %add3A_836 : i32 to index
          %get3A_838 = arith.constant 0 : index
          %get3A_839 = tpu.vector_load %arg13[%get3A_837, %get3A_838] {strides = array<i32>} : memref<64x64xi32, #tpu.memory_space<vmem>>, vector<16xi32>,
          %bitcast3A_840 = vector.bitcast %get3A_839 : vector<16xi32> to vector<32xbf16>
          %max3A_841 = arith.maximumf %bitcast3A_832, %bitcast3A_840 : vector<32xbf16>
          %bitcast3A_842 = vector.bitcast %max3A_841 : vector<32xbf16> to vector<16xi32>
          tpu.vector_store_idx %arg8[%gather3A_827, %add3A_830], %bitcast3A_842 : memref<321x64xi32, #tpu.memory_space<vmem>>[vector<16xi32>, vector<16xi32>], vector<16xi32>,
          %add3A_843 = arith.constant 16 : i32
          %add3A_844 = vector.broadcast %add3A_843 : i32 to vector<16xi32>
          %add3A_845 = arith.addi %iota3A, %add3A_844 : vector<16xi32>
          %gather3A_846 = tpu.vector_load_idx %arg8[%gather3A_827, %add3A_845] : memref<321x64xi32, #tpu.memory_space<vmem>>[vector<16xi32>, vector<16xi32>], vector<16xi32>,
          %bitcast3A_847 = vector.bitcast %gather3A_846 : vector<16xi32> to vector<32xbf16>
          %mul3A_848 = arith.constant 16 : i32
          %mul3A_849 = arith.muli %scan3A_179, %mul3A_848 : i32
          %add3A_850 = arith.constant 10 : i32
          %add3A_851 = arith.addi %mul3A_849, %add3A_850 : i32
          %get3A_852 = arith.index_cast %add3A_851 : i32 to index
          %get3A_853 = arith.constant 16 : index
          %get3A_854 = tpu.vector_load %arg13[%get3A_852, %get3A_853] {strides = array<i32>} : memref<64x64xi32, #tpu.memory_space<vmem>>, vector<16xi32>,
          %bitcast3A_855 = vector.bitcast %get3A_854 : vector<16xi32> to vector<32xbf16>
          %max3A_856 = arith.maximumf %bitcast3A_847, %bitcast3A_855 : vector<32xbf16>
          %bitcast3A_857 = vector.bitcast %max3A_856 : vector<32xbf16> to vector<16xi32>
          tpu.vector_store_idx %arg8[%gather3A_827, %add3A_845], %bitcast3A_857 : memref<321x64xi32, #tpu.memory_space<vmem>>[vector<16xi32>, vector<16xi32>], vector<16xi32>,
          %add3A_858 = arith.constant 32 : i32
          %add3A_859 = vector.broadcast %add3A_858 : i32 to vector<16xi32>
          %add3A_860 = arith.addi %iota3A, %add3A_859 : vector<16xi32>
          %gather3A_861 = tpu.vector_load_idx %arg8[%gather3A_827, %add3A_860] : memref<321x64xi32, #tpu.memory_space<vmem>>[vector<16xi32>, vector<16xi32>], vector<16xi32>,
          %bitcast3A_862 = vector.bitcast %gather3A_861 : vector<16xi32> to vector<32xbf16>
          %mul3A_863 = arith.constant 16 : i32
          %mul3A_864 = arith.muli %scan3A_179, %mul3A_863 : i32
          %add3A_865 = arith.constant 10 : i32
          %add3A_866 = arith.addi %mul3A_864, %add3A_865 : i32
          %get3A_867 = arith.index_cast %add3A_866 : i32 to index
          %get3A_868 = arith.constant 32 : index
          %get3A_869 = tpu.vector_load %arg13[%get3A_867, %get3A_868] {strides = array<i32>} : memref<64x64xi32, #tpu.memory_space<vmem>>, vector<16xi32>,
          %bitcast3A_870 = vector.bitcast %get3A_869 : vector<16xi32> to vector<32xbf16>
          %max3A_871 = arith.maximumf %bitcast3A_862, %bitcast3A_870 : vector<32xbf16>
          %bitcast3A_872 = vector.bitcast %max3A_871 : vector<32xbf16> to vector<16xi32>
          tpu.vector_store_idx %arg8[%gather3A_827, %add3A_860], %bitcast3A_872 : memref<321x64xi32, #tpu.memory_space<vmem>>[vector<16xi32>, vector<16xi32>], vector<16xi32>,
          %add3A_873 = arith.constant 48 : i32
          %add3A_874 = vector.broadcast %add3A_873 : i32 to vector<16xi32>
          %add3A_875 = arith.addi %iota3A, %add3A_874 : vector<16xi32>
          %gather3A_876 = tpu.vector_load_idx %arg8[%gather3A_827, %add3A_875] : memref<321x64xi32, #tpu.memory_space<vmem>>[vector<16xi32>, vector<16xi32>], vector<16xi32>,
          %bitcast3A_877 = vector.bitcast %gather3A_876 : vector<16xi32> to vector<32xbf16>
          %mul3A_878 = arith.constant 16 : i32
          %mul3A_879 = arith.muli %scan3A_179, %mul3A_878 : i32
          %add3A_880 = arith.constant 10 : i32
          %add3A_881 = arith.addi %mul3A_879, %add3A_880 : i32
          %get3A_882 = arith.index_cast %add3A_881 : i32 to index
          %get3A_883 = arith.constant 48 : index
          %get3A_884 = tpu.vector_load %arg13[%get3A_882, %get3A_883] {strides = array<i32>} : memref<64x64xi32, #tpu.memory_space<vmem>>, vector<16xi32>,
          %bitcast3A_885 = vector.bitcast %get3A_884 : vector<16xi32> to vector<32xbf16>
          %max3A_886 = arith.maximumf %bitcast3A_877, %bitcast3A_885 : vector<32xbf16>
          %bitcast3A_887 = vector.bitcast %max3A_886 : vector<32xbf16> to vector<16xi32>
          tpu.vector_store_idx %arg8[%gather3A_827, %add3A_875], %bitcast3A_887 : memref<321x64xi32, #tpu.memory_space<vmem>>[vector<16xi32>, vector<16xi32>], vector<16xi32>,
          %broadcast_in_dim3A_888 = arith.constant 11 : i32
          %broadcast_in_dim3A_889 = vector.broadcast %broadcast_in_dim3A_888 : i32 to vector<16x1xi32>
          %gather3A_890 = vector.shape_cast %broadcast_in_dim3A_889 : vector<16x1xi32> to vector<16xi32>
          %gather3A_891 = tpu.dynamic_gather %get3A_186[%gather3A_890] in [0] : vector<16xi32>, vector<16xi32> -> vector<16xi32>
          %add3A_892 = arith.constant 0 : i32
          %add3A_893 = vector.broadcast %add3A_892 : i32 to vector<16xi32>
          %add3A_894 = arith.addi %iota3A, %add3A_893 : vector<16xi32>
          %gather3A_895 = tpu.vector_load_idx %arg8[%gather3A_891, %add3A_894] : memref<321x64xi32, #tpu.memory_space<vmem>>[vector<16xi32>, vector<16xi32>], vector<16xi32>,
          %bitcast3A_896 = vector.bitcast %gather3A_895 : vector<16xi32> to vector<32xbf16>
          %mul3A_897 = arith.constant 16 : i32
          %mul3A_898 = arith.muli %scan3A_179, %mul3A_897 : i32
          %add3A_899 = arith.constant 11 : i32
          %add3A_900 = arith.addi %mul3A_898, %add3A_899 : i32
          %get3A_901 = arith.index_cast %add3A_900 : i32 to index
          %get3A_902 = arith.constant 0 : index
          %get3A_903 = tpu.vector_load %arg13[%get3A_901, %get3A_902] {strides = array<i32>} : memref<64x64xi32, #tpu.memory_space<vmem>>, vector<16xi32>,
          %bitcast3A_904 = vector.bitcast %get3A_903 : vector<16xi32> to vector<32xbf16>
          %max3A_905 = arith.maximumf %bitcast3A_896, %bitcast3A_904 : vector<32xbf16>
          %bitcast3A_906 = vector.bitcast %max3A_905 : vector<32xbf16> to vector<16xi32>
          tpu.vector_store_idx %arg8[%gather3A_891, %add3A_894], %bitcast3A_906 : memref<321x64xi32, #tpu.memory_space<vmem>>[vector<16xi32>, vector<16xi32>], vector<16xi32>,
          %add3A_907 = arith.constant 16 : i32
          %add3A_908 = vector.broadcast %add3A_907 : i32 to vector<16xi32>
          %add3A_909 = arith.addi %iota3A, %add3A_908 : vector<16xi32>
          %gather3A_910 = tpu.vector_load_idx %arg8[%gather3A_891, %add3A_909] : memref<321x64xi32, #tpu.memory_space<vmem>>[vector<16xi32>, vector<16xi32>], vector<16xi32>,
          %bitcast3A_911 = vector.bitcast %gather3A_910 : vector<16xi32> to vector<32xbf16>
          %mul3A_912 = arith.constant 16 : i32
          %mul3A_913 = arith.muli %scan3A_179, %mul3A_912 : i32
          %add3A_914 = arith.constant 11 : i32
          %add3A_915 = arith.addi %mul3A_913, %add3A_914 : i32
          %get3A_916 = arith.index_cast %add3A_915 : i32 to index
          %get3A_917 = arith.constant 16 : index
          %get3A_918 = tpu.vector_load %arg13[%get3A_916, %get3A_917] {strides = array<i32>} : memref<64x64xi32, #tpu.memory_space<vmem>>, vector<16xi32>,
          %bitcast3A_919 = vector.bitcast %get3A_918 : vector<16xi32> to vector<32xbf16>
          %max3A_920 = arith.maximumf %bitcast3A_911, %bitcast3A_919 : vector<32xbf16>
          %bitcast3A_921 = vector.bitcast %max3A_920 : vector<32xbf16> to vector<16xi32>
          tpu.vector_store_idx %arg8[%gather3A_891, %add3A_909], %bitcast3A_921 : memref<321x64xi32, #tpu.memory_space<vmem>>[vector<16xi32>, vector<16xi32>], vector<16xi32>,
          %add3A_922 = arith.constant 32 : i32
          %add3A_923 = vector.broadcast %add3A_922 : i32 to vector<16xi32>
          %add3A_924 = arith.addi %iota3A, %add3A_923 : vector<16xi32>
          %gather3A_925 = tpu.vector_load_idx %arg8[%gather3A_891, %add3A_924] : memref<321x64xi32, #tpu.memory_space<vmem>>[vector<16xi32>, vector<16xi32>], vector<16xi32>,
          %bitcast3A_926 = vector.bitcast %gather3A_925 : vector<16xi32> to vector<32xbf16>
          %mul3A_927 = arith.constant 16 : i32
          %mul3A_928 = arith.muli %scan3A_179, %mul3A_927 : i32
          %add3A_929 = arith.constant 11 : i32
          %add3A_930 = arith.addi %mul3A_928, %add3A_929 : i32
          %get3A_931 = arith.index_cast %add3A_930 : i32 to index
          %get3A_932 = arith.constant 32 : index
          %get3A_933 = tpu.vector_load %arg13[%get3A_931, %get3A_932] {strides = array<i32>} : memref<64x64xi32, #tpu.memory_space<vmem>>, vector<16xi32>,
          %bitcast3A_934 = vector.bitcast %get3A_933 : vector<16xi32> to vector<32xbf16>
          %max3A_935 = arith.maximumf %bitcast3A_926, %bitcast3A_934 : vector<32xbf16>
          %bitcast3A_936 = vector.bitcast %max3A_935 : vector<32xbf16> to vector<16xi32>
          tpu.vector_store_idx %arg8[%gather3A_891, %add3A_924], %bitcast3A_936 : memref<321x64xi32, #tpu.memory_space<vmem>>[vector<16xi32>, vector<16xi32>], vector<16xi32>,
          %add3A_937 = arith.constant 48 : i32
          %add3A_938 = vector.broadcast %add3A_937 : i32 to vector<16xi32>
          %add3A_939 = arith.addi %iota3A, %add3A_938 : vector<16xi32>
          %gather3A_940 = tpu.vector_load_idx %arg8[%gather3A_891, %add3A_939] : memref<321x64xi32, #tpu.memory_space<vmem>>[vector<16xi32>, vector<16xi32>], vector<16xi32>,
          %bitcast3A_941 = vector.bitcast %gather3A_940 : vector<16xi32> to vector<32xbf16>
          %mul3A_942 = arith.constant 16 : i32
          %mul3A_943 = arith.muli %scan3A_179, %mul3A_942 : i32
          %add3A_944 = arith.constant 11 : i32
          %add3A_945 = arith.addi %mul3A_943, %add3A_944 : i32
          %get3A_946 = arith.index_cast %add3A_945 : i32 to index
          %get3A_947 = arith.constant 48 : index
          %get3A_948 = tpu.vector_load %arg13[%get3A_946, %get3A_947] {strides = array<i32>} : memref<64x64xi32, #tpu.memory_space<vmem>>, vector<16xi32>,
          %bitcast3A_949 = vector.bitcast %get3A_948 : vector<16xi32> to vector<32xbf16>
          %max3A_950 = arith.maximumf %bitcast3A_941, %bitcast3A_949 : vector<32xbf16>
          %bitcast3A_951 = vector.bitcast %max3A_950 : vector<32xbf16> to vector<16xi32>
          tpu.vector_store_idx %arg8[%gather3A_891, %add3A_939], %bitcast3A_951 : memref<321x64xi32, #tpu.memory_space<vmem>>[vector<16xi32>, vector<16xi32>], vector<16xi32>,
          %broadcast_in_dim3A_952 = arith.constant 12 : i32
          %broadcast_in_dim3A_953 = vector.broadcast %broadcast_in_dim3A_952 : i32 to vector<16x1xi32>
          %gather3A_954 = vector.shape_cast %broadcast_in_dim3A_953 : vector<16x1xi32> to vector<16xi32>
          %gather3A_955 = tpu.dynamic_gather %get3A_186[%gather3A_954] in [0] : vector<16xi32>, vector<16xi32> -> vector<16xi32>
          %add3A_956 = arith.constant 0 : i32
          %add3A_957 = vector.broadcast %add3A_956 : i32 to vector<16xi32>
          %add3A_958 = arith.addi %iota3A, %add3A_957 : vector<16xi32>
          %gather3A_959 = tpu.vector_load_idx %arg8[%gather3A_955, %add3A_958] : memref<321x64xi32, #tpu.memory_space<vmem>>[vector<16xi32>, vector<16xi32>], vector<16xi32>,
          %bitcast3A_960 = vector.bitcast %gather3A_959 : vector<16xi32> to vector<32xbf16>
          %mul3A_961 = arith.constant 16 : i32
          %mul3A_962 = arith.muli %scan3A_179, %mul3A_961 : i32
          %add3A_963 = arith.constant 12 : i32
          %add3A_964 = arith.addi %mul3A_962, %add3A_963 : i32
          %get3A_965 = arith.index_cast %add3A_964 : i32 to index
          %get3A_966 = arith.constant 0 : index
          %get3A_967 = tpu.vector_load %arg13[%get3A_965, %get3A_966] {strides = array<i32>} : memref<64x64xi32, #tpu.memory_space<vmem>>, vector<16xi32>,
          %bitcast3A_968 = vector.bitcast %get3A_967 : vector<16xi32> to vector<32xbf16>
          %max3A_969 = arith.maximumf %bitcast3A_960, %bitcast3A_968 : vector<32xbf16>
          %bitcast3A_970 = vector.bitcast %max3A_969 : vector<32xbf16> to vector<16xi32>
          tpu.vector_store_idx %arg8[%gather3A_955, %add3A_958], %bitcast3A_970 : memref<321x64xi32, #tpu.memory_space<vmem>>[vector<16xi32>, vector<16xi32>], vector<16xi32>,
          %add3A_971 = arith.constant 16 : i32
          %add3A_972 = vector.broadcast %add3A_971 : i32 to vector<16xi32>
          %add3A_973 = arith.addi %iota3A, %add3A_972 : vector<16xi32>
          %gather3A_974 = tpu.vector_load_idx %arg8[%gather3A_955, %add3A_973] : memref<321x64xi32, #tpu.memory_space<vmem>>[vector<16xi32>, vector<16xi32>], vector<16xi32>,
          %bitcast3A_975 = vector.bitcast %gather3A_974 : vector<16xi32> to vector<32xbf16>
          %mul3A_976 = arith.constant 16 : i32
          %mul3A_977 = arith.muli %scan3A_179, %mul3A_976 : i32
          %add3A_978 = arith.constant 12 : i32
          %add3A_979 = arith.addi %mul3A_977, %add3A_978 : i32
          %get3A_980 = arith.index_cast %add3A_979 : i32 to index
          %get3A_981 = arith.constant 16 : index
          %get3A_982 = tpu.vector_load %arg13[%get3A_980, %get3A_981] {strides = array<i32>} : memref<64x64xi32, #tpu.memory_space<vmem>>, vector<16xi32>,
          %bitcast3A_983 = vector.bitcast %get3A_982 : vector<16xi32> to vector<32xbf16>
          %max3A_984 = arith.maximumf %bitcast3A_975, %bitcast3A_983 : vector<32xbf16>
          %bitcast3A_985 = vector.bitcast %max3A_984 : vector<32xbf16> to vector<16xi32>
          tpu.vector_store_idx %arg8[%gather3A_955, %add3A_973], %bitcast3A_985 : memref<321x64xi32, #tpu.memory_space<vmem>>[vector<16xi32>, vector<16xi32>], vector<16xi32>,
          %add3A_986 = arith.constant 32 : i32
          %add3A_987 = vector.broadcast %add3A_986 : i32 to vector<16xi32>
          %add3A_988 = arith.addi %iota3A, %add3A_987 : vector<16xi32>
          %gather3A_989 = tpu.vector_load_idx %arg8[%gather3A_955, %add3A_988] : memref<321x64xi32, #tpu.memory_space<vmem>>[vector<16xi32>, vector<16xi32>], vector<16xi32>,
          %bitcast3A_990 = vector.bitcast %gather3A_989 : vector<16xi32> to vector<32xbf16>
          %mul3A_991 = arith.constant 16 : i32
          %mul3A_992 = arith.muli %scan3A_179, %mul3A_991 : i32
          %add3A_993 = arith.constant 12 : i32
          %add3A_994 = arith.addi %mul3A_992, %add3A_993 : i32
          %get3A_995 = arith.index_cast %add3A_994 : i32 to index
          %get3A_996 = arith.constant 32 : index
          %get3A_997 = tpu.vector_load %arg13[%get3A_995, %get3A_996] {strides = array<i32>} : memref<64x64xi32, #tpu.memory_space<vmem>>, vector<16xi32>,
          %bitcast3A_998 = vector.bitcast %get3A_997 : vector<16xi32> to vector<32xbf16>
          %max3A_999 = arith.maximumf %bitcast3A_990, %bitcast3A_998 : vector<32xbf16>
          %bitcast3A_1000 = vector.bitcast %max3A_999 : vector<32xbf16> to vector<16xi32>
          tpu.vector_store_idx %arg8[%gather3A_955, %add3A_988], %bitcast3A_1000 : memref<321x64xi32, #tpu.memory_space<vmem>>[vector<16xi32>, vector<16xi32>], vector<16xi32>,
          %add3A_1001 = arith.constant 48 : i32
          %add3A_1002 = vector.broadcast %add3A_1001 : i32 to vector<16xi32>
          %add3A_1003 = arith.addi %iota3A, %add3A_1002 : vector<16xi32>
          %gather3A_1004 = tpu.vector_load_idx %arg8[%gather3A_955, %add3A_1003] : memref<321x64xi32, #tpu.memory_space<vmem>>[vector<16xi32>, vector<16xi32>], vector<16xi32>,
          %bitcast3A_1005 = vector.bitcast %gather3A_1004 : vector<16xi32> to vector<32xbf16>
          %mul3A_1006 = arith.constant 16 : i32
          %mul3A_1007 = arith.muli %scan3A_179, %mul3A_1006 : i32
          %add3A_1008 = arith.constant 12 : i32
          %add3A_1009 = arith.addi %mul3A_1007, %add3A_1008 : i32
          %get3A_1010 = arith.index_cast %add3A_1009 : i32 to index
          %get3A_1011 = arith.constant 48 : index
          %get3A_1012 = tpu.vector_load %arg13[%get3A_1010, %get3A_1011] {strides = array<i32>} : memref<64x64xi32, #tpu.memory_space<vmem>>, vector<16xi32>,
          %bitcast3A_1013 = vector.bitcast %get3A_1012 : vector<16xi32> to vector<32xbf16>
          %max3A_1014 = arith.maximumf %bitcast3A_1005, %bitcast3A_1013 : vector<32xbf16>
          %bitcast3A_1015 = vector.bitcast %max3A_1014 : vector<32xbf16> to vector<16xi32>
          tpu.vector_store_idx %arg8[%gather3A_955, %add3A_1003], %bitcast3A_1015 : memref<321x64xi32, #tpu.memory_space<vmem>>[vector<16xi32>, vector<16xi32>], vector<16xi32>,
          %broadcast_in_dim3A_1016 = arith.constant 13 : i32
          %broadcast_in_dim3A_1017 = vector.broadcast %broadcast_in_dim3A_1016 : i32 to vector<16x1xi32>
          %gather3A_1018 = vector.shape_cast %broadcast_in_dim3A_1017 : vector<16x1xi32> to vector<16xi32>
          %gather3A_1019 = tpu.dynamic_gather %get3A_186[%gather3A_1018] in [0] : vector<16xi32>, vector<16xi32> -> vector<16xi32>
          %add3A_1020 = arith.constant 0 : i32
          %add3A_1021 = vector.broadcast %add3A_1020 : i32 to vector<16xi32>
          %add3A_1022 = arith.addi %iota3A, %add3A_1021 : vector<16xi32>
          %gather3A_1023 = tpu.vector_load_idx %arg8[%gather3A_1019, %add3A_1022] : memref<321x64xi32, #tpu.memory_space<vmem>>[vector<16xi32>, vector<16xi32>], vector<16xi32>,
          %bitcast3A_1024 = vector.bitcast %gather3A_1023 : vector<16xi32> to vector<32xbf16>
          %mul3A_1025 = arith.constant 16 : i32
          %mul3A_1026 = arith.muli %scan3A_179, %mul3A_1025 : i32
          %add3A_1027 = arith.constant 13 : i32
          %add3A_1028 = arith.addi %mul3A_1026, %add3A_1027 : i32
          %get3A_1029 = arith.index_cast %add3A_1028 : i32 to index
          %get3A_1030 = arith.constant 0 : index
          %get3A_1031 = tpu.vector_load %arg13[%get3A_1029, %get3A_1030] {strides = array<i32>} : memref<64x64xi32, #tpu.memory_space<vmem>>, vector<16xi32>,
          %bitcast3A_1032 = vector.bitcast %get3A_1031 : vector<16xi32> to vector<32xbf16>
          %max3A_1033 = arith.maximumf %bitcast3A_1024, %bitcast3A_1032 : vector<32xbf16>
          %bitcast3A_1034 = vector.bitcast %max3A_1033 : vector<32xbf16> to vector<16xi32>
          tpu.vector_store_idx %arg8[%gather3A_1019, %add3A_1022], %bitcast3A_1034 : memref<321x64xi32, #tpu.memory_space<vmem>>[vector<16xi32>, vector<16xi32>], vector<16xi32>,
          %add3A_1035 = arith.constant 16 : i32
          %add3A_1036 = vector.broadcast %add3A_1035 : i32 to vector<16xi32>
          %add3A_1037 = arith.addi %iota3A, %add3A_1036 : vector<16xi32>
          %gather3A_1038 = tpu.vector_load_idx %arg8[%gather3A_1019, %add3A_1037] : memref<321x64xi32, #tpu.memory_space<vmem>>[vector<16xi32>, vector<16xi32>], vector<16xi32>,
          %bitcast3A_1039 = vector.bitcast %gather3A_1038 : vector<16xi32> to vector<32xbf16>
          %mul3A_1040 = arith.constant 16 : i32
          %mul3A_1041 = arith.muli %scan3A_179, %mul3A_1040 : i32
          %add3A_1042 = arith.constant 13 : i32
          %add3A_1043 = arith.addi %mul3A_1041, %add3A_1042 : i32
          %get3A_1044 = arith.index_cast %add3A_1043 : i32 to index
          %get3A_1045 = arith.constant 16 : index
          %get3A_1046 = tpu.vector_load %arg13[%get3A_1044, %get3A_1045] {strides = array<i32>} : memref<64x64xi32, #tpu.memory_space<vmem>>, vector<16xi32>,
          %bitcast3A_1047 = vector.bitcast %get3A_1046 : vector<16xi32> to vector<32xbf16>
          %max3A_1048 = arith.maximumf %bitcast3A_1039, %bitcast3A_1047 : vector<32xbf16>
          %bitcast3A_1049 = vector.bitcast %max3A_1048 : vector<32xbf16> to vector<16xi32>
          tpu.vector_store_idx %arg8[%gather3A_1019, %add3A_1037], %bitcast3A_1049 : memref<321x64xi32, #tpu.memory_space<vmem>>[vector<16xi32>, vector<16xi32>], vector<16xi32>,
          %add3A_1050 = arith.constant 32 : i32
          %add3A_1051 = vector.broadcast %add3A_1050 : i32 to vector<16xi32>
          %add3A_1052 = arith.addi %iota3A, %add3A_1051 : vector<16xi32>
          %gather3A_1053 = tpu.vector_load_idx %arg8[%gather3A_1019, %add3A_1052] : memref<321x64xi32, #tpu.memory_space<vmem>>[vector<16xi32>, vector<16xi32>], vector<16xi32>,
          %bitcast3A_1054 = vector.bitcast %gather3A_1053 : vector<16xi32> to vector<32xbf16>
          %mul3A_1055 = arith.constant 16 : i32
          %mul3A_1056 = arith.muli %scan3A_179, %mul3A_1055 : i32
          %add3A_1057 = arith.constant 13 : i32
          %add3A_1058 = arith.addi %mul3A_1056, %add3A_1057 : i32
          %get3A_1059 = arith.index_cast %add3A_1058 : i32 to index
          %get3A_1060 = arith.constant 32 : index
          %get3A_1061 = tpu.vector_load %arg13[%get3A_1059, %get3A_1060] {strides = array<i32>} : memref<64x64xi32, #tpu.memory_space<vmem>>, vector<16xi32>,
          %bitcast3A_1062 = vector.bitcast %get3A_1061 : vector<16xi32> to vector<32xbf16>
          %max3A_1063 = arith.maximumf %bitcast3A_1054, %bitcast3A_1062 : vector<32xbf16>
          %bitcast3A_1064 = vector.bitcast %max3A_1063 : vector<32xbf16> to vector<16xi32>
          tpu.vector_store_idx %arg8[%gather3A_1019, %add3A_1052], %bitcast3A_1064 : memref<321x64xi32, #tpu.memory_space<vmem>>[vector<16xi32>, vector<16xi32>], vector<16xi32>,
          %add3A_1065 = arith.constant 48 : i32
          %add3A_1066 = vector.broadcast %add3A_1065 : i32 to vector<16xi32>
          %add3A_1067 = arith.addi %iota3A, %add3A_1066 : vector<16xi32>
          %gather3A_1068 = tpu.vector_load_idx %arg8[%gather3A_1019, %add3A_1067] : memref<321x64xi32, #tpu.memory_space<vmem>>[vector<16xi32>, vector<16xi32>], vector<16xi32>,
          %bitcast3A_1069 = vector.bitcast %gather3A_1068 : vector<16xi32> to vector<32xbf16>
          %mul3A_1070 = arith.constant 16 : i32
          %mul3A_1071 = arith.muli %scan3A_179, %mul3A_1070 : i32
          %add3A_1072 = arith.constant 13 : i32
          %add3A_1073 = arith.addi %mul3A_1071, %add3A_1072 : i32
          %get3A_1074 = arith.index_cast %add3A_1073 : i32 to index
          %get3A_1075 = arith.constant 48 : index
          %get3A_1076 = tpu.vector_load %arg13[%get3A_1074, %get3A_1075] {strides = array<i32>} : memref<64x64xi32, #tpu.memory_space<vmem>>, vector<16xi32>,
          %bitcast3A_1077 = vector.bitcast %get3A_1076 : vector<16xi32> to vector<32xbf16>
          %max3A_1078 = arith.maximumf %bitcast3A_1069, %bitcast3A_1077 : vector<32xbf16>
          %bitcast3A_1079 = vector.bitcast %max3A_1078 : vector<32xbf16> to vector<16xi32>
          tpu.vector_store_idx %arg8[%gather3A_1019, %add3A_1067], %bitcast3A_1079 : memref<321x64xi32, #tpu.memory_space<vmem>>[vector<16xi32>, vector<16xi32>], vector<16xi32>,
          %broadcast_in_dim3A_1080 = arith.constant 14 : i32
          %broadcast_in_dim3A_1081 = vector.broadcast %broadcast_in_dim3A_1080 : i32 to vector<16x1xi32>
          %gather3A_1082 = vector.shape_cast %broadcast_in_dim3A_1081 : vector<16x1xi32> to vector<16xi32>
          %gather3A_1083 = tpu.dynamic_gather %get3A_186[%gather3A_1082] in [0] : vector<16xi32>, vector<16xi32> -> vector<16xi32>
          %add3A_1084 = arith.constant 0 : i32
          %add3A_1085 = vector.broadcast %add3A_1084 : i32 to vector<16xi32>
          %add3A_1086 = arith.addi %iota3A, %add3A_1085 : vector<16xi32>
          %gather3A_1087 = tpu.vector_load_idx %arg8[%gather3A_1083, %add3A_1086] : memref<321x64xi32, #tpu.memory_space<vmem>>[vector<16xi32>, vector<16xi32>], vector<16xi32>,
          %bitcast3A_1088 = vector.bitcast %gather3A_1087 : vector<16xi32> to vector<32xbf16>
          %mul3A_1089 = arith.constant 16 : i32
          %mul3A_1090 = arith.muli %scan3A_179, %mul3A_1089 : i32
          %add3A_1091 = arith.constant 14 : i32
          %add3A_1092 = arith.addi %mul3A_1090, %add3A_1091 : i32
          %get3A_1093 = arith.index_cast %add3A_1092 : i32 to index
          %get3A_1094 = arith.constant 0 : index
          %get3A_1095 = tpu.vector_load %arg13[%get3A_1093, %get3A_1094] {strides = array<i32>} : memref<64x64xi32, #tpu.memory_space<vmem>>, vector<16xi32>,
          %bitcast3A_1096 = vector.bitcast %get3A_1095 : vector<16xi32> to vector<32xbf16>
          %max3A_1097 = arith.maximumf %bitcast3A_1088, %bitcast3A_1096 : vector<32xbf16>
          %bitcast3A_1098 = vector.bitcast %max3A_1097 : vector<32xbf16> to vector<16xi32>
          tpu.vector_store_idx %arg8[%gather3A_1083, %add3A_1086], %bitcast3A_1098 : memref<321x64xi32, #tpu.memory_space<vmem>>[vector<16xi32>, vector<16xi32>], vector<16xi32>,
          %add3A_1099 = arith.constant 16 : i32
          %add3A_1100 = vector.broadcast %add3A_1099 : i32 to vector<16xi32>
          %add3A_1101 = arith.addi %iota3A, %add3A_1100 : vector<16xi32>
          %gather3A_1102 = tpu.vector_load_idx %arg8[%gather3A_1083, %add3A_1101] : memref<321x64xi32, #tpu.memory_space<vmem>>[vector<16xi32>, vector<16xi32>], vector<16xi32>,
          %bitcast3A_1103 = vector.bitcast %gather3A_1102 : vector<16xi32> to vector<32xbf16>
          %mul3A_1104 = arith.constant 16 : i32
          %mul3A_1105 = arith.muli %scan3A_179, %mul3A_1104 : i32
          %add3A_1106 = arith.constant 14 : i32
          %add3A_1107 = arith.addi %mul3A_1105, %add3A_1106 : i32
          %get3A_1108 = arith.index_cast %add3A_1107 : i32 to index
          %get3A_1109 = arith.constant 16 : index
          %get3A_1110 = tpu.vector_load %arg13[%get3A_1108, %get3A_1109] {strides = array<i32>} : memref<64x64xi32, #tpu.memory_space<vmem>>, vector<16xi32>,
          %bitcast3A_1111 = vector.bitcast %get3A_1110 : vector<16xi32> to vector<32xbf16>
          %max3A_1112 = arith.maximumf %bitcast3A_1103, %bitcast3A_1111 : vector<32xbf16>
          %bitcast3A_1113 = vector.bitcast %max3A_1112 : vector<32xbf16> to vector<16xi32>
          tpu.vector_store_idx %arg8[%gather3A_1083, %add3A_1101], %bitcast3A_1113 : memref<321x64xi32, #tpu.memory_space<vmem>>[vector<16xi32>, vector<16xi32>], vector<16xi32>,
          %add3A_1114 = arith.constant 32 : i32
          %add3A_1115 = vector.broadcast %add3A_1114 : i32 to vector<16xi32>
          %add3A_1116 = arith.addi %iota3A, %add3A_1115 : vector<16xi32>
          %gather3A_1117 = tpu.vector_load_idx %arg8[%gather3A_1083, %add3A_1116] : memref<321x64xi32, #tpu.memory_space<vmem>>[vector<16xi32>, vector<16xi32>], vector<16xi32>,
          %bitcast3A_1118 = vector.bitcast %gather3A_1117 : vector<16xi32> to vector<32xbf16>
          %mul3A_1119 = arith.constant 16 : i32
          %mul3A_1120 = arith.muli %scan3A_179, %mul3A_1119 : i32
          %add3A_1121 = arith.constant 14 : i32
          %add3A_1122 = arith.addi %mul3A_1120, %add3A_1121 : i32
          %get3A_1123 = arith.index_cast %add3A_1122 : i32 to index
          %get3A_1124 = arith.constant 32 : index
          %get3A_1125 = tpu.vector_load %arg13[%get3A_1123, %get3A_1124] {strides = array<i32>} : memref<64x64xi32, #tpu.memory_space<vmem>>, vector<16xi32>,
          %bitcast3A_1126 = vector.bitcast %get3A_1125 : vector<16xi32> to vector<32xbf16>
          %max3A_1127 = arith.maximumf %bitcast3A_1118, %bitcast3A_1126 : vector<32xbf16>
          %bitcast3A_1128 = vector.bitcast %max3A_1127 : vector<32xbf16> to vector<16xi32>
          tpu.vector_store_idx %arg8[%gather3A_1083, %add3A_1116], %bitcast3A_1128 : memref<321x64xi32, #tpu.memory_space<vmem>>[vector<16xi32>, vector<16xi32>], vector<16xi32>,
          %add3A_1129 = arith.constant 48 : i32
          %add3A_1130 = vector.broadcast %add3A_1129 : i32 to vector<16xi32>
          %add3A_1131 = arith.addi %iota3A, %add3A_1130 : vector<16xi32>
          %gather3A_1132 = tpu.vector_load_idx %arg8[%gather3A_1083, %add3A_1131] : memref<321x64xi32, #tpu.memory_space<vmem>>[vector<16xi32>, vector<16xi32>], vector<16xi32>,
          %bitcast3A_1133 = vector.bitcast %gather3A_1132 : vector<16xi32> to vector<32xbf16>
          %mul3A_1134 = arith.constant 16 : i32
          %mul3A_1135 = arith.muli %scan3A_179, %mul3A_1134 : i32
          %add3A_1136 = arith.constant 14 : i32
          %add3A_1137 = arith.addi %mul3A_1135, %add3A_1136 : i32
          %get3A_1138 = arith.index_cast %add3A_1137 : i32 to index
          %get3A_1139 = arith.constant 48 : index
          %get3A_1140 = tpu.vector_load %arg13[%get3A_1138, %get3A_1139] {strides = array<i32>} : memref<64x64xi32, #tpu.memory_space<vmem>>, vector<16xi32>,
          %bitcast3A_1141 = vector.bitcast %get3A_1140 : vector<16xi32> to vector<32xbf16>
          %max3A_1142 = arith.maximumf %bitcast3A_1133, %bitcast3A_1141 : vector<32xbf16>
          %bitcast3A_1143 = vector.bitcast %max3A_1142 : vector<32xbf16> to vector<16xi32>
          tpu.vector_store_idx %arg8[%gather3A_1083, %add3A_1131], %bitcast3A_1143 : memref<321x64xi32, #tpu.memory_space<vmem>>[vector<16xi32>, vector<16xi32>], vector<16xi32>,
          %broadcast_in_dim3A_1144 = arith.constant 15 : i32
          %broadcast_in_dim3A_1145 = vector.broadcast %broadcast_in_dim3A_1144 : i32 to vector<16x1xi32>
          %gather3A_1146 = vector.shape_cast %broadcast_in_dim3A_1145 : vector<16x1xi32> to vector<16xi32>
          %gather3A_1147 = tpu.dynamic_gather %get3A_186[%gather3A_1146] in [0] : vector<16xi32>, vector<16xi32> -> vector<16xi32>
          %add3A_1148 = arith.constant 0 : i32
          %add3A_1149 = vector.broadcast %add3A_1148 : i32 to vector<16xi32>
          %add3A_1150 = arith.addi %iota3A, %add3A_1149 : vector<16xi32>
          %gather3A_1151 = tpu.vector_load_idx %arg8[%gather3A_1147, %add3A_1150] : memref<321x64xi32, #tpu.memory_space<vmem>>[vector<16xi32>, vector<16xi32>], vector<16xi32>,
          %bitcast3A_1152 = vector.bitcast %gather3A_1151 : vector<16xi32> to vector<32xbf16>
          %mul3A_1153 = arith.constant 16 : i32
          %mul3A_1154 = arith.muli %scan3A_179, %mul3A_1153 : i32
          %add3A_1155 = arith.constant 15 : i32
          %add3A_1156 = arith.addi %mul3A_1154, %add3A_1155 : i32
          %get3A_1157 = arith.index_cast %add3A_1156 : i32 to index
          %get3A_1158 = arith.constant 0 : index
          %get3A_1159 = tpu.vector_load %arg13[%get3A_1157, %get3A_1158] {strides = array<i32>} : memref<64x64xi32, #tpu.memory_space<vmem>>, vector<16xi32>,
          %bitcast3A_1160 = vector.bitcast %get3A_1159 : vector<16xi32> to vector<32xbf16>
          %max3A_1161 = arith.maximumf %bitcast3A_1152, %bitcast3A_1160 : vector<32xbf16>
          %bitcast3A_1162 = vector.bitcast %max3A_1161 : vector<32xbf16> to vector<16xi32>
          tpu.vector_store_idx %arg8[%gather3A_1147, %add3A_1150], %bitcast3A_1162 : memref<321x64xi32, #tpu.memory_space<vmem>>[vector<16xi32>, vector<16xi32>], vector<16xi32>,
          %add3A_1163 = arith.constant 16 : i32
          %add3A_1164 = vector.broadcast %add3A_1163 : i32 to vector<16xi32>
          %add3A_1165 = arith.addi %iota3A, %add3A_1164 : vector<16xi32>
          %gather3A_1166 = tpu.vector_load_idx %arg8[%gather3A_1147, %add3A_1165] : memref<321x64xi32, #tpu.memory_space<vmem>>[vector<16xi32>, vector<16xi32>], vector<16xi32>,
          %bitcast3A_1167 = vector.bitcast %gather3A_1166 : vector<16xi32> to vector<32xbf16>
          %mul3A_1168 = arith.constant 16 : i32
          %mul3A_1169 = arith.muli %scan3A_179, %mul3A_1168 : i32
          %add3A_1170 = arith.constant 15 : i32
          %add3A_1171 = arith.addi %mul3A_1169, %add3A_1170 : i32
          %get3A_1172 = arith.index_cast %add3A_1171 : i32 to index
          %get3A_1173 = arith.constant 16 : index
          %get3A_1174 = tpu.vector_load %arg13[%get3A_1172, %get3A_1173] {strides = array<i32>} : memref<64x64xi32, #tpu.memory_space<vmem>>, vector<16xi32>,
          %bitcast3A_1175 = vector.bitcast %get3A_1174 : vector<16xi32> to vector<32xbf16>
          %max3A_1176 = arith.maximumf %bitcast3A_1167, %bitcast3A_1175 : vector<32xbf16>
          %bitcast3A_1177 = vector.bitcast %max3A_1176 : vector<32xbf16> to vector<16xi32>
          tpu.vector_store_idx %arg8[%gather3A_1147, %add3A_1165], %bitcast3A_1177 : memref<321x64xi32, #tpu.memory_space<vmem>>[vector<16xi32>, vector<16xi32>], vector<16xi32>,
          %add3A_1178 = arith.constant 32 : i32
          %add3A_1179 = vector.broadcast %add3A_1178 : i32 to vector<16xi32>
          %add3A_1180 = arith.addi %iota3A, %add3A_1179 : vector<16xi32>
          %gather3A_1181 = tpu.vector_load_idx %arg8[%gather3A_1147, %add3A_1180] : memref<321x64xi32, #tpu.memory_space<vmem>>[vector<16xi32>, vector<16xi32>], vector<16xi32>,
          %bitcast3A_1182 = vector.bitcast %gather3A_1181 : vector<16xi32> to vector<32xbf16>
          %mul3A_1183 = arith.constant 16 : i32
          %mul3A_1184 = arith.muli %scan3A_179, %mul3A_1183 : i32
          %add3A_1185 = arith.constant 15 : i32
          %add3A_1186 = arith.addi %mul3A_1184, %add3A_1185 : i32
          %get3A_1187 = arith.index_cast %add3A_1186 : i32 to index
          %get3A_1188 = arith.constant 32 : index
          %get3A_1189 = tpu.vector_load %arg13[%get3A_1187, %get3A_1188] {strides = array<i32>} : memref<64x64xi32, #tpu.memory_space<vmem>>, vector<16xi32>,
          %bitcast3A_1190 = vector.bitcast %get3A_1189 : vector<16xi32> to vector<32xbf16>
          %max3A_1191 = arith.maximumf %bitcast3A_1182, %bitcast3A_1190 : vector<32xbf16>
          %bitcast3A_1192 = vector.bitcast %max3A_1191 : vector<32xbf16> to vector<16xi32>
          tpu.vector_store_idx %arg8[%gather3A_1147, %add3A_1180], %bitcast3A_1192 : memref<321x64xi32, #tpu.memory_space<vmem>>[vector<16xi32>, vector<16xi32>], vector<16xi32>,
          %add3A_1193 = arith.constant 48 : i32
          %add3A_1194 = vector.broadcast %add3A_1193 : i32 to vector<16xi32>
          %add3A_1195 = arith.addi %iota3A, %add3A_1194 : vector<16xi32>
          %gather3A_1196 = tpu.vector_load_idx %arg8[%gather3A_1147, %add3A_1195] : memref<321x64xi32, #tpu.memory_space<vmem>>[vector<16xi32>, vector<16xi32>], vector<16xi32>,
          %bitcast3A_1197 = vector.bitcast %gather3A_1196 : vector<16xi32> to vector<32xbf16>
          %mul3A_1198 = arith.constant 16 : i32
          %mul3A_1199 = arith.muli %scan3A_179, %mul3A_1198 : i32
          %add3A_1200 = arith.constant 15 : i32
          %add3A_1201 = arith.addi %mul3A_1199, %add3A_1200 : i32
          %get3A_1202 = arith.index_cast %add3A_1201 : i32 to index
          %get3A_1203 = arith.constant 48 : index
          %get3A_1204 = tpu.vector_load %arg13[%get3A_1202, %get3A_1203] {strides = array<i32>} : memref<64x64xi32, #tpu.memory_space<vmem>>, vector<16xi32>,
          %bitcast3A_1205 = vector.bitcast %get3A_1204 : vector<16xi32> to vector<32xbf16>
          %max3A_1206 = arith.maximumf %bitcast3A_1197, %bitcast3A_1205 : vector<32xbf16>
          %bitcast3A_1207 = vector.bitcast %max3A_1206 : vector<32xbf16> to vector<16xi32>
          tpu.vector_store_idx %arg8[%gather3A_1147, %add3A_1195], %bitcast3A_1207 : memref<321x64xi32, #tpu.memory_space<vmem>>[vector<16xi32>, vector<16xi32>], vector<16xi32>,
          %scan3A_1208 = arith.constant 0 : i32
          scf.yield %scan3A_1208 : i32
        }
        %scan3A_177 = arith.constant 4 : i32
        %while3A_178 = arith.constant 0 : i32
        scf.yield %while3A_178 : i32
      }
      %while3A_156 = arith.constant 1 : i32
      %while3A_157 = scf.for %while3A_159 = %while3A_153 to %while3A_149 step %while3A_156 iter_args(%while3A_160 = %while3A_155) -> (i32)  : i32 {
        %mul3A_161 = arith.constant 64 : i32
        %mul3A_162 = arith.muli %while3A_159, %mul3A_161 : i32
        %dma_start3A_163 = tpu.memref_slice %arg12[%mul3A_162] : memref<3264xi32, #tpu.memory_space<vmem>> -> memref<64xi32, #tpu.memory_space<vmem>>
        %dma_start3A_164 = arith.constant 0 : i32
        %dma_start3A_165 = arith.constant 0 : i32
        %dma_start3A_166 = tpu.memref_slice %arg3[%dma_start3A_164, %dma_start3A_165] : memref<10240x64xi32, #tpu.memory_space<hbm>> -> memref<10240x64xi32, #tpu.memory_space<hbm>>
        tpu.enqueue_indirect_dma source(%dma_start3A_166 : memref<10240x64xi32, #tpu.memory_space<hbm>>) target(%arg13 : memref<64x64xi32, #tpu.memory_space<vmem>>) offsets(%dma_start3A_163 : memref<64xi32, #tpu.memory_space<vmem>>) semaphore(%arg19 : memref<!tpu.dma_semaphore, #tpu.memory_space<semaphore_mem>>)
        %dma_wait3A_167 = tpu.memref_slice %arg12[%mul3A_162] : memref<3264xi32, #tpu.memory_space<vmem>> -> memref<64xi32, #tpu.memory_space<vmem>>
        %dma_wait3A_168 = arith.constant 0 : i32
        %dma_wait3A_169 = arith.constant 0 : i32
        %dma_wait3A_170 = tpu.memref_slice %arg3[%dma_wait3A_168, %dma_wait3A_169] : memref<10240x64xi32, #tpu.memory_space<hbm>> -> memref<10240x64xi32, #tpu.memory_space<hbm>>
        tpu.wait_indirect_dma semaphore(%arg19 : memref<!tpu.dma_semaphore, #tpu.memory_space<semaphore_mem>>) src(%dma_wait3A_170 : memref<10240x64xi32, #tpu.memory_space<hbm>>) dst(%arg13 : memref<64x64xi32, #tpu.memory_space<vmem>>)
        %scan3A_171 = arith.constant 0 : i32
        %scan3A_172 = arith.constant 0 : i32
        %scan3A_173 = arith.constant 4 : i32
        %scan3A_174 = arith.addi %scan3A_172, %scan3A_173 : i32
        %scan3A_175 = arith.constant 1 : i32
        %scan3A_176 = scf.for %scan3A_179 = %scan3A_172 to %scan3A_174 step %scan3A_175 iter_args(%scan3A_180 = %scan3A_171) -> (i32)  : i32 {
          %mul3A_181 = arith.constant 64 : i32
          %mul3A_182 = arith.muli %while3A_159, %mul3A_181 : i32
          %mul3A_183 = arith.constant 16 : i32
          %mul3A_184 = arith.muli %scan3A_179, %mul3A_183 : i32
          %add3A_185 = arith.addi %mul3A_182, %mul3A_184 : i32
          %get3A = arith.index_cast %add3A_185 : i32 to index
          %get3A_186 = tpu.vector_load %arg11[%get3A] {strides = array<i32>} : memref<3264xi32, #tpu.memory_space<vmem>>, vector<16xi32>,
          %broadcast_in_dim3A_187 = arith.constant 0 : i32
          %broadcast_in_dim3A_188 = vector.broadcast %broadcast_in_dim3A_187 : i32 to vector<16x1xi32>
          %gather3A = vector.shape_cast %broadcast_in_dim3A_188 : vector<16x1xi32> to vector<16xi32>
          %gather3A_189 = tpu.dynamic_gather %get3A_186[%gather3A] in [0] : vector<16xi32>, vector<16xi32> -> vector<16xi32>
          %add3A_190 = arith.constant 0 : i32
          %add3A_191 = vector.broadcast %add3A_190 : i32 to vector<16xi32>
          %add3A_192 = arith.addi %iota3A, %add3A_191 : vector<16xi32>
          %gather3A_193 = tpu.vector_load_idx %arg8[%gather3A_189, %add3A_192] : memref<321x64xi32, #tpu.memory_space<vmem>>[vector<16xi32>, vector<16xi32>], vector<16xi32>,
          %bitcast3A = vector.bitcast %gather3A_193 : vector<16xi32> to vector<32xbf16>
          %mul3A_194 = arith.constant 16 : i32
          %mul3A_195 = arith.muli %scan3A_179, %mul3A_194 : i32
          %add3A_196 = arith.constant 0 : i32
          %add3A_197 = arith.addi %mul3A_195, %add3A_196 : i32
          %get3A_198 = arith.index_cast %add3A_197 : i32 to index
          %get3A_199 = arith.constant 0 : index
          %get3A_200 = tpu.vector_load %arg13[%get3A_198, %get3A_199] {strides = array<i32>} : memref<64x64xi32, #tpu.memory_space<vmem>>, vector<16xi32>,
          %bitcast3A_201 = vector.bitcast %get3A_200 : vector<16xi32> to vector<32xbf16>
          %max3A = arith.maximumf %bitcast3A, %bitcast3A_201 : vector<32xbf16>
          %bitcast3A_202 = vector.bitcast %max3A : vector<32xbf16> to vector<16xi32>
          tpu.vector_store_idx %arg8[%gather3A_189, %add3A_192], %bitcast3A_202 : memref<321x64xi32, #tpu.memory_space<vmem>>[vector<16xi32>, vector<16xi32>], vector<16xi32>,
          %add3A_203 = arith.constant 16 : i32
          %add3A_204 = vector.broadcast %add3A_203 : i32 to vector<16xi32>
          %add3A_205 = arith.addi %iota3A, %add3A_204 : vector<16xi32>
          %gather3A_206 = tpu.vector_load_idx %arg8[%gather3A_189, %add3A_205] : memref<321x64xi32, #tpu.memory_space<vmem>>[vector<16xi32>, vector<16xi32>], vector<16xi32>,
          %bitcast3A_207 = vector.bitcast %gather3A_206 : vector<16xi32> to vector<32xbf16>
          %mul3A_208 = arith.constant 16 : i32
          %mul3A_209 = arith.muli %scan3A_179, %mul3A_208 : i32
          %add3A_210 = arith.constant 0 : i32
          %add3A_211 = arith.addi %mul3A_209, %add3A_210 : i32
          %get3A_212 = arith.index_cast %add3A_211 : i32 to index
          %get3A_213 = arith.constant 16 : index
          %get3A_214 = tpu.vector_load %arg13[%get3A_212, %get3A_213] {strides = array<i32>} : memref<64x64xi32, #tpu.memory_space<vmem>>, vector<16xi32>,
          %bitcast3A_215 = vector.bitcast %get3A_214 : vector<16xi32> to vector<32xbf16>
          %max3A_216 = arith.maximumf %bitcast3A_207, %bitcast3A_215 : vector<32xbf16>
          %bitcast3A_217 = vector.bitcast %max3A_216 : vector<32xbf16> to vector<16xi32>
          tpu.vector_store_idx %arg8[%gather3A_189, %add3A_205], %bitcast3A_217 : memref<321x64xi32, #tpu.memory_space<vmem>>[vector<16xi32>, vector<16xi32>], vector<16xi32>,
          %add3A_218 = arith.constant 32 : i32
          %add3A_219 = vector.broadcast %add3A_218 : i32 to vector<16xi32>
          %add3A_220 = arith.addi %iota3A, %add3A_219 : vector<16xi32>
          %gather3A_221 = tpu.vector_load_idx %arg8[%gather3A_189, %add3A_220] : memref<321x64xi32, #tpu.memory_space<vmem>>[vector<16xi32>, vector<16xi32>], vector<16xi32>,
          %bitcast3A_222 = vector.bitcast %gather3A_221 : vector<16xi32> to vector<32xbf16>
          %mul3A_223 = arith.constant 16 : i32
          %mul3A_224 = arith.muli %scan3A_179, %mul3A_223 : i32
          %add3A_225 = arith.constant 0 : i32
          %add3A_226 = arith.addi %mul3A_224, %add3A_225 : i32
          %get3A_227 = arith.index_cast %add3A_226 : i32 to index
          %get3A_228 = arith.constant 32 : index
          %get3A_229 = tpu.vector_load %arg13[%get3A_227, %get3A_228] {strides = array<i32>} : memref<64x64xi32, #tpu.memory_space<vmem>>, vector<16xi32>,
          %bitcast3A_230 = vector.bitcast %get3A_229 : vector<16xi32> to vector<32xbf16>
          %max3A_231 = arith.maximumf %bitcast3A_222, %bitcast3A_230 : vector<32xbf16>
          %bitcast3A_232 = vector.bitcast %max3A_231 : vector<32xbf16> to vector<16xi32>
          tpu.vector_store_idx %arg8[%gather3A_189, %add3A_220], %bitcast3A_232 : memref<321x64xi32, #tpu.memory_space<vmem>>[vector<16xi32>, vector<16xi32>], vector<16xi32>,
          %add3A_233 = arith.constant 48 : i32
          %add3A_234 = vector.broadcast %add3A_233 : i32 to vector<16xi32>
          %add3A_235 = arith.addi %iota3A, %add3A_234 : vector<16xi32>
          %gather3A_236 = tpu.vector_load_idx %arg8[%gather3A_189, %add3A_235] : memref<321x64xi32, #tpu.memory_space<vmem>>[vector<16xi32>, vector<16xi32>], vector<16xi32>,
          %bitcast3A_237 = vector.bitcast %gather3A_236 : vector<16xi32> to vector<32xbf16>
          %mul3A_238 = arith.constant 16 : i32
          %mul3A_239 = arith.muli %scan3A_179, %mul3A_238 : i32
          %add3A_240 = arith.constant 0 : i32
          %add3A_241 = arith.addi %mul3A_239, %add3A_240 : i32
          %get3A_242 = arith.index_cast %add3A_241 : i32 to index
          %get3A_243 = arith.constant 48 : index
          %get3A_244 = tpu.vector_load %arg13[%get3A_242, %get3A_243] {strides = array<i32>} : memref<64x64xi32, #tpu.memory_space<vmem>>, vector<16xi32>,
          %bitcast3A_245 = vector.bitcast %get3A_244 : vector<16xi32> to vector<32xbf16>
          %max3A_246 = arith.maximumf %bitcast3A_237, %bitcast3A_245 : vector<32xbf16>
          %bitcast3A_247 = vector.bitcast %max3A_246 : vector<32xbf16> to vector<16xi32>
          tpu.vector_store_idx %arg8[%gather3A_189, %add3A_235], %bitcast3A_247 : memref<321x64xi32, #tpu.memory_space<vmem>>[vector<16xi32>, vector<16xi32>], vector<16xi32>,
          %broadcast_in_dim3A_248 = arith.constant 1 : i32
          %broadcast_in_dim3A_249 = vector.broadcast %broadcast_in_dim3A_248 : i32 to vector<16x1xi32>
          %gather3A_250 = vector.shape_cast %broadcast_in_dim3A_249 : vector<16x1xi32> to vector<16xi32>
          %gather3A_251 = tpu.dynamic_gather %get3A_186[%gather3A_250] in [0] : vector<16xi32>, vector<16xi32> -> vector<16xi32>
          %add3A_252 = arith.constant 0 : i32
          %add3A_253 = vector.broadcast %add3A_252 : i32 to vector<16xi32>
          %add3A_254 = arith.addi %iota3A, %add3A_253 : vector<16xi32>
          %gather3A_255 = tpu.vector_load_idx %arg8[%gather3A_251, %add3A_254] : memref<321x64xi32, #tpu.memory_space<vmem>>[vector<16xi32>, vector<16xi32>], vector<16xi32>,
          %bitcast3A_256 = vector.bitcast %gather3A_255 : vector<16xi32> to vector<32xbf16>
          %mul3A_257 = arith.constant 16 : i32
          %mul3A_258 = arith.muli %scan3A_179, %mul3A_257 : i32
          %add3A_259 = arith.constant 1 : i32
          %add3A_260 = arith.addi %mul3A_258, %add3A_259 : i32
          %get3A_261 = arith.index_cast %add3A_260 : i32 to index
          %get3A_262 = arith.constant 0 : index
          %get3A_263 = tpu.vector_load %arg13[%get3A_261, %get3A_262] {strides = array<i32>} : memref<64x64xi32, #tpu.memory_space<vmem>>, vector<16xi32>,
          %bitcast3A_264 = vector.bitcast %get3A_263 : vector<16xi32> to vector<32xbf16>
          %max3A_265 = arith.maximumf %bitcast3A_256, %bitcast3A_264 : vector<32xbf16>
          %bitcast3A_266 = vector.bitcast %max3A_265 : vector<32xbf16> to vector<16xi32>
          tpu.vector_store_idx %arg8[%gather3A_251, %add3A_254], %bitcast3A_266 : memref<321x64xi32, #tpu.memory_space<vmem>>[vector<16xi32>, vector<16xi32>], vector<16xi32>,
          %add3A_267 = arith.constant 16 : i32
          %add3A_268 = vector.broadcast %add3A_267 : i32 to vector<16xi32>
          %add3A_269 = arith.addi %iota3A, %add3A_268 : vector<16xi32>
          %gather3A_270 = tpu.vector_load_idx %arg8[%gather3A_251, %add3A_269] : memref<321x64xi32, #tpu.memory_space<vmem>>[vector<16xi32>, vector<16xi32>], vector<16xi32>,
          %bitcast3A_271 = vector.bitcast %gather3A_270 : vector<16xi32> to vector<32xbf16>
          %mul3A_272 = arith.constant 16 : i32
          %mul3A_273 = arith.muli %scan3A_179, %mul3A_272 : i32
          %add3A_274 = arith.constant 1 : i32
          %add3A_275 = arith.addi %mul3A_273, %add3A_274 : i32
          %get3A_276 = arith.index_cast %add3A_275 : i32 to index
          %get3A_277 = arith.constant 16 : index
          %get3A_278 = tpu.vector_load %arg13[%get3A_276, %get3A_277] {strides = array<i32>} : memref<64x64xi32, #tpu.memory_space<vmem>>, vector<16xi32>,
          %bitcast3A_279 = vector.bitcast %get3A_278 : vector<16xi32> to vector<32xbf16>
          %max3A_280 = arith.maximumf %bitcast3A_271, %bitcast3A_279 : vector<32xbf16>
          %bitcast3A_281 = vector.bitcast %max3A_280 : vector<32xbf16> to vector<16xi32>
          tpu.vector_store_idx %arg8[%gather3A_251, %add3A_269], %bitcast3A_281 : memref<321x64xi32, #tpu.memory_space<vmem>>[vector<16xi32>, vector<16xi32>], vector<16xi32>,
          %add3A_282 = arith.constant 32 : i32
          %add3A_283 = vector.broadcast %add3A_282 : i32 to vector<16xi32>
          %add3A_284 = arith.addi %iota3A, %add3A_283 : vector<16xi32>
          %gather3A_285 = tpu.vector_load_idx %arg8[%gather3A_251, %add3A_284] : memref<321x64xi32, #tpu.memory_space<vmem>>[vector<16xi32>, vector<16xi32>], vector<16xi32>,
          %bitcast3A_286 = vector.bitcast %gather3A_285 : vector<16xi32> to vector<32xbf16>
          %mul3A_287 = arith.constant 16 : i32
          %mul3A_288 = arith.muli %scan3A_179, %mul3A_287 : i32
          %add3A_289 = arith.constant 1 : i32
          %add3A_290 = arith.addi %mul3A_288, %add3A_289 : i32
          %get3A_291 = arith.index_cast %add3A_290 : i32 to index
          %get3A_292 = arith.constant 32 : index
          %get3A_293 = tpu.vector_load %arg13[%get3A_291, %get3A_292] {strides = array<i32>} : memref<64x64xi32, #tpu.memory_space<vmem>>, vector<16xi32>,
          %bitcast3A_294 = vector.bitcast %get3A_293 : vector<16xi32> to vector<32xbf16>
          %max3A_295 = arith.maximumf %bitcast3A_286, %bitcast3A_294 : vector<32xbf16>
          %bitcast3A_296 = vector.bitcast %max3A_295 : vector<32xbf16> to vector<16xi32>
          tpu.vector_store_idx %arg8[%gather3A_251, %add3A_284], %bitcast3A_296 : memref<321x64xi32, #tpu.memory_space<vmem>>[vector<16xi32>, vector<16xi32>], vector<16xi32>,
          %add3A_297 = arith.constant 48 : i32
          %add3A_298 = vector.broadcast %add3A_297 : i32 to vector<16xi32>
          %add3A_299 = arith.addi %iota3A, %add3A_298 : vector<16xi32>
          %gather3A_300 = tpu.vector_load_idx %arg8[%gather3A_251, %add3A_299] : memref<321x64xi32, #tpu.memory_space<vmem>>[vector<16xi32>, vector<16xi32>], vector<16xi32>,
          %bitcast3A_301 = vector.bitcast %gather3A_300 : vector<16xi32> to vector<32xbf16>
          %mul3A_302 = arith.constant 16 : i32
          %mul3A_303 = arith.muli %scan3A_179, %mul3A_302 : i32
          %add3A_304 = arith.constant 1 : i32
          %add3A_305 = arith.addi %mul3A_303, %add3A_304 : i32
          %get3A_306 = arith.index_cast %add3A_305 : i32 to index
          %get3A_307 = arith.constant 48 : index
          %get3A_308 = tpu.vector_load %arg13[%get3A_306, %get3A_307] {strides = array<i32>} : memref<64x64xi32, #tpu.memory_space<vmem>>, vector<16xi32>,
          %bitcast3A_309 = vector.bitcast %get3A_308 : vector<16xi32> to vector<32xbf16>
          %max3A_310 = arith.maximumf %bitcast3A_301, %bitcast3A_309 : vector<32xbf16>
          %bitcast3A_311 = vector.bitcast %max3A_310 : vector<32xbf16> to vector<16xi32>
          tpu.vector_store_idx %arg8[%gather3A_251, %add3A_299], %bitcast3A_311 : memref<321x64xi32, #tpu.memory_space<vmem>>[vector<16xi32>, vector<16xi32>], vector<16xi32>,
          %broadcast_in_dim3A_312 = arith.constant 2 : i32
          %broadcast_in_dim3A_313 = vector.broadcast %broadcast_in_dim3A_312 : i32 to vector<16x1xi32>
          %gather3A_314 = vector.shape_cast %broadcast_in_dim3A_313 : vector<16x1xi32> to vector<16xi32>
          %gather3A_315 = tpu.dynamic_gather %get3A_186[%gather3A_314] in [0] : vector<16xi32>, vector<16xi32> -> vector<16xi32>
          %add3A_316 = arith.constant 0 : i32
          %add3A_317 = vector.broadcast %add3A_316 : i32 to vector<16xi32>
          %add3A_318 = arith.addi %iota3A, %add3A_317 : vector<16xi32>
          %gather3A_319 = tpu.vector_load_idx %arg8[%gather3A_315, %add3A_318] : memref<321x64xi32, #tpu.memory_space<vmem>>[vector<16xi32>, vector<16xi32>], vector<16xi32>,
          %bitcast3A_320 = vector.bitcast %gather3A_319 : vector<16xi32> to vector<32xbf16>
          %mul3A_321 = arith.constant 16 : i32
          %mul3A_322 = arith.muli %scan3A_179, %mul3A_321 : i32
          %add3A_323 = arith.constant 2 : i32
          %add3A_324 = arith.addi %mul3A_322, %add3A_323 : i32
          %get3A_325 = arith.index_cast %add3A_324 : i32 to index
          %get3A_326 = arith.constant 0 : index
          %get3A_327 = tpu.vector_load %arg13[%get3A_325, %get3A_326] {strides = array<i32>} : memref<64x64xi32, #tpu.memory_space<vmem>>, vector<16xi32>,
          %bitcast3A_328 = vector.bitcast %get3A_327 : vector<16xi32> to vector<32xbf16>
          %max3A_329 = arith.maximumf %bitcast3A_320, %bitcast3A_328 : vector<32xbf16>
          %bitcast3A_330 = vector.bitcast %max3A_329 : vector<32xbf16> to vector<16xi32>
          tpu.vector_store_idx %arg8[%gather3A_315, %add3A_318], %bitcast3A_330 : memref<321x64xi32, #tpu.memory_space<vmem>>[vector<16xi32>, vector<16xi32>], vector<16xi32>,
          %add3A_331 = arith.constant 16 : i32
          %add3A_332 = vector.broadcast %add3A_331 : i32 to vector<16xi32>
          %add3A_333 = arith.addi %iota3A, %add3A_332 : vector<16xi32>
          %gather3A_334 = tpu.vector_load_idx %arg8[%gather3A_315, %add3A_333] : memref<321x64xi32, #tpu.memory_space<vmem>>[vector<16xi32>, vector<16xi32>], vector<16xi32>,
          %bitcast3A_335 = vector.bitcast %gather3A_334 : vector<16xi32> to vector<32xbf16>
          %mul3A_336 = arith.constant 16 : i32
          %mul3A_337 = arith.muli %scan3A_179, %mul3A_336 : i32
          %add3A_338 = arith.constant 2 : i32
          %add3A_339 = arith.addi %mul3A_337, %add3A_338 : i32
          %get3A_340 = arith.index_cast %add3A_339 : i32 to index
          %get3A_341 = arith.constant 16 : index
          %get3A_342 = tpu.vector_load %arg13[%get3A_340, %get3A_341] {strides = array<i32>} : memref<64x64xi32, #tpu.memory_space<vmem>>, vector<16xi32>,
          %bitcast3A_343 = vector.bitcast %get3A_342 : vector<16xi32> to vector<32xbf16>
          %max3A_344 = arith.maximumf %bitcast3A_335, %bitcast3A_343 : vector<32xbf16>
          %bitcast3A_345 = vector.bitcast %max3A_344 : vector<32xbf16> to vector<16xi32>
          tpu.vector_store_idx %arg8[%gather3A_315, %add3A_333], %bitcast3A_345 : memref<321x64xi32, #tpu.memory_space<vmem>>[vector<16xi32>, vector<16xi32>], vector<16xi32>,
          %add3A_346 = arith.constant 32 : i32
          %add3A_347 = vector.broadcast %add3A_346 : i32 to vector<16xi32>
          %add3A_348 = arith.addi %iota3A, %add3A_347 : vector<16xi32>
          %gather3A_349 = tpu.vector_load_idx %arg8[%gather3A_315, %add3A_348] : memref<321x64xi32, #tpu.memory_space<vmem>>[vector<16xi32>, vector<16xi32>], vector<16xi32>,
          %bitcast3A_350 = vector.bitcast %gather3A_349 : vector<16xi32> to vector<32xbf16>
          %mul3A_351 = arith.constant 16 : i32
          %mul3A_352 = arith.muli %scan3A_179, %mul3A_351 : i32
          %add3A_353 = arith.constant 2 : i32
          %add3A_354 = arith.addi %mul3A_352, %add3A_353 : i32
          %get3A_355 = arith.index_cast %add3A_354 : i32 to index
          %get3A_356 = arith.constant 32 : index
          %get3A_357 = tpu.vector_load %arg13[%get3A_355, %get3A_356] {strides = array<i32>} : memref<64x64xi32, #tpu.memory_space<vmem>>, vector<16xi32>,
          %bitcast3A_358 = vector.bitcast %get3A_357 : vector<16xi32> to vector<32xbf16>
          %max3A_359 = arith.maximumf %bitcast3A_350, %bitcast3A_358 : vector<32xbf16>
          %bitcast3A_360 = vector.bitcast %max3A_359 : vector<32xbf16> to vector<16xi32>
          tpu.vector_store_idx %arg8[%gather3A_315, %add3A_348], %bitcast3A_360 : memref<321x64xi32, #tpu.memory_space<vmem>>[vector<16xi32>, vector<16xi32>], vector<16xi32>,
          %add3A_361 = arith.constant 48 : i32
          %add3A_362 = vector.broadcast %add3A_361 : i32 to vector<16xi32>
          %add3A_363 = arith.addi %iota3A, %add3A_362 : vector<16xi32>
          %gather3A_364 = tpu.vector_load_idx %arg8[%gather3A_315, %add3A_363] : memref<321x64xi32, #tpu.memory_space<vmem>>[vector<16xi32>, vector<16xi32>], vector<16xi32>,
          %bitcast3A_365 = vector.bitcast %gather3A_364 : vector<16xi32> to vector<32xbf16>
          %mul3A_366 = arith.constant 16 : i32
          %mul3A_367 = arith.muli %scan3A_179, %mul3A_366 : i32
          %add3A_368 = arith.constant 2 : i32
          %add3A_369 = arith.addi %mul3A_367, %add3A_368 : i32
          %get3A_370 = arith.index_cast %add3A_369 : i32 to index
          %get3A_371 = arith.constant 48 : index
          %get3A_372 = tpu.vector_load %arg13[%get3A_370, %get3A_371] {strides = array<i32>} : memref<64x64xi32, #tpu.memory_space<vmem>>, vector<16xi32>,
          %bitcast3A_373 = vector.bitcast %get3A_372 : vector<16xi32> to vector<32xbf16>
          %max3A_374 = arith.maximumf %bitcast3A_365, %bitcast3A_373 : vector<32xbf16>
          %bitcast3A_375 = vector.bitcast %max3A_374 : vector<32xbf16> to vector<16xi32>
          tpu.vector_store_idx %arg8[%gather3A_315, %add3A_363], %bitcast3A_375 : memref<321x64xi32, #tpu.memory_space<vmem>>[vector<16xi32>, vector<16xi32>], vector<16xi32>,
          %broadcast_in_dim3A_376 = arith.constant 3 : i32
          %broadcast_in_dim3A_377 = vector.broadcast %broadcast_in_dim3A_376 : i32 to vector<16x1xi32>
          %gather3A_378 = vector.shape_cast %broadcast_in_dim3A_377 : vector<16x1xi32> to vector<16xi32>
          %gather3A_379 = tpu.dynamic_gather %get3A_186[%gather3A_378] in [0] : vector<16xi32>, vector<16xi32> -> vector<16xi32>
          %add3A_380 = arith.constant 0 : i32
          %add3A_381 = vector.broadcast %add3A_380 : i32 to vector<16xi32>
          %add3A_382 = arith.addi %iota3A, %add3A_381 : vector<16xi32>
          %gather3A_383 = tpu.vector_load_idx %arg8[%gather3A_379, %add3A_382] : memref<321x64xi32, #tpu.memory_space<vmem>>[vector<16xi32>, vector<16xi32>], vector<16xi32>,
          %bitcast3A_384 = vector.bitcast %gather3A_383 : vector<16xi32> to vector<32xbf16>
          %mul3A_385 = arith.constant 16 : i32
          %mul3A_386 = arith.muli %scan3A_179, %mul3A_385 : i32
          %add3A_387 = arith.constant 3 : i32
          %add3A_388 = arith.addi %mul3A_386, %add3A_387 : i32
          %get3A_389 = arith.index_cast %add3A_388 : i32 to index
          %get3A_390 = arith.constant 0 : index
          %get3A_391 = tpu.vector_load %arg13[%get3A_389, %get3A_390] {strides = array<i32>} : memref<64x64xi32, #tpu.memory_space<vmem>>, vector<16xi32>,
          %bitcast3A_392 = vector.bitcast %get3A_391 : vector<16xi32> to vector<32xbf16>
          %max3A_393 = arith.maximumf %bitcast3A_384, %bitcast3A_392 : vector<32xbf16>
          %bitcast3A_394 = vector.bitcast %max3A_393 : vector<32xbf16> to vector<16xi32>
          tpu.vector_store_idx %arg8[%gather3A_379, %add3A_382], %bitcast3A_394 : memref<321x64xi32, #tpu.memory_space<vmem>>[vector<16xi32>, vector<16xi32>], vector<16xi32>,
          %add3A_395 = arith.constant 16 : i32
          %add3A_396 = vector.broadcast %add3A_395 : i32 to vector<16xi32>
          %add3A_397 = arith.addi %iota3A, %add3A_396 : vector<16xi32>
          %gather3A_398 = tpu.vector_load_idx %arg8[%gather3A_379, %add3A_397] : memref<321x64xi32, #tpu.memory_space<vmem>>[vector<16xi32>, vector<16xi32>], vector<16xi32>,
          %bitcast3A_399 = vector.bitcast %gather3A_398 : vector<16xi32> to vector<32xbf16>
          %mul3A_400 = arith.constant 16 : i32
          %mul3A_401 = arith.muli %scan3A_179, %mul3A_400 : i32
          %add3A_402 = arith.constant 3 : i32
          %add3A_403 = arith.addi %mul3A_401, %add3A_402 : i32
          %get3A_404 = arith.index_cast %add3A_403 : i32 to index
          %get3A_405 = arith.constant 16 : index
          %get3A_406 = tpu.vector_load %arg13[%get3A_404, %get3A_405] {strides = array<i32>} : memref<64x64xi32, #tpu.memory_space<vmem>>, vector<16xi32>,
          %bitcast3A_407 = vector.bitcast %get3A_406 : vector<16xi32> to vector<32xbf16>
          %max3A_408 = arith.maximumf %bitcast3A_399, %bitcast3A_407 : vector<32xbf16>
          %bitcast3A_409 = vector.bitcast %max3A_408 : vector<32xbf16> to vector<16xi32>
          tpu.vector_store_idx %arg8[%gather3A_379, %add3A_397], %bitcast3A_409 : memref<321x64xi32, #tpu.memory_space<vmem>>[vector<16xi32>, vector<16xi32>], vector<16xi32>,
          %add3A_410 = arith.constant 32 : i32
          %add3A_411 = vector.broadcast %add3A_410 : i32 to vector<16xi32>
          %add3A_412 = arith.addi %iota3A, %add3A_411 : vector<16xi32>
          %gather3A_413 = tpu.vector_load_idx %arg8[%gather3A_379, %add3A_412] : memref<321x64xi32, #tpu.memory_space<vmem>>[vector<16xi32>, vector<16xi32>], vector<16xi32>,
          %bitcast3A_414 = vector.bitcast %gather3A_413 : vector<16xi32> to vector<32xbf16>
          %mul3A_415 = arith.constant 16 : i32
          %mul3A_416 = arith.muli %scan3A_179, %mul3A_415 : i32
          %add3A_417 = arith.constant 3 : i32
          %add3A_418 = arith.addi %mul3A_416, %add3A_417 : i32
          %get3A_419 = arith.index_cast %add3A_418 : i32 to index
          %get3A_420 = arith.constant 32 : index
          %get3A_421 = tpu.vector_load %arg13[%get3A_419, %get3A_420] {strides = array<i32>} : memref<64x64xi32, #tpu.memory_space<vmem>>, vector<16xi32>,
          %bitcast3A_422 = vector.bitcast %get3A_421 : vector<16xi32> to vector<32xbf16>
          %max3A_423 = arith.maximumf %bitcast3A_414, %bitcast3A_422 : vector<32xbf16>
          %bitcast3A_424 = vector.bitcast %max3A_423 : vector<32xbf16> to vector<16xi32>
          tpu.vector_store_idx %arg8[%gather3A_379, %add3A_412], %bitcast3A_424 : memref<321x64xi32, #tpu.memory_space<vmem>>[vector<16xi32>, vector<16xi32>], vector<16xi32>,
          %add3A_425 = arith.constant 48 : i32
          %add3A_426 = vector.broadcast %add3A_425 : i32 to vector<16xi32>
          %add3A_427 = arith.addi %iota3A, %add3A_426 : vector<16xi32>
          %gather3A_428 = tpu.vector_load_idx %arg8[%gather3A_379, %add3A_427] : memref<321x64xi32, #tpu.memory_space<vmem>>[vector<16xi32>, vector<16xi32>], vector<16xi32>,
          %bitcast3A_429 = vector.bitcast %gather3A_428 : vector<16xi32> to vector<32xbf16>
          %mul3A_430 = arith.constant 16 : i32
          %mul3A_431 = arith.muli %scan3A_179, %mul3A_430 : i32
          %add3A_432 = arith.constant 3 : i32
          %add3A_433 = arith.addi %mul3A_431, %add3A_432 : i32
          %get3A_434 = arith.index_cast %add3A_433 : i32 to index
          %get3A_435 = arith.constant 48 : index
          %get3A_436 = tpu.vector_load %arg13[%get3A_434, %get3A_435] {strides = array<i32>} : memref<64x64xi32, #tpu.memory_space<vmem>>, vector<16xi32>,
          %bitcast3A_437 = vector.bitcast %get3A_436 : vector<16xi32> to vector<32xbf16>
          %max3A_438 = arith.maximumf %bitcast3A_429, %bitcast3A_437 : vector<32xbf16>
          %bitcast3A_439 = vector.bitcast %max3A_438 : vector<32xbf16> to vector<16xi32>
          tpu.vector_store_idx %arg8[%gather3A_379, %add3A_427], %bitcast3A_439 : memref<321x64xi32, #tpu.memory_space<vmem>>[vector<16xi32>, vector<16xi32>], vector<16xi32>,
          %broadcast_in_dim3A_440 = arith.constant 4 : i32
          %broadcast_in_dim3A_441 = vector.broadcast %broadcast_in_dim3A_440 : i32 to vector<16x1xi32>
          %gather3A_442 = vector.shape_cast %broadcast_in_dim3A_441 : vector<16x1xi32> to vector<16xi32>
          %gather3A_443 = tpu.dynamic_gather %get3A_186[%gather3A_442] in [0] : vector<16xi32>, vector<16xi32> -> vector<16xi32>
          %add3A_444 = arith.constant 0 : i32
          %add3A_445 = vector.broadcast %add3A_444 : i32 to vector<16xi32>
          %add3A_446 = arith.addi %iota3A, %add3A_445 : vector<16xi32>
          %gather3A_447 = tpu.vector_load_idx %arg8[%gather3A_443, %add3A_446] : memref<321x64xi32, #tpu.memory_space<vmem>>[vector<16xi32>, vector<16xi32>], vector<16xi32>,
          %bitcast3A_448 = vector.bitcast %gather3A_447 : vector<16xi32> to vector<32xbf16>
          %mul3A_449 = arith.constant 16 : i32
          %mul3A_450 = arith.muli %scan3A_179, %mul3A_449 : i32
          %add3A_451 = arith.constant 4 : i32
          %add3A_452 = arith.addi %mul3A_450, %add3A_451 : i32
          %get3A_453 = arith.index_cast %add3A_452 : i32 to index
          %get3A_454 = arith.constant 0 : index
          %get3A_455 = tpu.vector_load %arg13[%get3A_453, %get3A_454] {strides = array<i32>} : memref<64x64xi32, #tpu.memory_space<vmem>>, vector<16xi32>,
          %bitcast3A_456 = vector.bitcast %get3A_455 : vector<16xi32> to vector<32xbf16>
          %max3A_457 = arith.maximumf %bitcast3A_448, %bitcast3A_456 : vector<32xbf16>
          %bitcast3A_458 = vector.bitcast %max3A_457 : vector<32xbf16> to vector<16xi32>
          tpu.vector_store_idx %arg8[%gather3A_443, %add3A_446], %bitcast3A_458 : memref<321x64xi32, #tpu.memory_space<vmem>>[vector<16xi32>, vector<16xi32>], vector<16xi32>,
          %add3A_459 = arith.constant 16 : i32
          %add3A_460 = vector.broadcast %add3A_459 : i32 to vector<16xi32>
          %add3A_461 = arith.addi %iota3A, %add3A_460 : vector<16xi32>
          %gather3A_462 = tpu.vector_load_idx %arg8[%gather3A_443, %add3A_461] : memref<321x64xi32, #tpu.memory_space<vmem>>[vector<16xi32>, vector<16xi32>], vector<16xi32>,
          %bitcast3A_463 = vector.bitcast %gather3A_462 : vector<16xi32> to vector<32xbf16>
          %mul3A_464 = arith.constant 16 : i32
          %mul3A_465 = arith.muli %scan3A_179, %mul3A_464 : i32
          %add3A_466 = arith.constant 4 : i32
          %add3A_467 = arith.addi %mul3A_465, %add3A_466 : i32
          %get3A_468 = arith.index_cast %add3A_467 : i32 to index
          %get3A_469 = arith.constant 16 : index
          %get3A_470 = tpu.vector_load %arg13[%get3A_468, %get3A_469] {strides = array<i32>} : memref<64x64xi32, #tpu.memory_space<vmem>>, vector<16xi32>,
          %bitcast3A_471 = vector.bitcast %get3A_470 : vector<16xi32> to vector<32xbf16>
          %max3A_472 = arith.maximumf %bitcast3A_463, %bitcast3A_471 : vector<32xbf16>
          %bitcast3A_473 = vector.bitcast %max3A_472 : vector<32xbf16> to vector<16xi32>
          tpu.vector_store_idx %arg8[%gather3A_443, %add3A_461], %bitcast3A_473 : memref<321x64xi32, #tpu.memory_space<vmem>>[vector<16xi32>, vector<16xi32>], vector<16xi32>,
          %add3A_474 = arith.constant 32 : i32
          %add3A_475 = vector.broadcast %add3A_474 : i32 to vector<16xi32>
          %add3A_476 = arith.addi %iota3A, %add3A_475 : vector<16xi32>
          %gather3A_477 = tpu.vector_load_idx %arg8[%gather3A_443, %add3A_476] : memref<321x64xi32, #tpu.memory_space<vmem>>[vector<16xi32>, vector<16xi32>], vector<16xi32>,
          %bitcast3A_478 = vector.bitcast %gather3A_477 : vector<16xi32> to vector<32xbf16>
          %mul3A_479 = arith.constant 16 : i32
          %mul3A_480 = arith.muli %scan3A_179, %mul3A_479 : i32
          %add3A_481 = arith.constant 4 : i32
          %add3A_482 = arith.addi %mul3A_480, %add3A_481 : i32
          %get3A_483 = arith.index_cast %add3A_482 : i32 to index
          %get3A_484 = arith.constant 32 : index
          %get3A_485 = tpu.vector_load %arg13[%get3A_483, %get3A_484] {strides = array<i32>} : memref<64x64xi32, #tpu.memory_space<vmem>>, vector<16xi32>,
          %bitcast3A_486 = vector.bitcast %get3A_485 : vector<16xi32> to vector<32xbf16>
          %max3A_487 = arith.maximumf %bitcast3A_478, %bitcast3A_486 : vector<32xbf16>
          %bitcast3A_488 = vector.bitcast %max3A_487 : vector<32xbf16> to vector<16xi32>
          tpu.vector_store_idx %arg8[%gather3A_443, %add3A_476], %bitcast3A_488 : memref<321x64xi32, #tpu.memory_space<vmem>>[vector<16xi32>, vector<16xi32>], vector<16xi32>,
          %add3A_489 = arith.constant 48 : i32
          %add3A_490 = vector.broadcast %add3A_489 : i32 to vector<16xi32>
          %add3A_491 = arith.addi %iota3A, %add3A_490 : vector<16xi32>
          %gather3A_492 = tpu.vector_load_idx %arg8[%gather3A_443, %add3A_491] : memref<321x64xi32, #tpu.memory_space<vmem>>[vector<16xi32>, vector<16xi32>], vector<16xi32>,
          %bitcast3A_493 = vector.bitcast %gather3A_492 : vector<16xi32> to vector<32xbf16>
          %mul3A_494 = arith.constant 16 : i32
          %mul3A_495 = arith.muli %scan3A_179, %mul3A_494 : i32
          %add3A_496 = arith.constant 4 : i32
          %add3A_497 = arith.addi %mul3A_495, %add3A_496 : i32
          %get3A_498 = arith.index_cast %add3A_497 : i32 to index
          %get3A_499 = arith.constant 48 : index
          %get3A_500 = tpu.vector_load %arg13[%get3A_498, %get3A_499] {strides = array<i32>} : memref<64x64xi32, #tpu.memory_space<vmem>>, vector<16xi32>,
          %bitcast3A_501 = vector.bitcast %get3A_500 : vector<16xi32> to vector<32xbf16>
          %max3A_502 = arith.maximumf %bitcast3A_493, %bitcast3A_501 : vector<32xbf16>
          %bitcast3A_503 = vector.bitcast %max3A_502 : vector<32xbf16> to vector<16xi32>
          tpu.vector_store_idx %arg8[%gather3A_443, %add3A_491], %bitcast3A_503 : memref<321x64xi32, #tpu.memory_space<vmem>>[vector<16xi32>, vector<16xi32>], vector<16xi32>,
          %broadcast_in_dim3A_504 = arith.constant 5 : i32
          %broadcast_in_dim3A_505 = vector.broadcast %broadcast_in_dim3A_504 : i32 to vector<16x1xi32>
          %gather3A_506 = vector.shape_cast %broadcast_in_dim3A_505 : vector<16x1xi32> to vector<16xi32>
          %gather3A_507 = tpu.dynamic_gather %get3A_186[%gather3A_506] in [0] : vector<16xi32>, vector<16xi32> -> vector<16xi32>
          %add3A_508 = arith.constant 0 : i32
          %add3A_509 = vector.broadcast %add3A_508 : i32 to vector<16xi32>
          %add3A_510 = arith.addi %iota3A, %add3A_509 : vector<16xi32>
          %gather3A_511 = tpu.vector_load_idx %arg8[%gather3A_507, %add3A_510] : memref<321x64xi32, #tpu.memory_space<vmem>>[vector<16xi32>, vector<16xi32>], vector<16xi32>,
          %bitcast3A_512 = vector.bitcast %gather3A_511 : vector<16xi32> to vector<32xbf16>
          %mul3A_513 = arith.constant 16 : i32
          %mul3A_514 = arith.muli %scan3A_179, %mul3A_513 : i32
          %add3A_515 = arith.constant 5 : i32
          %add3A_516 = arith.addi %mul3A_514, %add3A_515 : i32
          %get3A_517 = arith.index_cast %add3A_516 : i32 to index
          %get3A_518 = arith.constant 0 : index
          %get3A_519 = tpu.vector_load %arg13[%get3A_517, %get3A_518] {strides = array<i32>} : memref<64x64xi32, #tpu.memory_space<vmem>>, vector<16xi32>,
          %bitcast3A_520 = vector.bitcast %get3A_519 : vector<16xi32> to vector<32xbf16>
          %max3A_521 = arith.maximumf %bitcast3A_512, %bitcast3A_520 : vector<32xbf16>
          %bitcast3A_522 = vector.bitcast %max3A_521 : vector<32xbf16> to vector<16xi32>
          tpu.vector_store_idx %arg8[%gather3A_507, %add3A_510], %bitcast3A_522 : memref<321x64xi32, #tpu.memory_space<vmem>>[vector<16xi32>, vector<16xi32>], vector<16xi32>,
          %add3A_523 = arith.constant 16 : i32
          %add3A_524 = vector.broadcast %add3A_523 : i32 to vector<16xi32>
          %add3A_525 = arith.addi %iota3A, %add3A_524 : vector<16xi32>
          %gather3A_526 = tpu.vector_load_idx %arg8[%gather3A_507, %add3A_525] : memref<321x64xi32, #tpu.memory_space<vmem>>[vector<16xi32>, vector<16xi32>], vector<16xi32>,
          %bitcast3A_527 = vector.bitcast %gather3A_526 : vector<16xi32> to vector<32xbf16>
          %mul3A_528 = arith.constant 16 : i32
          %mul3A_529 = arith.muli %scan3A_179, %mul3A_528 : i32
          %add3A_530 = arith.constant 5 : i32
          %add3A_531 = arith.addi %mul3A_529, %add3A_530 : i32
          %get3A_532 = arith.index_cast %add3A_531 : i32 to index
          %get3A_533 = arith.constant 16 : index
          %get3A_534 = tpu.vector_load %arg13[%get3A_532, %get3A_533] {strides = array<i32>} : memref<64x64xi32, #tpu.memory_space<vmem>>, vector<16xi32>,
          %bitcast3A_535 = vector.bitcast %get3A_534 : vector<16xi32> to vector<32xbf16>
          %max3A_536 = arith.maximumf %bitcast3A_527, %bitcast3A_535 : vector<32xbf16>
          %bitcast3A_537 = vector.bitcast %max3A_536 : vector<32xbf16> to vector<16xi32>
          tpu.vector_store_idx %arg8[%gather3A_507, %add3A_525], %bitcast3A_537 : memref<321x64xi32, #tpu.memory_space<vmem>>[vector<16xi32>, vector<16xi32>], vector<16xi32>,
          %add3A_538 = arith.constant 32 : i32
          %add3A_539 = vector.broadcast %add3A_538 : i32 to vector<16xi32>
          %add3A_540 = arith.addi %iota3A, %add3A_539 : vector<16xi32>
          %gather3A_541 = tpu.vector_load_idx %arg8[%gather3A_507, %add3A_540] : memref<321x64xi32, #tpu.memory_space<vmem>>[vector<16xi32>, vector<16xi32>], vector<16xi32>,
          %bitcast3A_542 = vector.bitcast %gather3A_541 : vector<16xi32> to vector<32xbf16>
          %mul3A_543 = arith.constant 16 : i32
          %mul3A_544 = arith.muli %scan3A_179, %mul3A_543 : i32
          %add3A_545 = arith.constant 5 : i32
          %add3A_546 = arith.addi %mul3A_544, %add3A_545 : i32
          %get3A_547 = arith.index_cast %add3A_546 : i32 to index
          %get3A_548 = arith.constant 32 : index
          %get3A_549 = tpu.vector_load %arg13[%get3A_547, %get3A_548] {strides = array<i32>} : memref<64x64xi32, #tpu.memory_space<vmem>>, vector<16xi32>,
          %bitcast3A_550 = vector.bitcast %get3A_549 : vector<16xi32> to vector<32xbf16>
          %max3A_551 = arith.maximumf %bitcast3A_542, %bitcast3A_550 : vector<32xbf16>
          %bitcast3A_552 = vector.bitcast %max3A_551 : vector<32xbf16> to vector<16xi32>
          tpu.vector_store_idx %arg8[%gather3A_507, %add3A_540], %bitcast3A_552 : memref<321x64xi32, #tpu.memory_space<vmem>>[vector<16xi32>, vector<16xi32>], vector<16xi32>,
          %add3A_553 = arith.constant 48 : i32
          %add3A_554 = vector.broadcast %add3A_553 : i32 to vector<16xi32>
          %add3A_555 = arith.addi %iota3A, %add3A_554 : vector<16xi32>
          %gather3A_556 = tpu.vector_load_idx %arg8[%gather3A_507, %add3A_555] : memref<321x64xi32, #tpu.memory_space<vmem>>[vector<16xi32>, vector<16xi32>], vector<16xi32>,
          %bitcast3A_557 = vector.bitcast %gather3A_556 : vector<16xi32> to vector<32xbf16>
          %mul3A_558 = arith.constant 16 : i32
          %mul3A_559 = arith.muli %scan3A_179, %mul3A_558 : i32
          %add3A_560 = arith.constant 5 : i32
          %add3A_561 = arith.addi %mul3A_559, %add3A_560 : i32
          %get3A_562 = arith.index_cast %add3A_561 : i32 to index
          %get3A_563 = arith.constant 48 : index
          %get3A_564 = tpu.vector_load %arg13[%get3A_562, %get3A_563] {strides = array<i32>} : memref<64x64xi32, #tpu.memory_space<vmem>>, vector<16xi32>,
          %bitcast3A_565 = vector.bitcast %get3A_564 : vector<16xi32> to vector<32xbf16>
          %max3A_566 = arith.maximumf %bitcast3A_557, %bitcast3A_565 : vector<32xbf16>
          %bitcast3A_567 = vector.bitcast %max3A_566 : vector<32xbf16> to vector<16xi32>
          tpu.vector_store_idx %arg8[%gather3A_507, %add3A_555], %bitcast3A_567 : memref<321x64xi32, #tpu.memory_space<vmem>>[vector<16xi32>, vector<16xi32>], vector<16xi32>,
          %broadcast_in_dim3A_568 = arith.constant 6 : i32
          %broadcast_in_dim3A_569 = vector.broadcast %broadcast_in_dim3A_568 : i32 to vector<16x1xi32>
          %gather3A_570 = vector.shape_cast %broadcast_in_dim3A_569 : vector<16x1xi32> to vector<16xi32>
          %gather3A_571 = tpu.dynamic_gather %get3A_186[%gather3A_570] in [0] : vector<16xi32>, vector<16xi32> -> vector<16xi32>
          %add3A_572 = arith.constant 0 : i32
          %add3A_573 = vector.broadcast %add3A_572 : i32 to vector<16xi32>
          %add3A_574 = arith.addi %iota3A, %add3A_573 : vector<16xi32>
          %gather3A_575 = tpu.vector_load_idx %arg8[%gather3A_571, %add3A_574] : memref<321x64xi32, #tpu.memory_space<vmem>>[vector<16xi32>, vector<16xi32>], vector<16xi32>,
          %bitcast3A_576 = vector.bitcast %gather3A_575 : vector<16xi32> to vector<32xbf16>
          %mul3A_577 = arith.constant 16 : i32
          %mul3A_578 = arith.muli %scan3A_179, %mul3A_577 : i32
          %add3A_579 = arith.constant 6 : i32
          %add3A_580 = arith.addi %mul3A_578, %add3A_579 : i32
          %get3A_581 = arith.index_cast %add3A_580 : i32 to index
          %get3A_582 = arith.constant 0 : index
          %get3A_583 = tpu.vector_load %arg13[%get3A_581, %get3A_582] {strides = array<i32>} : memref<64x64xi32, #tpu.memory_space<vmem>>, vector<16xi32>,
          %bitcast3A_584 = vector.bitcast %get3A_583 : vector<16xi32> to vector<32xbf16>
          %max3A_585 = arith.maximumf %bitcast3A_576, %bitcast3A_584 : vector<32xbf16>
          %bitcast3A_586 = vector.bitcast %max3A_585 : vector<32xbf16> to vector<16xi32>
          tpu.vector_store_idx %arg8[%gather3A_571, %add3A_574], %bitcast3A_586 : memref<321x64xi32, #tpu.memory_space<vmem>>[vector<16xi32>, vector<16xi32>], vector<16xi32>,
          %add3A_587 = arith.constant 16 : i32
          %add3A_588 = vector.broadcast %add3A_587 : i32 to vector<16xi32>
          %add3A_589 = arith.addi %iota3A, %add3A_588 : vector<16xi32>
          %gather3A_590 = tpu.vector_load_idx %arg8[%gather3A_571, %add3A_589] : memref<321x64xi32, #tpu.memory_space<vmem>>[vector<16xi32>, vector<16xi32>], vector<16xi32>,
          %bitcast3A_591 = vector.bitcast %gather3A_590 : vector<16xi32> to vector<32xbf16>
          %mul3A_592 = arith.constant 16 : i32
          %mul3A_593 = arith.muli %scan3A_179, %mul3A_592 : i32
          %add3A_594 = arith.constant 6 : i32
          %add3A_595 = arith.addi %mul3A_593, %add3A_594 : i32
          %get3A_596 = arith.index_cast %add3A_595 : i32 to index
          %get3A_597 = arith.constant 16 : index
          %get3A_598 = tpu.vector_load %arg13[%get3A_596, %get3A_597] {strides = array<i32>} : memref<64x64xi32, #tpu.memory_space<vmem>>, vector<16xi32>,
          %bitcast3A_599 = vector.bitcast %get3A_598 : vector<16xi32> to vector<32xbf16>
          %max3A_600 = arith.maximumf %bitcast3A_591, %bitcast3A_599 : vector<32xbf16>
          %bitcast3A_601 = vector.bitcast %max3A_600 : vector<32xbf16> to vector<16xi32>
          tpu.vector_store_idx %arg8[%gather3A_571, %add3A_589], %bitcast3A_601 : memref<321x64xi32, #tpu.memory_space<vmem>>[vector<16xi32>, vector<16xi32>], vector<16xi32>,
          %add3A_602 = arith.constant 32 : i32
          %add3A_603 = vector.broadcast %add3A_602 : i32 to vector<16xi32>
          %add3A_604 = arith.addi %iota3A, %add3A_603 : vector<16xi32>
          %gather3A_605 = tpu.vector_load_idx %arg8[%gather3A_571, %add3A_604] : memref<321x64xi32, #tpu.memory_space<vmem>>[vector<16xi32>, vector<16xi32>], vector<16xi32>,
          %bitcast3A_606 = vector.bitcast %gather3A_605 : vector<16xi32> to vector<32xbf16>
          %mul3A_607 = arith.constant 16 : i32
          %mul3A_608 = arith.muli %scan3A_179, %mul3A_607 : i32
          %add3A_609 = arith.constant 6 : i32
          %add3A_610 = arith.addi %mul3A_608, %add3A_609 : i32
          %get3A_611 = arith.index_cast %add3A_610 : i32 to index
          %get3A_612 = arith.constant 32 : index
          %get3A_613 = tpu.vector_load %arg13[%get3A_611, %get3A_612] {strides = array<i32>} : memref<64x64xi32, #tpu.memory_space<vmem>>, vector<16xi32>,
          %bitcast3A_614 = vector.bitcast %get3A_613 : vector<16xi32> to vector<32xbf16>
          %max3A_615 = arith.maximumf %bitcast3A_606, %bitcast3A_614 : vector<32xbf16>
          %bitcast3A_616 = vector.bitcast %max3A_615 : vector<32xbf16> to vector<16xi32>
          tpu.vector_store_idx %arg8[%gather3A_571, %add3A_604], %bitcast3A_616 : memref<321x64xi32, #tpu.memory_space<vmem>>[vector<16xi32>, vector<16xi32>], vector<16xi32>,
          %add3A_617 = arith.constant 48 : i32
          %add3A_618 = vector.broadcast %add3A_617 : i32 to vector<16xi32>
          %add3A_619 = arith.addi %iota3A, %add3A_618 : vector<16xi32>
          %gather3A_620 = tpu.vector_load_idx %arg8[%gather3A_571, %add3A_619] : memref<321x64xi32, #tpu.memory_space<vmem>>[vector<16xi32>, vector<16xi32>], vector<16xi32>,
          %bitcast3A_621 = vector.bitcast %gather3A_620 : vector<16xi32> to vector<32xbf16>
          %mul3A_622 = arith.constant 16 : i32
          %mul3A_623 = arith.muli %scan3A_179, %mul3A_622 : i32
          %add3A_624 = arith.constant 6 : i32
          %add3A_625 = arith.addi %mul3A_623, %add3A_624 : i32
          %get3A_626 = arith.index_cast %add3A_625 : i32 to index
          %get3A_627 = arith.constant 48 : index
          %get3A_628 = tpu.vector_load %arg13[%get3A_626, %get3A_627] {strides = array<i32>} : memref<64x64xi32, #tpu.memory_space<vmem>>, vector<16xi32>,
          %bitcast3A_629 = vector.bitcast %get3A_628 : vector<16xi32> to vector<32xbf16>
          %max3A_630 = arith.maximumf %bitcast3A_621, %bitcast3A_629 : vector<32xbf16>
          %bitcast3A_631 = vector.bitcast %max3A_630 : vector<32xbf16> to vector<16xi32>
          tpu.vector_store_idx %arg8[%gather3A_571, %add3A_619], %bitcast3A_631 : memref<321x64xi32, #tpu.memory_space<vmem>>[vector<16xi32>, vector<16xi32>], vector<16xi32>,
          %broadcast_in_dim3A_632 = arith.constant 7 : i32
          %broadcast_in_dim3A_633 = vector.broadcast %broadcast_in_dim3A_632 : i32 to vector<16x1xi32>
          %gather3A_634 = vector.shape_cast %broadcast_in_dim3A_633 : vector<16x1xi32> to vector<16xi32>
          %gather3A_635 = tpu.dynamic_gather %get3A_186[%gather3A_634] in [0] : vector<16xi32>, vector<16xi32> -> vector<16xi32>
          %add3A_636 = arith.constant 0 : i32
          %add3A_637 = vector.broadcast %add3A_636 : i32 to vector<16xi32>
          %add3A_638 = arith.addi %iota3A, %add3A_637 : vector<16xi32>
          %gather3A_639 = tpu.vector_load_idx %arg8[%gather3A_635, %add3A_638] : memref<321x64xi32, #tpu.memory_space<vmem>>[vector<16xi32>, vector<16xi32>], vector<16xi32>,
          %bitcast3A_640 = vector.bitcast %gather3A_639 : vector<16xi32> to vector<32xbf16>
          %mul3A_641 = arith.constant 16 : i32
          %mul3A_642 = arith.muli %scan3A_179, %mul3A_641 : i32
          %add3A_643 = arith.constant 7 : i32
          %add3A_644 = arith.addi %mul3A_642, %add3A_643 : i32
          %get3A_645 = arith.index_cast %add3A_644 : i32 to index
          %get3A_646 = arith.constant 0 : index
          %get3A_647 = tpu.vector_load %arg13[%get3A_645, %get3A_646] {strides = array<i32>} : memref<64x64xi32, #tpu.memory_space<vmem>>, vector<16xi32>,
          %bitcast3A_648 = vector.bitcast %get3A_647 : vector<16xi32> to vector<32xbf16>
          %max3A_649 = arith.maximumf %bitcast3A_640, %bitcast3A_648 : vector<32xbf16>
          %bitcast3A_650 = vector.bitcast %max3A_649 : vector<32xbf16> to vector<16xi32>
          tpu.vector_store_idx %arg8[%gather3A_635, %add3A_638], %bitcast3A_650 : memref<321x64xi32, #tpu.memory_space<vmem>>[vector<16xi32>, vector<16xi32>], vector<16xi32>,
          %add3A_651 = arith.constant 16 : i32
          %add3A_652 = vector.broadcast %add3A_651 : i32 to vector<16xi32>
          %add3A_653 = arith.addi %iota3A, %add3A_652 : vector<16xi32>
          %gather3A_654 = tpu.vector_load_idx %arg8[%gather3A_635, %add3A_653] : memref<321x64xi32, #tpu.memory_space<vmem>>[vector<16xi32>, vector<16xi32>], vector<16xi32>,
          %bitcast3A_655 = vector.bitcast %gather3A_654 : vector<16xi32> to vector<32xbf16>
          %mul3A_656 = arith.constant 16 : i32
          %mul3A_657 = arith.muli %scan3A_179, %mul3A_656 : i32
          %add3A_658 = arith.constant 7 : i32
          %add3A_659 = arith.addi %mul3A_657, %add3A_658 : i32
          %get3A_660 = arith.index_cast %add3A_659 : i32 to index
          %get3A_661 = arith.constant 16 : index
          %get3A_662 = tpu.vector_load %arg13[%get3A_660, %get3A_661] {strides = array<i32>} : memref<64x64xi32, #tpu.memory_space<vmem>>, vector<16xi32>,
          %bitcast3A_663 = vector.bitcast %get3A_662 : vector<16xi32> to vector<32xbf16>
          %max3A_664 = arith.maximumf %bitcast3A_655, %bitcast3A_663 : vector<32xbf16>
          %bitcast3A_665 = vector.bitcast %max3A_664 : vector<32xbf16> to vector<16xi32>
          tpu.vector_store_idx %arg8[%gather3A_635, %add3A_653], %bitcast3A_665 : memref<321x64xi32, #tpu.memory_space<vmem>>[vector<16xi32>, vector<16xi32>], vector<16xi32>,
          %add3A_666 = arith.constant 32 : i32
          %add3A_667 = vector.broadcast %add3A_666 : i32 to vector<16xi32>
          %add3A_668 = arith.addi %iota3A, %add3A_667 : vector<16xi32>
          %gather3A_669 = tpu.vector_load_idx %arg8[%gather3A_635, %add3A_668] : memref<321x64xi32, #tpu.memory_space<vmem>>[vector<16xi32>, vector<16xi32>], vector<16xi32>,
          %bitcast3A_670 = vector.bitcast %gather3A_669 : vector<16xi32> to vector<32xbf16>
          %mul3A_671 = arith.constant 16 : i32
          %mul3A_672 = arith.muli %scan3A_179, %mul3A_671 : i32
          %add3A_673 = arith.constant 7 : i32
          %add3A_674 = arith.addi %mul3A_672, %add3A_673 : i32
          %get3A_675 = arith.index_cast %add3A_674 : i32 to index
          %get3A_676 = arith.constant 32 : index
          %get3A_677 = tpu.vector_load %arg13[%get3A_675, %get3A_676] {strides = array<i32>} : memref<64x64xi32, #tpu.memory_space<vmem>>, vector<16xi32>,
          %bitcast3A_678 = vector.bitcast %get3A_677 : vector<16xi32> to vector<32xbf16>
          %max3A_679 = arith.maximumf %bitcast3A_670, %bitcast3A_678 : vector<32xbf16>
          %bitcast3A_680 = vector.bitcast %max3A_679 : vector<32xbf16> to vector<16xi32>
          tpu.vector_store_idx %arg8[%gather3A_635, %add3A_668], %bitcast3A_680 : memref<321x64xi32, #tpu.memory_space<vmem>>[vector<16xi32>, vector<16xi32>], vector<16xi32>,
          %add3A_681 = arith.constant 48 : i32
          %add3A_682 = vector.broadcast %add3A_681 : i32 to vector<16xi32>
          %add3A_683 = arith.addi %iota3A, %add3A_682 : vector<16xi32>
          %gather3A_684 = tpu.vector_load_idx %arg8[%gather3A_635, %add3A_683] : memref<321x64xi32, #tpu.memory_space<vmem>>[vector<16xi32>, vector<16xi32>], vector<16xi32>,
          %bitcast3A_685 = vector.bitcast %gather3A_684 : vector<16xi32> to vector<32xbf16>
          %mul3A_686 = arith.constant 16 : i32
          %mul3A_687 = arith.muli %scan3A_179, %mul3A_686 : i32
          %add3A_688 = arith.constant 7 : i32
          %add3A_689 = arith.addi %mul3A_687, %add3A_688 : i32
          %get3A_690 = arith.index_cast %add3A_689 : i32 to index
          %get3A_691 = arith.constant 48 : index
          %get3A_692 = tpu.vector_load %arg13[%get3A_690, %get3A_691] {strides = array<i32>} : memref<64x64xi32, #tpu.memory_space<vmem>>, vector<16xi32>,
          %bitcast3A_693 = vector.bitcast %get3A_692 : vector<16xi32> to vector<32xbf16>
          %max3A_694 = arith.maximumf %bitcast3A_685, %bitcast3A_693 : vector<32xbf16>
          %bitcast3A_695 = vector.bitcast %max3A_694 : vector<32xbf16> to vector<16xi32>
          tpu.vector_store_idx %arg8[%gather3A_635, %add3A_683], %bitcast3A_695 : memref<321x64xi32, #tpu.memory_space<vmem>>[vector<16xi32>, vector<16xi32>], vector<16xi32>,
          %broadcast_in_dim3A_696 = arith.constant 8 : i32
          %broadcast_in_dim3A_697 = vector.broadcast %broadcast_in_dim3A_696 : i32 to vector<16x1xi32>
          %gather3A_698 = vector.shape_cast %broadcast_in_dim3A_697 : vector<16x1xi32> to vector<16xi32>
          %gather3A_699 = tpu.dynamic_gather %get3A_186[%gather3A_698] in [0] : vector<16xi32>, vector<16xi32> -> vector<16xi32>
          %add3A_700 = arith.constant 0 : i32
          %add3A_701 = vector.broadcast %add3A_700 : i32 to vector<16xi32>
          %add3A_702 = arith.addi %iota3A, %add3A_701 : vector<16xi32>
          %gather3A_703 = tpu.vector_load_idx %arg8[%gather3A_699, %add3A_702] : memref<321x64xi32, #tpu.memory_space<vmem>>[vector<16xi32>, vector<16xi32>], vector<16xi32>,
          %bitcast3A_704 = vector.bitcast %gather3A_703 : vector<16xi32> to vector<32xbf16>
          %mul3A_705 = arith.constant 16 : i32
          %mul3A_706 = arith.muli %scan3A_179, %mul3A_705 : i32
          %add3A_707 = arith.constant 8 : i32
          %add3A_708 = arith.addi %mul3A_706, %add3A_707 : i32
          %get3A_709 = arith.index_cast %add3A_708 : i32 to index
          %get3A_710 = arith.constant 0 : index
          %get3A_711 = tpu.vector_load %arg13[%get3A_709, %get3A_710] {strides = array<i32>} : memref<64x64xi32, #tpu.memory_space<vmem>>, vector<16xi32>,
          %bitcast3A_712 = vector.bitcast %get3A_711 : vector<16xi32> to vector<32xbf16>
          %max3A_713 = arith.maximumf %bitcast3A_704, %bitcast3A_712 : vector<32xbf16>
          %bitcast3A_714 = vector.bitcast %max3A_713 : vector<32xbf16> to vector<16xi32>
          tpu.vector_store_idx %arg8[%gather3A_699, %add3A_702], %bitcast3A_714 : memref<321x64xi32, #tpu.memory_space<vmem>>[vector<16xi32>, vector<16xi32>], vector<16xi32>,
          %add3A_715 = arith.constant 16 : i32
          %add3A_716 = vector.broadcast %add3A_715 : i32 to vector<16xi32>
          %add3A_717 = arith.addi %iota3A, %add3A_716 : vector<16xi32>
          %gather3A_718 = tpu.vector_load_idx %arg8[%gather3A_699, %add3A_717] : memref<321x64xi32, #tpu.memory_space<vmem>>[vector<16xi32>, vector<16xi32>], vector<16xi32>,
          %bitcast3A_719 = vector.bitcast %gather3A_718 : vector<16xi32> to vector<32xbf16>
          %mul3A_720 = arith.constant 16 : i32
          %mul3A_721 = arith.muli %scan3A_179, %mul3A_720 : i32
          %add3A_722 = arith.constant 8 : i32
          %add3A_723 = arith.addi %mul3A_721, %add3A_722 : i32
          %get3A_724 = arith.index_cast %add3A_723 : i32 to index
          %get3A_725 = arith.constant 16 : index
          %get3A_726 = tpu.vector_load %arg13[%get3A_724, %get3A_725] {strides = array<i32>} : memref<64x64xi32, #tpu.memory_space<vmem>>, vector<16xi32>,
          %bitcast3A_727 = vector.bitcast %get3A_726 : vector<16xi32> to vector<32xbf16>
          %max3A_728 = arith.maximumf %bitcast3A_719, %bitcast3A_727 : vector<32xbf16>
          %bitcast3A_729 = vector.bitcast %max3A_728 : vector<32xbf16> to vector<16xi32>
          tpu.vector_store_idx %arg8[%gather3A_699, %add3A_717], %bitcast3A_729 : memref<321x64xi32, #tpu.memory_space<vmem>>[vector<16xi32>, vector<16xi32>], vector<16xi32>,
          %add3A_730 = arith.constant 32 : i32
          %add3A_731 = vector.broadcast %add3A_730 : i32 to vector<16xi32>
          %add3A_732 = arith.addi %iota3A, %add3A_731 : vector<16xi32>
          %gather3A_733 = tpu.vector_load_idx %arg8[%gather3A_699, %add3A_732] : memref<321x64xi32, #tpu.memory_space<vmem>>[vector<16xi32>, vector<16xi32>], vector<16xi32>,
          %bitcast3A_734 = vector.bitcast %gather3A_733 : vector<16xi32> to vector<32xbf16>
          %mul3A_735 = arith.constant 16 : i32
          %mul3A_736 = arith.muli %scan3A_179, %mul3A_735 : i32
          %add3A_737 = arith.constant 8 : i32
          %add3A_738 = arith.addi %mul3A_736, %add3A_737 : i32
          %get3A_739 = arith.index_cast %add3A_738 : i32 to index
          %get3A_740 = arith.constant 32 : index
          %get3A_741 = tpu.vector_load %arg13[%get3A_739, %get3A_740] {strides = array<i32>} : memref<64x64xi32, #tpu.memory_space<vmem>>, vector<16xi32>,
          %bitcast3A_742 = vector.bitcast %get3A_741 : vector<16xi32> to vector<32xbf16>
          %max3A_743 = arith.maximumf %bitcast3A_734, %bitcast3A_742 : vector<32xbf16>
          %bitcast3A_744 = vector.bitcast %max3A_743 : vector<32xbf16> to vector<16xi32>
          tpu.vector_store_idx %arg8[%gather3A_699, %add3A_732], %bitcast3A_744 : memref<321x64xi32, #tpu.memory_space<vmem>>[vector<16xi32>, vector<16xi32>], vector<16xi32>,
          %add3A_745 = arith.constant 48 : i32
          %add3A_746 = vector.broadcast %add3A_745 : i32 to vector<16xi32>
          %add3A_747 = arith.addi %iota3A, %add3A_746 : vector<16xi32>
          %gather3A_748 = tpu.vector_load_idx %arg8[%gather3A_699, %add3A_747] : memref<321x64xi32, #tpu.memory_space<vmem>>[vector<16xi32>, vector<16xi32>], vector<16xi32>,
          %bitcast3A_749 = vector.bitcast %gather3A_748 : vector<16xi32> to vector<32xbf16>
          %mul3A_750 = arith.constant 16 : i32
          %mul3A_751 = arith.muli %scan3A_179, %mul3A_750 : i32
          %add3A_752 = arith.constant 8 : i32
          %add3A_753 = arith.addi %mul3A_751, %add3A_752 : i32
          %get3A_754 = arith.index_cast %add3A_753 : i32 to index
          %get3A_755 = arith.constant 48 : index
          %get3A_756 = tpu.vector_load %arg13[%get3A_754, %get3A_755] {strides = array<i32>} : memref<64x64xi32, #tpu.memory_space<vmem>>, vector<16xi32>,
          %bitcast3A_757 = vector.bitcast %get3A_756 : vector<16xi32> to vector<32xbf16>
          %max3A_758 = arith.maximumf %bitcast3A_749, %bitcast3A_757 : vector<32xbf16>
          %bitcast3A_759 = vector.bitcast %max3A_758 : vector<32xbf16> to vector<16xi32>
          tpu.vector_store_idx %arg8[%gather3A_699, %add3A_747], %bitcast3A_759 : memref<321x64xi32, #tpu.memory_space<vmem>>[vector<16xi32>, vector<16xi32>], vector<16xi32>,
          %broadcast_in_dim3A_760 = arith.constant 9 : i32
          %broadcast_in_dim3A_761 = vector.broadcast %broadcast_in_dim3A_760 : i32 to vector<16x1xi32>
          %gather3A_762 = vector.shape_cast %broadcast_in_dim3A_761 : vector<16x1xi32> to vector<16xi32>
          %gather3A_763 = tpu.dynamic_gather %get3A_186[%gather3A_762] in [0] : vector<16xi32>, vector<16xi32> -> vector<16xi32>
          %add3A_764 = arith.constant 0 : i32
          %add3A_765 = vector.broadcast %add3A_764 : i32 to vector<16xi32>
          %add3A_766 = arith.addi %iota3A, %add3A_765 : vector<16xi32>
          %gather3A_767 = tpu.vector_load_idx %arg8[%gather3A_763, %add3A_766] : memref<321x64xi32, #tpu.memory_space<vmem>>[vector<16xi32>, vector<16xi32>], vector<16xi32>,
          %bitcast3A_768 = vector.bitcast %gather3A_767 : vector<16xi32> to vector<32xbf16>
          %mul3A_769 = arith.constant 16 : i32
          %mul3A_770 = arith.muli %scan3A_179, %mul3A_769 : i32
          %add3A_771 = arith.constant 9 : i32
          %add3A_772 = arith.addi %mul3A_770, %add3A_771 : i32
          %get3A_773 = arith.index_cast %add3A_772 : i32 to index
          %get3A_774 = arith.constant 0 : index
          %get3A_775 = tpu.vector_load %arg13[%get3A_773, %get3A_774] {strides = array<i32>} : memref<64x64xi32, #tpu.memory_space<vmem>>, vector<16xi32>,
          %bitcast3A_776 = vector.bitcast %get3A_775 : vector<16xi32> to vector<32xbf16>
          %max3A_777 = arith.maximumf %bitcast3A_768, %bitcast3A_776 : vector<32xbf16>
          %bitcast3A_778 = vector.bitcast %max3A_777 : vector<32xbf16> to vector<16xi32>
          tpu.vector_store_idx %arg8[%gather3A_763, %add3A_766], %bitcast3A_778 : memref<321x64xi32, #tpu.memory_space<vmem>>[vector<16xi32>, vector<16xi32>], vector<16xi32>,
          %add3A_779 = arith.constant 16 : i32
          %add3A_780 = vector.broadcast %add3A_779 : i32 to vector<16xi32>
          %add3A_781 = arith.addi %iota3A, %add3A_780 : vector<16xi32>
          %gather3A_782 = tpu.vector_load_idx %arg8[%gather3A_763, %add3A_781] : memref<321x64xi32, #tpu.memory_space<vmem>>[vector<16xi32>, vector<16xi32>], vector<16xi32>,
          %bitcast3A_783 = vector.bitcast %gather3A_782 : vector<16xi32> to vector<32xbf16>
          %mul3A_784 = arith.constant 16 : i32
          %mul3A_785 = arith.muli %scan3A_179, %mul3A_784 : i32
          %add3A_786 = arith.constant 9 : i32
          %add3A_787 = arith.addi %mul3A_785, %add3A_786 : i32
          %get3A_788 = arith.index_cast %add3A_787 : i32 to index
          %get3A_789 = arith.constant 16 : index
          %get3A_790 = tpu.vector_load %arg13[%get3A_788, %get3A_789] {strides = array<i32>} : memref<64x64xi32, #tpu.memory_space<vmem>>, vector<16xi32>,
          %bitcast3A_791 = vector.bitcast %get3A_790 : vector<16xi32> to vector<32xbf16>
          %max3A_792 = arith.maximumf %bitcast3A_783, %bitcast3A_791 : vector<32xbf16>
          %bitcast3A_793 = vector.bitcast %max3A_792 : vector<32xbf16> to vector<16xi32>
          tpu.vector_store_idx %arg8[%gather3A_763, %add3A_781], %bitcast3A_793 : memref<321x64xi32, #tpu.memory_space<vmem>>[vector<16xi32>, vector<16xi32>], vector<16xi32>,
          %add3A_794 = arith.constant 32 : i32
          %add3A_795 = vector.broadcast %add3A_794 : i32 to vector<16xi32>
          %add3A_796 = arith.addi %iota3A, %add3A_795 : vector<16xi32>
          %gather3A_797 = tpu.vector_load_idx %arg8[%gather3A_763, %add3A_796] : memref<321x64xi32, #tpu.memory_space<vmem>>[vector<16xi32>, vector<16xi32>], vector<16xi32>,
          %bitcast3A_798 = vector.bitcast %gather3A_797 : vector<16xi32> to vector<32xbf16>
          %mul3A_799 = arith.constant 16 : i32
          %mul3A_800 = arith.muli %scan3A_179, %mul3A_799 : i32
          %add3A_801 = arith.constant 9 : i32
          %add3A_802 = arith.addi %mul3A_800, %add3A_801 : i32
          %get3A_803 = arith.index_cast %add3A_802 : i32 to index
          %get3A_804 = arith.constant 32 : index
          %get3A_805 = tpu.vector_load %arg13[%get3A_803, %get3A_804] {strides = array<i32>} : memref<64x64xi32, #tpu.memory_space<vmem>>, vector<16xi32>,
          %bitcast3A_806 = vector.bitcast %get3A_805 : vector<16xi32> to vector<32xbf16>
          %max3A_807 = arith.maximumf %bitcast3A_798, %bitcast3A_806 : vector<32xbf16>
          %bitcast3A_808 = vector.bitcast %max3A_807 : vector<32xbf16> to vector<16xi32>
          tpu.vector_store_idx %arg8[%gather3A_763, %add3A_796], %bitcast3A_808 : memref<321x64xi32, #tpu.memory_space<vmem>>[vector<16xi32>, vector<16xi32>], vector<16xi32>,
          %add3A_809 = arith.constant 48 : i32
          %add3A_810 = vector.broadcast %add3A_809 : i32 to vector<16xi32>
          %add3A_811 = arith.addi %iota3A, %add3A_810 : vector<16xi32>
          %gather3A_812 = tpu.vector_load_idx %arg8[%gather3A_763, %add3A_811] : memref<321x64xi32, #tpu.memory_space<vmem>>[vector<16xi32>, vector<16xi32>], vector<16xi32>,
          %bitcast3A_813 = vector.bitcast %gather3A_812 : vector<16xi32> to vector<32xbf16>
          %mul3A_814 = arith.constant 16 : i32
          %mul3A_815 = arith.muli %scan3A_179, %mul3A_814 : i32
          %add3A_816 = arith.constant 9 : i32
          %add3A_817 = arith.addi %mul3A_815, %add3A_816 : i32
          %get3A_818 = arith.index_cast %add3A_817 : i32 to index
          %get3A_819 = arith.constant 48 : index
          %get3A_820 = tpu.vector_load %arg13[%get3A_818, %get3A_819] {strides = array<i32>} : memref<64x64xi32, #tpu.memory_space<vmem>>, vector<16xi32>,
          %bitcast3A_821 = vector.bitcast %get3A_820 : vector<16xi32> to vector<32xbf16>
          %max3A_822 = arith.maximumf %bitcast3A_813, %bitcast3A_821 : vector<32xbf16>
          %bitcast3A_823 = vector.bitcast %max3A_822 : vector<32xbf16> to vector<16xi32>
          tpu.vector_store_idx %arg8[%gather3A_763, %add3A_811], %bitcast3A_823 : memref<321x64xi32, #tpu.memory_space<vmem>>[vector<16xi32>, vector<16xi32>], vector<16xi32>,
          %broadcast_in_dim3A_824 = arith.constant 10 : i32
          %broadcast_in_dim3A_825 = vector.broadcast %broadcast_in_dim3A_824 : i32 to vector<16x1xi32>
          %gather3A_826 = vector.shape_cast %broadcast_in_dim3A_825 : vector<16x1xi32> to vector<16xi32>
          %gather3A_827 = tpu.dynamic_gather %get3A_186[%gather3A_826] in [0] : vector<16xi32>, vector<16xi32> -> vector<16xi32>
          %add3A_828 = arith.constant 0 : i32
          %add3A_829 = vector.broadcast %add3A_828 : i32 to vector<16xi32>
          %add3A_830 = arith.addi %iota3A, %add3A_829 : vector<16xi32>
          %gather3A_831 = tpu.vector_load_idx %arg8[%gather3A_827, %add3A_830] : memref<321x64xi32, #tpu.memory_space<vmem>>[vector<16xi32>, vector<16xi32>], vector<16xi32>,
          %bitcast3A_832 = vector.bitcast %gather3A_831 : vector<16xi32> to vector<32xbf16>
          %mul3A_833 = arith.constant 16 : i32
          %mul3A_834 = arith.muli %scan3A_179, %mul3A_833 : i32
          %add3A_835 = arith.constant 10 : i32
          %add3A_836 = arith.addi %mul3A_834, %add3A_835 : i32
          %get3A_837 = arith.index_cast %add3A_836 : i32 to index
          %get3A_838 = arith.constant 0 : index
          %get3A_839 = tpu.vector_load %arg13[%get3A_837, %get3A_838] {strides = array<i32>} : memref<64x64xi32, #tpu.memory_space<vmem>>, vector<16xi32>,
          %bitcast3A_840 = vector.bitcast %get3A_839 : vector<16xi32> to vector<32xbf16>
          %max3A_841 = arith.maximumf %bitcast3A_832, %bitcast3A_840 : vector<32xbf16>
          %bitcast3A_842 = vector.bitcast %max3A_841 : vector<32xbf16> to vector<16xi32>
          tpu.vector_store_idx %arg8[%gather3A_827, %add3A_830], %bitcast3A_842 : memref<321x64xi32, #tpu.memory_space<vmem>>[vector<16xi32>, vector<16xi32>], vector<16xi32>,
          %add3A_843 = arith.constant 16 : i32
          %add3A_844 = vector.broadcast %add3A_843 : i32 to vector<16xi32>
          %add3A_845 = arith.addi %iota3A, %add3A_844 : vector<16xi32>
          %gather3A_846 = tpu.vector_load_idx %arg8[%gather3A_827, %add3A_845] : memref<321x64xi32, #tpu.memory_space<vmem>>[vector<16xi32>, vector<16xi32>], vector<16xi32>,
          %bitcast3A_847 = vector.bitcast %gather3A_846 : vector<16xi32> to vector<32xbf16>
          %mul3A_848 = arith.constant 16 : i32
          %mul3A_849 = arith.muli %scan3A_179, %mul3A_848 : i32
          %add3A_850 = arith.constant 10 : i32
          %add3A_851 = arith.addi %mul3A_849, %add3A_850 : i32
          %get3A_852 = arith.index_cast %add3A_851 : i32 to index
          %get3A_853 = arith.constant 16 : index
          %get3A_854 = tpu.vector_load %arg13[%get3A_852, %get3A_853] {strides = array<i32>} : memref<64x64xi32, #tpu.memory_space<vmem>>, vector<16xi32>,
          %bitcast3A_855 = vector.bitcast %get3A_854 : vector<16xi32> to vector<32xbf16>
          %max3A_856 = arith.maximumf %bitcast3A_847, %bitcast3A_855 : vector<32xbf16>
          %bitcast3A_857 = vector.bitcast %max3A_856 : vector<32xbf16> to vector<16xi32>
          tpu.vector_store_idx %arg8[%gather3A_827, %add3A_845], %bitcast3A_857 : memref<321x64xi32, #tpu.memory_space<vmem>>[vector<16xi32>, vector<16xi32>], vector<16xi32>,
          %add3A_858 = arith.constant 32 : i32
          %add3A_859 = vector.broadcast %add3A_858 : i32 to vector<16xi32>
          %add3A_860 = arith.addi %iota3A, %add3A_859 : vector<16xi32>
          %gather3A_861 = tpu.vector_load_idx %arg8[%gather3A_827, %add3A_860] : memref<321x64xi32, #tpu.memory_space<vmem>>[vector<16xi32>, vector<16xi32>], vector<16xi32>,
          %bitcast3A_862 = vector.bitcast %gather3A_861 : vector<16xi32> to vector<32xbf16>
          %mul3A_863 = arith.constant 16 : i32
          %mul3A_864 = arith.muli %scan3A_179, %mul3A_863 : i32
          %add3A_865 = arith.constant 10 : i32
          %add3A_866 = arith.addi %mul3A_864, %add3A_865 : i32
          %get3A_867 = arith.index_cast %add3A_866 : i32 to index
          %get3A_868 = arith.constant 32 : index
          %get3A_869 = tpu.vector_load %arg13[%get3A_867, %get3A_868] {strides = array<i32>} : memref<64x64xi32, #tpu.memory_space<vmem>>, vector<16xi32>,
          %bitcast3A_870 = vector.bitcast %get3A_869 : vector<16xi32> to vector<32xbf16>
          %max3A_871 = arith.maximumf %bitcast3A_862, %bitcast3A_870 : vector<32xbf16>
          %bitcast3A_872 = vector.bitcast %max3A_871 : vector<32xbf16> to vector<16xi32>
          tpu.vector_store_idx %arg8[%gather3A_827, %add3A_860], %bitcast3A_872 : memref<321x64xi32, #tpu.memory_space<vmem>>[vector<16xi32>, vector<16xi32>], vector<16xi32>,
          %add3A_873 = arith.constant 48 : i32
          %add3A_874 = vector.broadcast %add3A_873 : i32 to vector<16xi32>
          %add3A_875 = arith.addi %iota3A, %add3A_874 : vector<16xi32>
          %gather3A_876 = tpu.vector_load_idx %arg8[%gather3A_827, %add3A_875] : memref<321x64xi32, #tpu.memory_space<vmem>>[vector<16xi32>, vector<16xi32>], vector<16xi32>,
          %bitcast3A_877 = vector.bitcast %gather3A_876 : vector<16xi32> to vector<32xbf16>
          %mul3A_878 = arith.constant 16 : i32
          %mul3A_879 = arith.muli %scan3A_179, %mul3A_878 : i32
          %add3A_880 = arith.constant 10 : i32
          %add3A_881 = arith.addi %mul3A_879, %add3A_880 : i32
          %get3A_882 = arith.index_cast %add3A_881 : i32 to index
          %get3A_883 = arith.constant 48 : index
          %get3A_884 = tpu.vector_load %arg13[%get3A_882, %get3A_883] {strides = array<i32>} : memref<64x64xi32, #tpu.memory_space<vmem>>, vector<16xi32>,
          %bitcast3A_885 = vector.bitcast %get3A_884 : vector<16xi32> to vector<32xbf16>
          %max3A_886 = arith.maximumf %bitcast3A_877, %bitcast3A_885 : vector<32xbf16>
          %bitcast3A_887 = vector.bitcast %max3A_886 : vector<32xbf16> to vector<16xi32>
          tpu.vector_store_idx %arg8[%gather3A_827, %add3A_875], %bitcast3A_887 : memref<321x64xi32, #tpu.memory_space<vmem>>[vector<16xi32>, vector<16xi32>], vector<16xi32>,
          %broadcast_in_dim3A_888 = arith.constant 11 : i32
          %broadcast_in_dim3A_889 = vector.broadcast %broadcast_in_dim3A_888 : i32 to vector<16x1xi32>
          %gather3A_890 = vector.shape_cast %broadcast_in_dim3A_889 : vector<16x1xi32> to vector<16xi32>
          %gather3A_891 = tpu.dynamic_gather %get3A_186[%gather3A_890] in [0] : vector<16xi32>, vector<16xi32> -> vector<16xi32>
          %add3A_892 = arith.constant 0 : i32
          %add3A_893 = vector.broadcast %add3A_892 : i32 to vector<16xi32>
          %add3A_894 = arith.addi %iota3A, %add3A_893 : vector<16xi32>
          %gather3A_895 = tpu.vector_load_idx %arg8[%gather3A_891, %add3A_894] : memref<321x64xi32, #tpu.memory_space<vmem>>[vector<16xi32>, vector<16xi32>], vector<16xi32>,
          %bitcast3A_896 = vector.bitcast %gather3A_895 : vector<16xi32> to vector<32xbf16>
          %mul3A_897 = arith.constant 16 : i32
          %mul3A_898 = arith.muli %scan3A_179, %mul3A_897 : i32
          %add3A_899 = arith.constant 11 : i32
          %add3A_900 = arith.addi %mul3A_898, %add3A_899 : i32
          %get3A_901 = arith.index_cast %add3A_900 : i32 to index
          %get3A_902 = arith.constant 0 : index
          %get3A_903 = tpu.vector_load %arg13[%get3A_901, %get3A_902] {strides = array<i32>} : memref<64x64xi32, #tpu.memory_space<vmem>>, vector<16xi32>,
          %bitcast3A_904 = vector.bitcast %get3A_903 : vector<16xi32> to vector<32xbf16>
          %max3A_905 = arith.maximumf %bitcast3A_896, %bitcast3A_904 : vector<32xbf16>
          %bitcast3A_906 = vector.bitcast %max3A_905 : vector<32xbf16> to vector<16xi32>
          tpu.vector_store_idx %arg8[%gather3A_891, %add3A_894], %bitcast3A_906 : memref<321x64xi32, #tpu.memory_space<vmem>>[vector<16xi32>, vector<16xi32>], vector<16xi32>,
          %add3A_907 = arith.constant 16 : i32
          %add3A_908 = vector.broadcast %add3A_907 : i32 to vector<16xi32>
          %add3A_909 = arith.addi %iota3A, %add3A_908 : vector<16xi32>
          %gather3A_910 = tpu.vector_load_idx %arg8[%gather3A_891, %add3A_909] : memref<321x64xi32, #tpu.memory_space<vmem>>[vector<16xi32>, vector<16xi32>], vector<16xi32>,
          %bitcast3A_911 = vector.bitcast %gather3A_910 : vector<16xi32> to vector<32xbf16>
          %mul3A_912 = arith.constant 16 : i32
          %mul3A_913 = arith.muli %scan3A_179, %mul3A_912 : i32
          %add3A_914 = arith.constant 11 : i32
          %add3A_915 = arith.addi %mul3A_913, %add3A_914 : i32
          %get3A_916 = arith.index_cast %add3A_915 : i32 to index
          %get3A_917 = arith.constant 16 : index
          %get3A_918 = tpu.vector_load %arg13[%get3A_916, %get3A_917] {strides = array<i32>} : memref<64x64xi32, #tpu.memory_space<vmem>>, vector<16xi32>,
          %bitcast3A_919 = vector.bitcast %get3A_918 : vector<16xi32> to vector<32xbf16>
          %max3A_920 = arith.maximumf %bitcast3A_911, %bitcast3A_919 : vector<32xbf16>
          %bitcast3A_921 = vector.bitcast %max3A_920 : vector<32xbf16> to vector<16xi32>
          tpu.vector_store_idx %arg8[%gather3A_891, %add3A_909], %bitcast3A_921 : memref<321x64xi32, #tpu.memory_space<vmem>>[vector<16xi32>, vector<16xi32>], vector<16xi32>,
          %add3A_922 = arith.constant 32 : i32
          %add3A_923 = vector.broadcast %add3A_922 : i32 to vector<16xi32>
          %add3A_924 = arith.addi %iota3A, %add3A_923 : vector<16xi32>
          %gather3A_925 = tpu.vector_load_idx %arg8[%gather3A_891, %add3A_924] : memref<321x64xi32, #tpu.memory_space<vmem>>[vector<16xi32>, vector<16xi32>], vector<16xi32>,
          %bitcast3A_926 = vector.bitcast %gather3A_925 : vector<16xi32> to vector<32xbf16>
          %mul3A_927 = arith.constant 16 : i32
          %mul3A_928 = arith.muli %scan3A_179, %mul3A_927 : i32
          %add3A_929 = arith.constant 11 : i32
          %add3A_930 = arith.addi %mul3A_928, %add3A_929 : i32
          %get3A_931 = arith.index_cast %add3A_930 : i32 to index
          %get3A_932 = arith.constant 32 : index
          %get3A_933 = tpu.vector_load %arg13[%get3A_931, %get3A_932] {strides = array<i32>} : memref<64x64xi32, #tpu.memory_space<vmem>>, vector<16xi32>,
          %bitcast3A_934 = vector.bitcast %get3A_933 : vector<16xi32> to vector<32xbf16>
          %max3A_935 = arith.maximumf %bitcast3A_926, %bitcast3A_934 : vector<32xbf16>
          %bitcast3A_936 = vector.bitcast %max3A_935 : vector<32xbf16> to vector<16xi32>
          tpu.vector_store_idx %arg8[%gather3A_891, %add3A_924], %bitcast3A_936 : memref<321x64xi32, #tpu.memory_space<vmem>>[vector<16xi32>, vector<16xi32>], vector<16xi32>,
          %add3A_937 = arith.constant 48 : i32
          %add3A_938 = vector.broadcast %add3A_937 : i32 to vector<16xi32>
          %add3A_939 = arith.addi %iota3A, %add3A_938 : vector<16xi32>
          %gather3A_940 = tpu.vector_load_idx %arg8[%gather3A_891, %add3A_939] : memref<321x64xi32, #tpu.memory_space<vmem>>[vector<16xi32>, vector<16xi32>], vector<16xi32>,
          %bitcast3A_941 = vector.bitcast %gather3A_940 : vector<16xi32> to vector<32xbf16>
          %mul3A_942 = arith.constant 16 : i32
          %mul3A_943 = arith.muli %scan3A_179, %mul3A_942 : i32
          %add3A_944 = arith.constant 11 : i32
          %add3A_945 = arith.addi %mul3A_943, %add3A_944 : i32
          %get3A_946 = arith.index_cast %add3A_945 : i32 to index
          %get3A_947 = arith.constant 48 : index
          %get3A_948 = tpu.vector_load %arg13[%get3A_946, %get3A_947] {strides = array<i32>} : memref<64x64xi32, #tpu.memory_space<vmem>>, vector<16xi32>,
          %bitcast3A_949 = vector.bitcast %get3A_948 : vector<16xi32> to vector<32xbf16>
          %max3A_950 = arith.maximumf %bitcast3A_941, %bitcast3A_949 : vector<32xbf16>
          %bitcast3A_951 = vector.bitcast %max3A_950 : vector<32xbf16> to vector<16xi32>
          tpu.vector_store_idx %arg8[%gather3A_891, %add3A_939], %bitcast3A_951 : memref<321x64xi32, #tpu.memory_space<vmem>>[vector<16xi32>, vector<16xi32>], vector<16xi32>,
          %broadcast_in_dim3A_952 = arith.constant 12 : i32
          %broadcast_in_dim3A_953 = vector.broadcast %broadcast_in_dim3A_952 : i32 to vector<16x1xi32>
          %gather3A_954 = vector.shape_cast %broadcast_in_dim3A_953 : vector<16x1xi32> to vector<16xi32>
          %gather3A_955 = tpu.dynamic_gather %get3A_186[%gather3A_954] in [0] : vector<16xi32>, vector<16xi32> -> vector<16xi32>
          %add3A_956 = arith.constant 0 : i32
          %add3A_957 = vector.broadcast %add3A_956 : i32 to vector<16xi32>
          %add3A_958 = arith.addi %iota3A, %add3A_957 : vector<16xi32>
          %gather3A_959 = tpu.vector_load_idx %arg8[%gather3A_955, %add3A_958] : memref<321x64xi32, #tpu.memory_space<vmem>>[vector<16xi32>, vector<16xi32>], vector<16xi32>,
          %bitcast3A_960 = vector.bitcast %gather3A_959 : vector<16xi32> to vector<32xbf16>
          %mul3A_961 = arith.constant 16 : i32
          %mul3A_962 = arith.muli %scan3A_179, %mul3A_961 : i32
          %add3A_963 = arith.constant 12 : i32
          %add3A_964 = arith.addi %mul3A_962, %add3A_963 : i32
          %get3A_965 = arith.index_cast %add3A_964 : i32 to index
          %get3A_966 = arith.constant 0 : index
          %get3A_967 = tpu.vector_load %arg13[%get3A_965, %get3A_966] {strides = array<i32>} : memref<64x64xi32, #tpu.memory_space<vmem>>, vector<16xi32>,
          %bitcast3A_968 = vector.bitcast %get3A_967 : vector<16xi32> to vector<32xbf16>
          %max3A_969 = arith.maximumf %bitcast3A_960, %bitcast3A_968 : vector<32xbf16>
          %bitcast3A_970 = vector.bitcast %max3A_969 : vector<32xbf16> to vector<16xi32>
          tpu.vector_store_idx %arg8[%gather3A_955, %add3A_958], %bitcast3A_970 : memref<321x64xi32, #tpu.memory_space<vmem>>[vector<16xi32>, vector<16xi32>], vector<16xi32>,
          %add3A_971 = arith.constant 16 : i32
          %add3A_972 = vector.broadcast %add3A_971 : i32 to vector<16xi32>
          %add3A_973 = arith.addi %iota3A, %add3A_972 : vector<16xi32>
          %gather3A_974 = tpu.vector_load_idx %arg8[%gather3A_955, %add3A_973] : memref<321x64xi32, #tpu.memory_space<vmem>>[vector<16xi32>, vector<16xi32>], vector<16xi32>,
          %bitcast3A_975 = vector.bitcast %gather3A_974 : vector<16xi32> to vector<32xbf16>
          %mul3A_976 = arith.constant 16 : i32
          %mul3A_977 = arith.muli %scan3A_179, %mul3A_976 : i32
          %add3A_978 = arith.constant 12 : i32
          %add3A_979 = arith.addi %mul3A_977, %add3A_978 : i32
          %get3A_980 = arith.index_cast %add3A_979 : i32 to index
          %get3A_981 = arith.constant 16 : index
          %get3A_982 = tpu.vector_load %arg13[%get3A_980, %get3A_981] {strides = array<i32>} : memref<64x64xi32, #tpu.memory_space<vmem>>, vector<16xi32>,
          %bitcast3A_983 = vector.bitcast %get3A_982 : vector<16xi32> to vector<32xbf16>
          %max3A_984 = arith.maximumf %bitcast3A_975, %bitcast3A_983 : vector<32xbf16>
          %bitcast3A_985 = vector.bitcast %max3A_984 : vector<32xbf16> to vector<16xi32>
          tpu.vector_store_idx %arg8[%gather3A_955, %add3A_973], %bitcast3A_985 : memref<321x64xi32, #tpu.memory_space<vmem>>[vector<16xi32>, vector<16xi32>], vector<16xi32>,
          %add3A_986 = arith.constant 32 : i32
          %add3A_987 = vector.broadcast %add3A_986 : i32 to vector<16xi32>
          %add3A_988 = arith.addi %iota3A, %add3A_987 : vector<16xi32>
          %gather3A_989 = tpu.vector_load_idx %arg8[%gather3A_955, %add3A_988] : memref<321x64xi32, #tpu.memory_space<vmem>>[vector<16xi32>, vector<16xi32>], vector<16xi32>,
          %bitcast3A_990 = vector.bitcast %gather3A_989 : vector<16xi32> to vector<32xbf16>
          %mul3A_991 = arith.constant 16 : i32
          %mul3A_992 = arith.muli %scan3A_179, %mul3A_991 : i32
          %add3A_993 = arith.constant 12 : i32
          %add3A_994 = arith.addi %mul3A_992, %add3A_993 : i32
          %get3A_995 = arith.index_cast %add3A_994 : i32 to index
          %get3A_996 = arith.constant 32 : index
          %get3A_997 = tpu.vector_load %arg13[%get3A_995, %get3A_996] {strides = array<i32>} : memref<64x64xi32, #tpu.memory_space<vmem>>, vector<16xi32>,
          %bitcast3A_998 = vector.bitcast %get3A_997 : vector<16xi32> to vector<32xbf16>
          %max3A_999 = arith.maximumf %bitcast3A_990, %bitcast3A_998 : vector<32xbf16>
          %bitcast3A_1000 = vector.bitcast %max3A_999 : vector<32xbf16> to vector<16xi32>
          tpu.vector_store_idx %arg8[%gather3A_955, %add3A_988], %bitcast3A_1000 : memref<321x64xi32, #tpu.memory_space<vmem>>[vector<16xi32>, vector<16xi32>], vector<16xi32>,
          %add3A_1001 = arith.constant 48 : i32
          %add3A_1002 = vector.broadcast %add3A_1001 : i32 to vector<16xi32>
          %add3A_1003 = arith.addi %iota3A, %add3A_1002 : vector<16xi32>
          %gather3A_1004 = tpu.vector_load_idx %arg8[%gather3A_955, %add3A_1003] : memref<321x64xi32, #tpu.memory_space<vmem>>[vector<16xi32>, vector<16xi32>], vector<16xi32>,
          %bitcast3A_1005 = vector.bitcast %gather3A_1004 : vector<16xi32> to vector<32xbf16>
          %mul3A_1006 = arith.constant 16 : i32
          %mul3A_1007 = arith.muli %scan3A_179, %mul3A_1006 : i32
          %add3A_1008 = arith.constant 12 : i32
          %add3A_1009 = arith.addi %mul3A_1007, %add3A_1008 : i32
          %get3A_1010 = arith.index_cast %add3A_1009 : i32 to index
          %get3A_1011 = arith.constant 48 : index
          %get3A_1012 = tpu.vector_load %arg13[%get3A_1010, %get3A_1011] {strides = array<i32>} : memref<64x64xi32, #tpu.memory_space<vmem>>, vector<16xi32>,
          %bitcast3A_1013 = vector.bitcast %get3A_1012 : vector<16xi32> to vector<32xbf16>
          %max3A_1014 = arith.maximumf %bitcast3A_1005, %bitcast3A_1013 : vector<32xbf16>
          %bitcast3A_1015 = vector.bitcast %max3A_1014 : vector<32xbf16> to vector<16xi32>
          tpu.vector_store_idx %arg8[%gather3A_955, %add3A_1003], %bitcast3A_1015 : memref<321x64xi32, #tpu.memory_space<vmem>>[vector<16xi32>, vector<16xi32>], vector<16xi32>,
          %broadcast_in_dim3A_1016 = arith.constant 13 : i32
          %broadcast_in_dim3A_1017 = vector.broadcast %broadcast_in_dim3A_1016 : i32 to vector<16x1xi32>
          %gather3A_1018 = vector.shape_cast %broadcast_in_dim3A_1017 : vector<16x1xi32> to vector<16xi32>
          %gather3A_1019 = tpu.dynamic_gather %get3A_186[%gather3A_1018] in [0] : vector<16xi32>, vector<16xi32> -> vector<16xi32>
          %add3A_1020 = arith.constant 0 : i32
          %add3A_1021 = vector.broadcast %add3A_1020 : i32 to vector<16xi32>
          %add3A_1022 = arith.addi %iota3A, %add3A_1021 : vector<16xi32>
          %gather3A_1023 = tpu.vector_load_idx %arg8[%gather3A_1019, %add3A_1022] : memref<321x64xi32, #tpu.memory_space<vmem>>[vector<16xi32>, vector<16xi32>], vector<16xi32>,
          %bitcast3A_1024 = vector.bitcast %gather3A_1023 : vector<16xi32> to vector<32xbf16>
          %mul3A_1025 = arith.constant 16 : i32
          %mul3A_1026 = arith.muli %scan3A_179, %mul3A_1025 : i32
          %add3A_1027 = arith.constant 13 : i32
          %add3A_1028 = arith.addi %mul3A_1026, %add3A_1027 : i32
          %get3A_1029 = arith.index_cast %add3A_1028 : i32 to index
          %get3A_1030 = arith.constant 0 : index
          %get3A_1031 = tpu.vector_load %arg13[%get3A_1029, %get3A_1030] {strides = array<i32>} : memref<64x64xi32, #tpu.memory_space<vmem>>, vector<16xi32>,
          %bitcast3A_1032 = vector.bitcast %get3A_1031 : vector<16xi32> to vector<32xbf16>
          %max3A_1033 = arith.maximumf %bitcast3A_1024, %bitcast3A_1032 : vector<32xbf16>
          %bitcast3A_1034 = vector.bitcast %max3A_1033 : vector<32xbf16> to vector<16xi32>
          tpu.vector_store_idx %arg8[%gather3A_1019, %add3A_1022], %bitcast3A_1034 : memref<321x64xi32, #tpu.memory_space<vmem>>[vector<16xi32>, vector<16xi32>], vector<16xi32>,
          %add3A_1035 = arith.constant 16 : i32
          %add3A_1036 = vector.broadcast %add3A_1035 : i32 to vector<16xi32>
          %add3A_1037 = arith.addi %iota3A, %add3A_1036 : vector<16xi32>
          %gather3A_1038 = tpu.vector_load_idx %arg8[%gather3A_1019, %add3A_1037] : memref<321x64xi32, #tpu.memory_space<vmem>>[vector<16xi32>, vector<16xi32>], vector<16xi32>,
          %bitcast3A_1039 = vector.bitcast %gather3A_1038 : vector<16xi32> to vector<32xbf16>
          %mul3A_1040 = arith.constant 16 : i32
          %mul3A_1041 = arith.muli %scan3A_179, %mul3A_1040 : i32
          %add3A_1042 = arith.constant 13 : i32
          %add3A_1043 = arith.addi %mul3A_1041, %add3A_1042 : i32
          %get3A_1044 = arith.index_cast %add3A_1043 : i32 to index
          %get3A_1045 = arith.constant 16 : index
          %get3A_1046 = tpu.vector_load %arg13[%get3A_1044, %get3A_1045] {strides = array<i32>} : memref<64x64xi32, #tpu.memory_space<vmem>>, vector<16xi32>,
          %bitcast3A_1047 = vector.bitcast %get3A_1046 : vector<16xi32> to vector<32xbf16>
          %max3A_1048 = arith.maximumf %bitcast3A_1039, %bitcast3A_1047 : vector<32xbf16>
          %bitcast3A_1049 = vector.bitcast %max3A_1048 : vector<32xbf16> to vector<16xi32>
          tpu.vector_store_idx %arg8[%gather3A_1019, %add3A_1037], %bitcast3A_1049 : memref<321x64xi32, #tpu.memory_space<vmem>>[vector<16xi32>, vector<16xi32>], vector<16xi32>,
          %add3A_1050 = arith.constant 32 : i32
          %add3A_1051 = vector.broadcast %add3A_1050 : i32 to vector<16xi32>
          %add3A_1052 = arith.addi %iota3A, %add3A_1051 : vector<16xi32>
          %gather3A_1053 = tpu.vector_load_idx %arg8[%gather3A_1019, %add3A_1052] : memref<321x64xi32, #tpu.memory_space<vmem>>[vector<16xi32>, vector<16xi32>], vector<16xi32>,
          %bitcast3A_1054 = vector.bitcast %gather3A_1053 : vector<16xi32> to vector<32xbf16>
          %mul3A_1055 = arith.constant 16 : i32
          %mul3A_1056 = arith.muli %scan3A_179, %mul3A_1055 : i32
          %add3A_1057 = arith.constant 13 : i32
          %add3A_1058 = arith.addi %mul3A_1056, %add3A_1057 : i32
          %get3A_1059 = arith.index_cast %add3A_1058 : i32 to index
          %get3A_1060 = arith.constant 32 : index
          %get3A_1061 = tpu.vector_load %arg13[%get3A_1059, %get3A_1060] {strides = array<i32>} : memref<64x64xi32, #tpu.memory_space<vmem>>, vector<16xi32>,
          %bitcast3A_1062 = vector.bitcast %get3A_1061 : vector<16xi32> to vector<32xbf16>
          %max3A_1063 = arith.maximumf %bitcast3A_1054, %bitcast3A_1062 : vector<32xbf16>
          %bitcast3A_1064 = vector.bitcast %max3A_1063 : vector<32xbf16> to vector<16xi32>
          tpu.vector_store_idx %arg8[%gather3A_1019, %add3A_1052], %bitcast3A_1064 : memref<321x64xi32, #tpu.memory_space<vmem>>[vector<16xi32>, vector<16xi32>], vector<16xi32>,
          %add3A_1065 = arith.constant 48 : i32
          %add3A_1066 = vector.broadcast %add3A_1065 : i32 to vector<16xi32>
          %add3A_1067 = arith.addi %iota3A, %add3A_1066 : vector<16xi32>
          %gather3A_1068 = tpu.vector_load_idx %arg8[%gather3A_1019, %add3A_1067] : memref<321x64xi32, #tpu.memory_space<vmem>>[vector<16xi32>, vector<16xi32>], vector<16xi32>,
          %bitcast3A_1069 = vector.bitcast %gather3A_1068 : vector<16xi32> to vector<32xbf16>
          %mul3A_1070 = arith.constant 16 : i32
          %mul3A_1071 = arith.muli %scan3A_179, %mul3A_1070 : i32
          %add3A_1072 = arith.constant 13 : i32
          %add3A_1073 = arith.addi %mul3A_1071, %add3A_1072 : i32
          %get3A_1074 = arith.index_cast %add3A_1073 : i32 to index
          %get3A_1075 = arith.constant 48 : index
          %get3A_1076 = tpu.vector_load %arg13[%get3A_1074, %get3A_1075] {strides = array<i32>} : memref<64x64xi32, #tpu.memory_space<vmem>>, vector<16xi32>,
          %bitcast3A_1077 = vector.bitcast %get3A_1076 : vector<16xi32> to vector<32xbf16>
          %max3A_1078 = arith.maximumf %bitcast3A_1069, %bitcast3A_1077 : vector<32xbf16>
          %bitcast3A_1079 = vector.bitcast %max3A_1078 : vector<32xbf16> to vector<16xi32>
          tpu.vector_store_idx %arg8[%gather3A_1019, %add3A_1067], %bitcast3A_1079 : memref<321x64xi32, #tpu.memory_space<vmem>>[vector<16xi32>, vector<16xi32>], vector<16xi32>,
          %broadcast_in_dim3A_1080 = arith.constant 14 : i32
          %broadcast_in_dim3A_1081 = vector.broadcast %broadcast_in_dim3A_1080 : i32 to vector<16x1xi32>
          %gather3A_1082 = vector.shape_cast %broadcast_in_dim3A_1081 : vector<16x1xi32> to vector<16xi32>
          %gather3A_1083 = tpu.dynamic_gather %get3A_186[%gather3A_1082] in [0] : vector<16xi32>, vector<16xi32> -> vector<16xi32>
          %add3A_1084 = arith.constant 0 : i32
          %add3A_1085 = vector.broadcast %add3A_1084 : i32 to vector<16xi32>
          %add3A_1086 = arith.addi %iota3A, %add3A_1085 : vector<16xi32>
          %gather3A_1087 = tpu.vector_load_idx %arg8[%gather3A_1083, %add3A_1086] : memref<321x64xi32, #tpu.memory_space<vmem>>[vector<16xi32>, vector<16xi32>], vector<16xi32>,
          %bitcast3A_1088 = vector.bitcast %gather3A_1087 : vector<16xi32> to vector<32xbf16>
          %mul3A_1089 = arith.constant 16 : i32
          %mul3A_1090 = arith.muli %scan3A_179, %mul3A_1089 : i32
          %add3A_1091 = arith.constant 14 : i32
          %add3A_1092 = arith.addi %mul3A_1090, %add3A_1091 : i32
          %get3A_1093 = arith.index_cast %add3A_1092 : i32 to index
          %get3A_1094 = arith.constant 0 : index
          %get3A_1095 = tpu.vector_load %arg13[%get3A_1093, %get3A_1094] {strides = array<i32>} : memref<64x64xi32, #tpu.memory_space<vmem>>, vector<16xi32>,
          %bitcast3A_1096 = vector.bitcast %get3A_1095 : vector<16xi32> to vector<32xbf16>
          %max3A_1097 = arith.maximumf %bitcast3A_1088, %bitcast3A_1096 : vector<32xbf16>
          %bitcast3A_1098 = vector.bitcast %max3A_1097 : vector<32xbf16> to vector<16xi32>
          tpu.vector_store_idx %arg8[%gather3A_1083, %add3A_1086], %bitcast3A_1098 : memref<321x64xi32, #tpu.memory_space<vmem>>[vector<16xi32>, vector<16xi32>], vector<16xi32>,
          %add3A_1099 = arith.constant 16 : i32
          %add3A_1100 = vector.broadcast %add3A_1099 : i32 to vector<16xi32>
          %add3A_1101 = arith.addi %iota3A, %add3A_1100 : vector<16xi32>
          %gather3A_1102 = tpu.vector_load_idx %arg8[%gather3A_1083, %add3A_1101] : memref<321x64xi32, #tpu.memory_space<vmem>>[vector<16xi32>, vector<16xi32>], vector<16xi32>,
          %bitcast3A_1103 = vector.bitcast %gather3A_1102 : vector<16xi32> to vector<32xbf16>
          %mul3A_1104 = arith.constant 16 : i32
          %mul3A_1105 = arith.muli %scan3A_179, %mul3A_1104 : i32
          %add3A_1106 = arith.constant 14 : i32
          %add3A_1107 = arith.addi %mul3A_1105, %add3A_1106 : i32
          %get3A_1108 = arith.index_cast %add3A_1107 : i32 to index
          %get3A_1109 = arith.constant 16 : index
          %get3A_1110 = tpu.vector_load %arg13[%get3A_1108, %get3A_1109] {strides = array<i32>} : memref<64x64xi32, #tpu.memory_space<vmem>>, vector<16xi32>,
          %bitcast3A_1111 = vector.bitcast %get3A_1110 : vector<16xi32> to vector<32xbf16>
          %max3A_1112 = arith.maximumf %bitcast3A_1103, %bitcast3A_1111 : vector<32xbf16>
          %bitcast3A_1113 = vector.bitcast %max3A_1112 : vector<32xbf16> to vector<16xi32>
          tpu.vector_store_idx %arg8[%gather3A_1083, %add3A_1101], %bitcast3A_1113 : memref<321x64xi32, #tpu.memory_space<vmem>>[vector<16xi32>, vector<16xi32>], vector<16xi32>,
          %add3A_1114 = arith.constant 32 : i32
          %add3A_1115 = vector.broadcast %add3A_1114 : i32 to vector<16xi32>
          %add3A_1116 = arith.addi %iota3A, %add3A_1115 : vector<16xi32>
          %gather3A_1117 = tpu.vector_load_idx %arg8[%gather3A_1083, %add3A_1116] : memref<321x64xi32, #tpu.memory_space<vmem>>[vector<16xi32>, vector<16xi32>], vector<16xi32>,
          %bitcast3A_1118 = vector.bitcast %gather3A_1117 : vector<16xi32> to vector<32xbf16>
          %mul3A_1119 = arith.constant 16 : i32
          %mul3A_1120 = arith.muli %scan3A_179, %mul3A_1119 : i32
          %add3A_1121 = arith.constant 14 : i32
          %add3A_1122 = arith.addi %mul3A_1120, %add3A_1121 : i32
          %get3A_1123 = arith.index_cast %add3A_1122 : i32 to index
          %get3A_1124 = arith.constant 32 : index
          %get3A_1125 = tpu.vector_load %arg13[%get3A_1123, %get3A_1124] {strides = array<i32>} : memref<64x64xi32, #tpu.memory_space<vmem>>, vector<16xi32>,
          %bitcast3A_1126 = vector.bitcast %get3A_1125 : vector<16xi32> to vector<32xbf16>
          %max3A_1127 = arith.maximumf %bitcast3A_1118, %bitcast3A_1126 : vector<32xbf16>
          %bitcast3A_1128 = vector.bitcast %max3A_1127 : vector<32xbf16> to vector<16xi32>
          tpu.vector_store_idx %arg8[%gather3A_1083, %add3A_1116], %bitcast3A_1128 : memref<321x64xi32, #tpu.memory_space<vmem>>[vector<16xi32>, vector<16xi32>], vector<16xi32>,
          %add3A_1129 = arith.constant 48 : i32
          %add3A_1130 = vector.broadcast %add3A_1129 : i32 to vector<16xi32>
          %add3A_1131 = arith.addi %iota3A, %add3A_1130 : vector<16xi32>
          %gather3A_1132 = tpu.vector_load_idx %arg8[%gather3A_1083, %add3A_1131] : memref<321x64xi32, #tpu.memory_space<vmem>>[vector<16xi32>, vector<16xi32>], vector<16xi32>,
          %bitcast3A_1133 = vector.bitcast %gather3A_1132 : vector<16xi32> to vector<32xbf16>
          %mul3A_1134 = arith.constant 16 : i32
          %mul3A_1135 = arith.muli %scan3A_179, %mul3A_1134 : i32
          %add3A_1136 = arith.constant 14 : i32
          %add3A_1137 = arith.addi %mul3A_1135, %add3A_1136 : i32
          %get3A_1138 = arith.index_cast %add3A_1137 : i32 to index
          %get3A_1139 = arith.constant 48 : index
          %get3A_1140 = tpu.vector_load %arg13[%get3A_1138, %get3A_1139] {strides = array<i32>} : memref<64x64xi32, #tpu.memory_space<vmem>>, vector<16xi32>,
          %bitcast3A_1141 = vector.bitcast %get3A_1140 : vector<16xi32> to vector<32xbf16>
          %max3A_1142 = arith.maximumf %bitcast3A_1133, %bitcast3A_1141 : vector<32xbf16>
          %bitcast3A_1143 = vector.bitcast %max3A_1142 : vector<32xbf16> to vector<16xi32>
          tpu.vector_store_idx %arg8[%gather3A_1083, %add3A_1131], %bitcast3A_1143 : memref<321x64xi32, #tpu.memory_space<vmem>>[vector<16xi32>, vector<16xi32>], vector<16xi32>,
          %broadcast_in_dim3A_1144 = arith.constant 15 : i32
          %broadcast_in_dim3A_1145 = vector.broadcast %broadcast_in_dim3A_1144 : i32 to vector<16x1xi32>
          %gather3A_1146 = vector.shape_cast %broadcast_in_dim3A_1145 : vector<16x1xi32> to vector<16xi32>
          %gather3A_1147 = tpu.dynamic_gather %get3A_186[%gather3A_1146] in [0] : vector<16xi32>, vector<16xi32> -> vector<16xi32>
          %add3A_1148 = arith.constant 0 : i32
          %add3A_1149 = vector.broadcast %add3A_1148 : i32 to vector<16xi32>
          %add3A_1150 = arith.addi %iota3A, %add3A_1149 : vector<16xi32>
          %gather3A_1151 = tpu.vector_load_idx %arg8[%gather3A_1147, %add3A_1150] : memref<321x64xi32, #tpu.memory_space<vmem>>[vector<16xi32>, vector<16xi32>], vector<16xi32>,
          %bitcast3A_1152 = vector.bitcast %gather3A_1151 : vector<16xi32> to vector<32xbf16>
          %mul3A_1153 = arith.constant 16 : i32
          %mul3A_1154 = arith.muli %scan3A_179, %mul3A_1153 : i32
          %add3A_1155 = arith.constant 15 : i32
          %add3A_1156 = arith.addi %mul3A_1154, %add3A_1155 : i32
          %get3A_1157 = arith.index_cast %add3A_1156 : i32 to index
          %get3A_1158 = arith.constant 0 : index
          %get3A_1159 = tpu.vector_load %arg13[%get3A_1157, %get3A_1158] {strides = array<i32>} : memref<64x64xi32, #tpu.memory_space<vmem>>, vector<16xi32>,
          %bitcast3A_1160 = vector.bitcast %get3A_1159 : vector<16xi32> to vector<32xbf16>
          %max3A_1161 = arith.maximumf %bitcast3A_1152, %bitcast3A_1160 : vector<32xbf16>
          %bitcast3A_1162 = vector.bitcast %max3A_1161 : vector<32xbf16> to vector<16xi32>
          tpu.vector_store_idx %arg8[%gather3A_1147, %add3A_1150], %bitcast3A_1162 : memref<321x64xi32, #tpu.memory_space<vmem>>[vector<16xi32>, vector<16xi32>], vector<16xi32>,
          %add3A_1163 = arith.constant 16 : i32
          %add3A_1164 = vector.broadcast %add3A_1163 : i32 to vector<16xi32>
          %add3A_1165 = arith.addi %iota3A, %add3A_1164 : vector<16xi32>
          %gather3A_1166 = tpu.vector_load_idx %arg8[%gather3A_1147, %add3A_1165] : memref<321x64xi32, #tpu.memory_space<vmem>>[vector<16xi32>, vector<16xi32>], vector<16xi32>,
          %bitcast3A_1167 = vector.bitcast %gather3A_1166 : vector<16xi32> to vector<32xbf16>
          %mul3A_1168 = arith.constant 16 : i32
          %mul3A_1169 = arith.muli %scan3A_179, %mul3A_1168 : i32
          %add3A_1170 = arith.constant 15 : i32
          %add3A_1171 = arith.addi %mul3A_1169, %add3A_1170 : i32
          %get3A_1172 = arith.index_cast %add3A_1171 : i32 to index
          %get3A_1173 = arith.constant 16 : index
          %get3A_1174 = tpu.vector_load %arg13[%get3A_1172, %get3A_1173] {strides = array<i32>} : memref<64x64xi32, #tpu.memory_space<vmem>>, vector<16xi32>,
          %bitcast3A_1175 = vector.bitcast %get3A_1174 : vector<16xi32> to vector<32xbf16>
          %max3A_1176 = arith.maximumf %bitcast3A_1167, %bitcast3A_1175 : vector<32xbf16>
          %bitcast3A_1177 = vector.bitcast %max3A_1176 : vector<32xbf16> to vector<16xi32>
          tpu.vector_store_idx %arg8[%gather3A_1147, %add3A_1165], %bitcast3A_1177 : memref<321x64xi32, #tpu.memory_space<vmem>>[vector<16xi32>, vector<16xi32>], vector<16xi32>,
          %add3A_1178 = arith.constant 32 : i32
          %add3A_1179 = vector.broadcast %add3A_1178 : i32 to vector<16xi32>
          %add3A_1180 = arith.addi %iota3A, %add3A_1179 : vector<16xi32>
          %gather3A_1181 = tpu.vector_load_idx %arg8[%gather3A_1147, %add3A_1180] : memref<321x64xi32, #tpu.memory_space<vmem>>[vector<16xi32>, vector<16xi32>], vector<16xi32>,
          %bitcast3A_1182 = vector.bitcast %gather3A_1181 : vector<16xi32> to vector<32xbf16>
          %mul3A_1183 = arith.constant 16 : i32
          %mul3A_1184 = arith.muli %scan3A_179, %mul3A_1183 : i32
          %add3A_1185 = arith.constant 15 : i32
          %add3A_1186 = arith.addi %mul3A_1184, %add3A_1185 : i32
          %get3A_1187 = arith.index_cast %add3A_1186 : i32 to index
          %get3A_1188 = arith.constant 32 : index
          %get3A_1189 = tpu.vector_load %arg13[%get3A_1187, %get3A_1188] {strides = array<i32>} : memref<64x64xi32, #tpu.memory_space<vmem>>, vector<16xi32>,
          %bitcast3A_1190 = vector.bitcast %get3A_1189 : vector<16xi32> to vector<32xbf16>
          %max3A_1191 = arith.maximumf %bitcast3A_1182, %bitcast3A_1190 : vector<32xbf16>
          %bitcast3A_1192 = vector.bitcast %max3A_1191 : vector<32xbf16> to vector<16xi32>
          tpu.vector_store_idx %arg8[%gather3A_1147, %add3A_1180], %bitcast3A_1192 : memref<321x64xi32, #tpu.memory_space<vmem>>[vector<16xi32>, vector<16xi32>], vector<16xi32>,
          %add3A_1193 = arith.constant 48 : i32
          %add3A_1194 = vector.broadcast %add3A_1193 : i32 to vector<16xi32>
          %add3A_1195 = arith.addi %iota3A, %add3A_1194 : vector<16xi32>
          %gather3A_1196 = tpu.vector_load_idx %arg8[%gather3A_1147, %add3A_1195] : memref<321x64xi32, #tpu.memory_space<vmem>>[vector<16xi32>, vector<16xi32>], vector<16xi32>,
          %bitcast3A_1197 = vector.bitcast %gather3A_1196 : vector<16xi32> to vector<32xbf16>
          %mul3A_1198 = arith.constant 16 : i32
          %mul3A_1199 = arith.muli %scan3A_179, %mul3A_1198 : i32
          %add3A_1200 = arith.constant 15 : i32
          %add3A_1201 = arith.addi %mul3A_1199, %add3A_1200 : i32
          %get3A_1202 = arith.index_cast %add3A_1201 : i32 to index
          %get3A_1203 = arith.constant 48 : index
          %get3A_1204 = tpu.vector_load %arg13[%get3A_1202, %get3A_1203] {strides = array<i32>} : memref<64x64xi32, #tpu.memory_space<vmem>>, vector<16xi32>,
          %bitcast3A_1205 = vector.bitcast %get3A_1204 : vector<16xi32> to vector<32xbf16>
          %max3A_1206 = arith.maximumf %bitcast3A_1197, %bitcast3A_1205 : vector<32xbf16>
          %bitcast3A_1207 = vector.bitcast %max3A_1206 : vector<32xbf16> to vector<16xi32>
          tpu.vector_store_idx %arg8[%gather3A_1147, %add3A_1195], %bitcast3A_1207 : memref<321x64xi32, #tpu.memory_space<vmem>>[vector<16xi32>, vector<16xi32>], vector<16xi32>,
          %scan3A_1208 = arith.constant 0 : i32
          scf.yield %scan3A_1208 : i32
        }
        %scan3A_177 = arith.constant 4 : i32
        %while3A_178 = arith.constant 0 : i32
        scf.yield %while3A_178 : i32
      }
      %scan3A_158 = arith.constant 0 : i32
      scf.yield %scan3A_158 : i32
    }
    %scan3A_38 = arith.constant 100 : i32
    %scan3A_39 = arith.constant 0 : i32
    %scan3A_40 = arith.constant 0 : i32
    %scan3A_41 = arith.constant 5 : i32
    %scan3A_42 = arith.addi %scan3A_40, %scan3A_41 : i32
    %scan3A_43 = arith.constant 1 : i32
    %scan3A_44 = scf.for %scan3A_46 = %scan3A_40 to %scan3A_42 step %scan3A_43 iter_args(%scan3A_47 = %scan3A_39) -> (i32)  : i32 {
      %mul3A_48 = arith.constant 64 : i32
      %mul3A_49 = arith.muli %scan3A_46, %mul3A_48 : i32
      %add3A_50 = arith.addi %mul3A_2, %mul3A_49 : i32
      "tpu.region"() ({
        %run_scoped3A = tpu.sem_alloc : memref<!tpu.dma_semaphore, #tpu.memory_space<semaphore_mem>>
        %dma_start3A_59 = arith.constant 0 : i32
        %dma_start3A_60 = tpu.memref_slice %arg2[%add3A_50, %dma_start3A_59] : memref<10240x128xf32, #tpu.memory_space<hbm>> -> memref<64x128xf32, #tpu.memory_space<hbm>>
        %dma_start3A_61 = arith.constant 0 : i32
        %dma_start3A_62 = tpu.memref_slice %arg2[%add3A_50, %dma_start3A_61] : memref<10240x128xf32, #tpu.memory_space<hbm>> -> memref<64x128xf32, #tpu.memory_space<hbm>>
        tpu.enqueue_dma source(%dma_start3A_62 : memref<64x128xf32, #tpu.memory_space<hbm>>) target(%arg14 : memref<64x128xf32, #tpu.memory_space<vmem>>) target_semaphore(%run_scoped3A : memref<!tpu.dma_semaphore, #tpu.memory_space<semaphore_mem>>)
        %dma_wait3A = arith.constant 0 : i32
        %dma_wait3A_63 = tpu.memref_slice %arg2[%add3A_50, %dma_wait3A] : memref<10240x128xf32, #tpu.memory_space<hbm>> -> memref<64x128xf32, #tpu.memory_space<hbm>>
        %dma_wait3A_64 = arith.constant 0 : i32
        %dma_wait3A_65 = tpu.memref_slice %arg2[%add3A_50, %dma_wait3A_64] : memref<10240x128xf32, #tpu.memory_space<hbm>> -> memref<64x128xf32, #tpu.memory_space<hbm>>
        tpu.wait_dma2 semaphore(%run_scoped3A : memref<!tpu.dma_semaphore, #tpu.memory_space<semaphore_mem>>) src(%dma_wait3A_65 : memref<64x128xf32, #tpu.memory_space<hbm>>) dst(%arg14 : memref<64x128xf32, #tpu.memory_space<vmem>>)
        tpu.yield
      }) : () -> ()
      %scan3A_51 = arith.constant 0 : i32
      %scan3A_52 = arith.constant 0 : i32
      %scan3A_53 = arith.constant 64 : i32
      %scan3A_54 = arith.addi %scan3A_52, %scan3A_53 : i32
      %scan3A_55 = arith.constant 1 : i32
      %scan3A_56 = scf.for %scan3A_59 = %scan3A_52 to %scan3A_54 step %scan3A_55 iter_args(%scan3A_60 = %scan3A_51) -> (i32)  : i32 {
        %mul3A_61 = arith.constant 64 : i32
        %mul3A_62 = arith.muli %scan3A_46, %mul3A_61 : i32
        %add3A_63 = arith.addi %mul3A_62, %scan3A_59 : i32
        %broadcast_in_dim3A_64 = vector.broadcast %scan3A_59 : i32 to vector<16xi32>
        %get3A = arith.index_cast %add3A_63 : i32 to index
        %get3A_65 = arith.constant 0 : index
        %get3A_66 = tpu.vector_load %arg8[%get3A, %get3A_65] {strides = array<i32>} : memref<321x64xi32, #tpu.memory_space<vmem>>, vector<16xi32>,
        %bitcast3A = vector.bitcast %get3A_66 : vector<16xi32> to vector<32xbf16>
        %unpack3A = tpu.unpack_subelements %bitcast3A, 0 {pack_format = #tpu.pack_format<interleaved>} : vector<32xbf16> -> vector<16xf32>
        %unpack3A_67 = tpu.unpack_subelements %bitcast3A, 1 {pack_format = #tpu.pack_format<interleaved>} : vector<32xbf16> -> vector<16xf32>
        %mul3A_68 = arith.constant 2 : i32
        %mul3A_69 = vector.broadcast %mul3A_68 : i32 to vector<16xi32>
        %mul3A_70 = arith.muli %mul3A_69, %iota3A : vector<16xi32>
        %add3A_71 = arith.constant 0 : i32
        %add3A_72 = vector.broadcast %add3A_71 : i32 to vector<16xi32>
        %add3A_73 = arith.addi %add3A_72, %mul3A_70 : vector<16xi32>
        %gather3A = tpu.vector_load_idx %arg14[%broadcast_in_dim3A_64, %add3A_73] : memref<64x128xf32, #tpu.memory_space<vmem>>[vector<16xi32>, vector<16xi32>], vector<16xf32>,
        %ge3A = arith.constant 0.000000e+00 : f32
        %ge3A_74 = vector.broadcast %ge3A : f32 to vector<16xf32>
        %ge3A_75 = arith.cmpf oge, %unpack3A, %ge3A_74 : vector<16xf32>
        %jit3A = arith.constant 0.000000e+00 : f32
        %broadcast_in_dim3A_76 = vector.broadcast %jit3A : f32 to vector<16xf32>
        %select_n3A = arith.select %ge3A_75, %gather3A, %broadcast_in_dim3A_76 : vector<16xi1>, vector<16xf32>
        tpu.vector_store_idx %arg15[%broadcast_in_dim3A_64, %add3A_73], %select_n3A : memref<64x128xf32, #tpu.memory_space<vmem>>[vector<16xi32>, vector<16xi32>], vector<16xf32>,
        %sub3A = arith.subf %unpack3A, %gather3A : vector<16xf32>
        %jit3A_77 = arith.constant 0.000000e+00 : f32
        %broadcast_in_dim3A_78 = vector.broadcast %jit3A_77 : f32 to vector<16xf32>
        %select_n3A_79 = arith.select %ge3A_75, %sub3A, %broadcast_in_dim3A_78 : vector<16xi1>, vector<16xf32>
        tpu.vector_store_idx %arg16[%broadcast_in_dim3A_64, %add3A_73], %select_n3A_79 : memref<64x128xf32, #tpu.memory_space<vmem>>[vector<16xi32>, vector<16xi32>], vector<16xf32>,
        %mul3A_80 = arith.constant 2 : i32
        %mul3A_81 = vector.broadcast %mul3A_80 : i32 to vector<16xi32>
        %mul3A_82 = arith.muli %mul3A_81, %iota3A : vector<16xi32>
        %add3A_83 = arith.constant 1 : i32
        %add3A_84 = vector.broadcast %add3A_83 : i32 to vector<16xi32>
        %add3A_85 = arith.addi %add3A_84, %mul3A_82 : vector<16xi32>
        %gather3A_86 = tpu.vector_load_idx %arg14[%broadcast_in_dim3A_64, %add3A_85] : memref<64x128xf32, #tpu.memory_space<vmem>>[vector<16xi32>, vector<16xi32>], vector<16xf32>,
        %ge3A_87 = arith.constant 0.000000e+00 : f32
        %ge3A_88 = vector.broadcast %ge3A_87 : f32 to vector<16xf32>
        %ge3A_89 = arith.cmpf oge, %unpack3A_67, %ge3A_88 : vector<16xf32>
        %jit3A_90 = arith.constant 0.000000e+00 : f32
        %broadcast_in_dim3A_91 = vector.broadcast %jit3A_90 : f32 to vector<16xf32>
        %select_n3A_92 = arith.select %ge3A_89, %gather3A_86, %broadcast_in_dim3A_91 : vector<16xi1>, vector<16xf32>
        tpu.vector_store_idx %arg15[%broadcast_in_dim3A_64, %add3A_85], %select_n3A_92 : memref<64x128xf32, #tpu.memory_space<vmem>>[vector<16xi32>, vector<16xi32>], vector<16xf32>,
        %sub3A_93 = arith.subf %unpack3A_67, %gather3A_86 : vector<16xf32>
        %jit3A_94 = arith.constant 0.000000e+00 : f32
        %broadcast_in_dim3A_95 = vector.broadcast %jit3A_94 : f32 to vector<16xf32>
        %select_n3A_96 = arith.select %ge3A_89, %sub3A_93, %broadcast_in_dim3A_95 : vector<16xi1>, vector<16xf32>
        tpu.vector_store_idx %arg16[%broadcast_in_dim3A_64, %add3A_85], %select_n3A_96 : memref<64x128xf32, #tpu.memory_space<vmem>>[vector<16xi32>, vector<16xi32>], vector<16xf32>,
        %get3A_97 = arith.index_cast %add3A_63 : i32 to index
        %get3A_98 = arith.constant 16 : index
        %get3A_99 = tpu.vector_load %arg8[%get3A_97, %get3A_98] {strides = array<i32>} : memref<321x64xi32, #tpu.memory_space<vmem>>, vector<16xi32>,
        %bitcast3A_100 = vector.bitcast %get3A_99 : vector<16xi32> to vector<32xbf16>
        %unpack3A_101 = tpu.unpack_subelements %bitcast3A_100, 0 {pack_format = #tpu.pack_format<interleaved>} : vector<32xbf16> -> vector<16xf32>
        %unpack3A_102 = tpu.unpack_subelements %bitcast3A_100, 1 {pack_format = #tpu.pack_format<interleaved>} : vector<32xbf16> -> vector<16xf32>
        %mul3A_103 = arith.constant 2 : i32
        %mul3A_104 = vector.broadcast %mul3A_103 : i32 to vector<16xi32>
        %mul3A_105 = arith.muli %mul3A_104, %iota3A : vector<16xi32>
        %add3A_106 = arith.constant 32 : i32
        %add3A_107 = vector.broadcast %add3A_106 : i32 to vector<16xi32>
        %add3A_108 = arith.addi %add3A_107, %mul3A_105 : vector<16xi32>
        %gather3A_109 = tpu.vector_load_idx %arg14[%broadcast_in_dim3A_64, %add3A_108] : memref<64x128xf32, #tpu.memory_space<vmem>>[vector<16xi32>, vector<16xi32>], vector<16xf32>,
        %ge3A_110 = arith.constant 0.000000e+00 : f32
        %ge3A_111 = vector.broadcast %ge3A_110 : f32 to vector<16xf32>
        %ge3A_112 = arith.cmpf oge, %unpack3A_101, %ge3A_111 : vector<16xf32>
        %jit3A_113 = arith.constant 0.000000e+00 : f32
        %broadcast_in_dim3A_114 = vector.broadcast %jit3A_113 : f32 to vector<16xf32>
        %select_n3A_115 = arith.select %ge3A_112, %gather3A_109, %broadcast_in_dim3A_114 : vector<16xi1>, vector<16xf32>
        tpu.vector_store_idx %arg15[%broadcast_in_dim3A_64, %add3A_108], %select_n3A_115 : memref<64x128xf32, #tpu.memory_space<vmem>>[vector<16xi32>, vector<16xi32>], vector<16xf32>,
        %sub3A_116 = arith.subf %unpack3A_101, %gather3A_109 : vector<16xf32>
        %jit3A_117 = arith.constant 0.000000e+00 : f32
        %broadcast_in_dim3A_118 = vector.broadcast %jit3A_117 : f32 to vector<16xf32>
        %select_n3A_119 = arith.select %ge3A_112, %sub3A_116, %broadcast_in_dim3A_118 : vector<16xi1>, vector<16xf32>
        tpu.vector_store_idx %arg16[%broadcast_in_dim3A_64, %add3A_108], %select_n3A_119 : memref<64x128xf32, #tpu.memory_space<vmem>>[vector<16xi32>, vector<16xi32>], vector<16xf32>,
        %mul3A_120 = arith.constant 2 : i32
        %mul3A_121 = vector.broadcast %mul3A_120 : i32 to vector<16xi32>
        %mul3A_122 = arith.muli %mul3A_121, %iota3A : vector<16xi32>
        %add3A_123 = arith.constant 33 : i32
        %add3A_124 = vector.broadcast %add3A_123 : i32 to vector<16xi32>
        %add3A_125 = arith.addi %add3A_124, %mul3A_122 : vector<16xi32>
        %gather3A_126 = tpu.vector_load_idx %arg14[%broadcast_in_dim3A_64, %add3A_125] : memref<64x128xf32, #tpu.memory_space<vmem>>[vector<16xi32>, vector<16xi32>], vector<16xf32>,
        %ge3A_127 = arith.constant 0.000000e+00 : f32
        %ge3A_128 = vector.broadcast %ge3A_127 : f32 to vector<16xf32>
        %ge3A_129 = arith.cmpf oge, %unpack3A_102, %ge3A_128 : vector<16xf32>
        %jit3A_130 = arith.constant 0.000000e+00 : f32
        %broadcast_in_dim3A_131 = vector.broadcast %jit3A_130 : f32 to vector<16xf32>
        %select_n3A_132 = arith.select %ge3A_129, %gather3A_126, %broadcast_in_dim3A_131 : vector<16xi1>, vector<16xf32>
        tpu.vector_store_idx %arg15[%broadcast_in_dim3A_64, %add3A_125], %select_n3A_132 : memref<64x128xf32, #tpu.memory_space<vmem>>[vector<16xi32>, vector<16xi32>], vector<16xf32>,
        %sub3A_133 = arith.subf %unpack3A_102, %gather3A_126 : vector<16xf32>
        %jit3A_134 = arith.constant 0.000000e+00 : f32
        %broadcast_in_dim3A_135 = vector.broadcast %jit3A_134 : f32 to vector<16xf32>
        %select_n3A_136 = arith.select %ge3A_129, %sub3A_133, %broadcast_in_dim3A_135 : vector<16xi1>, vector<16xf32>
        tpu.vector_store_idx %arg16[%broadcast_in_dim3A_64, %add3A_125], %select_n3A_136 : memref<64x128xf32, #tpu.memory_space<vmem>>[vector<16xi32>, vector<16xi32>], vector<16xf32>,
        %get3A_137 = arith.index_cast %add3A_63 : i32 to index
        %get3A_138 = arith.constant 32 : index
        %get3A_139 = tpu.vector_load %arg8[%get3A_137, %get3A_138] {strides = array<i32>} : memref<321x64xi32, #tpu.memory_space<vmem>>, vector<16xi32>,
        %bitcast3A_140 = vector.bitcast %get3A_139 : vector<16xi32> to vector<32xbf16>
        %unpack3A_141 = tpu.unpack_subelements %bitcast3A_140, 0 {pack_format = #tpu.pack_format<interleaved>} : vector<32xbf16> -> vector<16xf32>
        %unpack3A_142 = tpu.unpack_subelements %bitcast3A_140, 1 {pack_format = #tpu.pack_format<interleaved>} : vector<32xbf16> -> vector<16xf32>
        %mul3A_143 = arith.constant 2 : i32
        %mul3A_144 = vector.broadcast %mul3A_143 : i32 to vector<16xi32>
        %mul3A_145 = arith.muli %mul3A_144, %iota3A : vector<16xi32>
        %add3A_146 = arith.constant 64 : i32
        %add3A_147 = vector.broadcast %add3A_146 : i32 to vector<16xi32>
        %add3A_148 = arith.addi %add3A_147, %mul3A_145 : vector<16xi32>
        %gather3A_149 = tpu.vector_load_idx %arg14[%broadcast_in_dim3A_64, %add3A_148] : memref<64x128xf32, #tpu.memory_space<vmem>>[vector<16xi32>, vector<16xi32>], vector<16xf32>,
        %ge3A_150 = arith.constant 0.000000e+00 : f32
        %ge3A_151 = vector.broadcast %ge3A_150 : f32 to vector<16xf32>
        %ge3A_152 = arith.cmpf oge, %unpack3A_141, %ge3A_151 : vector<16xf32>
        %jit3A_153 = arith.constant 0.000000e+00 : f32
        %broadcast_in_dim3A_154 = vector.broadcast %jit3A_153 : f32 to vector<16xf32>
        %select_n3A_155 = arith.select %ge3A_152, %gather3A_149, %broadcast_in_dim3A_154 : vector<16xi1>, vector<16xf32>
        tpu.vector_store_idx %arg15[%broadcast_in_dim3A_64, %add3A_148], %select_n3A_155 : memref<64x128xf32, #tpu.memory_space<vmem>>[vector<16xi32>, vector<16xi32>], vector<16xf32>,
        %sub3A_156 = arith.subf %unpack3A_141, %gather3A_149 : vector<16xf32>
        %jit3A_157 = arith.constant 0.000000e+00 : f32
        %broadcast_in_dim3A_158 = vector.broadcast %jit3A_157 : f32 to vector<16xf32>
        %select_n3A_159 = arith.select %ge3A_152, %sub3A_156, %broadcast_in_dim3A_158 : vector<16xi1>, vector<16xf32>
        tpu.vector_store_idx %arg16[%broadcast_in_dim3A_64, %add3A_148], %select_n3A_159 : memref<64x128xf32, #tpu.memory_space<vmem>>[vector<16xi32>, vector<16xi32>], vector<16xf32>,
        %mul3A_160 = arith.constant 2 : i32
        %mul3A_161 = vector.broadcast %mul3A_160 : i32 to vector<16xi32>
        %mul3A_162 = arith.muli %mul3A_161, %iota3A : vector<16xi32>
        %add3A_163 = arith.constant 65 : i32
        %add3A_164 = vector.broadcast %add3A_163 : i32 to vector<16xi32>
        %add3A_165 = arith.addi %add3A_164, %mul3A_162 : vector<16xi32>
        %gather3A_166 = tpu.vector_load_idx %arg14[%broadcast_in_dim3A_64, %add3A_165] : memref<64x128xf32, #tpu.memory_space<vmem>>[vector<16xi32>, vector<16xi32>], vector<16xf32>,
        %ge3A_167 = arith.constant 0.000000e+00 : f32
        %ge3A_168 = vector.broadcast %ge3A_167 : f32 to vector<16xf32>
        %ge3A_169 = arith.cmpf oge, %unpack3A_142, %ge3A_168 : vector<16xf32>
        %jit3A_170 = arith.constant 0.000000e+00 : f32
        %broadcast_in_dim3A_171 = vector.broadcast %jit3A_170 : f32 to vector<16xf32>
        %select_n3A_172 = arith.select %ge3A_169, %gather3A_166, %broadcast_in_dim3A_171 : vector<16xi1>, vector<16xf32>
        tpu.vector_store_idx %arg15[%broadcast_in_dim3A_64, %add3A_165], %select_n3A_172 : memref<64x128xf32, #tpu.memory_space<vmem>>[vector<16xi32>, vector<16xi32>], vector<16xf32>,
        %sub3A_173 = arith.subf %unpack3A_142, %gather3A_166 : vector<16xf32>
        %jit3A_174 = arith.constant 0.000000e+00 : f32
        %broadcast_in_dim3A_175 = vector.broadcast %jit3A_174 : f32 to vector<16xf32>
        %select_n3A_176 = arith.select %ge3A_169, %sub3A_173, %broadcast_in_dim3A_175 : vector<16xi1>, vector<16xf32>
        tpu.vector_store_idx %arg16[%broadcast_in_dim3A_64, %add3A_165], %select_n3A_176 : memref<64x128xf32, #tpu.memory_space<vmem>>[vector<16xi32>, vector<16xi32>], vector<16xf32>,
        %get3A_177 = arith.index_cast %add3A_63 : i32 to index
        %get3A_178 = arith.constant 48 : index
        %get3A_179 = tpu.vector_load %arg8[%get3A_177, %get3A_178] {strides = array<i32>} : memref<321x64xi32, #tpu.memory_space<vmem>>, vector<16xi32>,
        %bitcast3A_180 = vector.bitcast %get3A_179 : vector<16xi32> to vector<32xbf16>
        %unpack3A_181 = tpu.unpack_subelements %bitcast3A_180, 0 {pack_format = #tpu.pack_format<interleaved>} : vector<32xbf16> -> vector<16xf32>
        %unpack3A_182 = tpu.unpack_subelements %bitcast3A_180, 1 {pack_format = #tpu.pack_format<interleaved>} : vector<32xbf16> -> vector<16xf32>
        %mul3A_183 = arith.constant 2 : i32
        %mul3A_184 = vector.broadcast %mul3A_183 : i32 to vector<16xi32>
        %mul3A_185 = arith.muli %mul3A_184, %iota3A : vector<16xi32>
        %add3A_186 = arith.constant 96 : i32
        %add3A_187 = vector.broadcast %add3A_186 : i32 to vector<16xi32>
        %add3A_188 = arith.addi %add3A_187, %mul3A_185 : vector<16xi32>
        %gather3A_189 = tpu.vector_load_idx %arg14[%broadcast_in_dim3A_64, %add3A_188] : memref<64x128xf32, #tpu.memory_space<vmem>>[vector<16xi32>, vector<16xi32>], vector<16xf32>,
        %ge3A_190 = arith.constant 0.000000e+00 : f32
        %ge3A_191 = vector.broadcast %ge3A_190 : f32 to vector<16xf32>
        %ge3A_192 = arith.cmpf oge, %unpack3A_181, %ge3A_191 : vector<16xf32>
        %jit3A_193 = arith.constant 0.000000e+00 : f32
        %broadcast_in_dim3A_194 = vector.broadcast %jit3A_193 : f32 to vector<16xf32>
        %select_n3A_195 = arith.select %ge3A_192, %gather3A_189, %broadcast_in_dim3A_194 : vector<16xi1>, vector<16xf32>
        tpu.vector_store_idx %arg15[%broadcast_in_dim3A_64, %add3A_188], %select_n3A_195 : memref<64x128xf32, #tpu.memory_space<vmem>>[vector<16xi32>, vector<16xi32>], vector<16xf32>,
        %sub3A_196 = arith.subf %unpack3A_181, %gather3A_189 : vector<16xf32>
        %jit3A_197 = arith.constant 0.000000e+00 : f32
        %broadcast_in_dim3A_198 = vector.broadcast %jit3A_197 : f32 to vector<16xf32>
        %select_n3A_199 = arith.select %ge3A_192, %sub3A_196, %broadcast_in_dim3A_198 : vector<16xi1>, vector<16xf32>
        tpu.vector_store_idx %arg16[%broadcast_in_dim3A_64, %add3A_188], %select_n3A_199 : memref<64x128xf32, #tpu.memory_space<vmem>>[vector<16xi32>, vector<16xi32>], vector<16xf32>,
        %mul3A_200 = arith.constant 2 : i32
        %mul3A_201 = vector.broadcast %mul3A_200 : i32 to vector<16xi32>
        %mul3A_202 = arith.muli %mul3A_201, %iota3A : vector<16xi32>
        %add3A_203 = arith.constant 97 : i32
        %add3A_204 = vector.broadcast %add3A_203 : i32 to vector<16xi32>
        %add3A_205 = arith.addi %add3A_204, %mul3A_202 : vector<16xi32>
        %gather3A_206 = tpu.vector_load_idx %arg14[%broadcast_in_dim3A_64, %add3A_205] : memref<64x128xf32, #tpu.memory_space<vmem>>[vector<16xi32>, vector<16xi32>], vector<16xf32>,
        %ge3A_207 = arith.constant 0.000000e+00 : f32
        %ge3A_208 = vector.broadcast %ge3A_207 : f32 to vector<16xf32>
        %ge3A_209 = arith.cmpf oge, %unpack3A_182, %ge3A_208 : vector<16xf32>
        %jit3A_210 = arith.constant 0.000000e+00 : f32
        %broadcast_in_dim3A_211 = vector.broadcast %jit3A_210 : f32 to vector<16xf32>
        %select_n3A_212 = arith.select %ge3A_209, %gather3A_206, %broadcast_in_dim3A_211 : vector<16xi1>, vector<16xf32>
        tpu.vector_store_idx %arg15[%broadcast_in_dim3A_64, %add3A_205], %select_n3A_212 : memref<64x128xf32, #tpu.memory_space<vmem>>[vector<16xi32>, vector<16xi32>], vector<16xf32>,
        %sub3A_213 = arith.subf %unpack3A_182, %gather3A_206 : vector<16xf32>
        %jit3A_214 = arith.constant 0.000000e+00 : f32
        %broadcast_in_dim3A_215 = vector.broadcast %jit3A_214 : f32 to vector<16xf32>
        %select_n3A_216 = arith.select %ge3A_209, %sub3A_213, %broadcast_in_dim3A_215 : vector<16xi1>, vector<16xf32>
        tpu.vector_store_idx %arg16[%broadcast_in_dim3A_64, %add3A_205], %select_n3A_216 : memref<64x128xf32, #tpu.memory_space<vmem>>[vector<16xi32>, vector<16xi32>], vector<16xf32>,
        %scan3A_217 = arith.constant 0 : i32
        scf.yield %scan3A_217 : i32
      }
      %scan3A_57 = arith.constant 64 : i32
      "tpu.region"() ({
        %run_scoped3A = tpu.sem_alloc : memref<!tpu.dma_semaphore, #tpu.memory_space<semaphore_mem>>
        %dma_start3A_59 = arith.constant 0 : i32
        %dma_start3A_60 = tpu.memref_slice %arg6[%add3A_50, %dma_start3A_59] : memref<10240x128xf32, #tpu.memory_space<hbm>> -> memref<64x128xf32, #tpu.memory_space<hbm>>
        %dma_start3A_61 = arith.constant 0 : i32
        %dma_start3A_62 = tpu.memref_slice %arg6[%add3A_50, %dma_start3A_61] : memref<10240x128xf32, #tpu.memory_space<hbm>> -> memref<64x128xf32, #tpu.memory_space<hbm>>
        tpu.enqueue_dma source(%arg15 : memref<64x128xf32, #tpu.memory_space<vmem>>) target(%dma_start3A_62 : memref<64x128xf32, #tpu.memory_space<hbm>>) target_semaphore(%run_scoped3A : memref<!tpu.dma_semaphore, #tpu.memory_space<semaphore_mem>>)
        %dma_wait3A = arith.constant 0 : i32
        %dma_wait3A_63 = tpu.memref_slice %arg6[%add3A_50, %dma_wait3A] : memref<10240x128xf32, #tpu.memory_space<hbm>> -> memref<64x128xf32, #tpu.memory_space<hbm>>
        %dma_wait3A_64 = arith.constant 0 : i32
        %dma_wait3A_65 = tpu.memref_slice %arg6[%add3A_50, %dma_wait3A_64] : memref<10240x128xf32, #tpu.memory_space<hbm>> -> memref<64x128xf32, #tpu.memory_space<hbm>>
        tpu.wait_dma2 semaphore(%run_scoped3A : memref<!tpu.dma_semaphore, #tpu.memory_space<semaphore_mem>>) src(%arg15 : memref<64x128xf32, #tpu.memory_space<vmem>>) dst(%dma_wait3A_65 : memref<64x128xf32, #tpu.memory_space<hbm>>)
        tpu.yield
      }) : () -> ()
      "tpu.region"() ({
        %run_scoped3A = tpu.sem_alloc : memref<!tpu.dma_semaphore, #tpu.memory_space<semaphore_mem>>
        %dma_start3A_59 = arith.constant 0 : i32
        %dma_start3A_60 = tpu.memref_slice %arg7[%add3A_50, %dma_start3A_59] : memref<10240x128xf32, #tpu.memory_space<hbm>> -> memref<64x128xf32, #tpu.memory_space<hbm>>
        %dma_start3A_61 = arith.constant 0 : i32
        %dma_start3A_62 = tpu.memref_slice %arg7[%add3A_50, %dma_start3A_61] : memref<10240x128xf32, #tpu.memory_space<hbm>> -> memref<64x128xf32, #tpu.memory_space<hbm>>
        tpu.enqueue_dma source(%arg16 : memref<64x128xf32, #tpu.memory_space<vmem>>) target(%dma_start3A_62 : memref<64x128xf32, #tpu.memory_space<hbm>>) target_semaphore(%run_scoped3A : memref<!tpu.dma_semaphore, #tpu.memory_space<semaphore_mem>>)
        %dma_wait3A = arith.constant 0 : i32
        %dma_wait3A_63 = tpu.memref_slice %arg7[%add3A_50, %dma_wait3A] : memref<10240x128xf32, #tpu.memory_space<hbm>> -> memref<64x128xf32, #tpu.memory_space<hbm>>
        %dma_wait3A_64 = arith.constant 0 : i32
        %dma_wait3A_65 = tpu.memref_slice %arg7[%add3A_50, %dma_wait3A_64] : memref<10240x128xf32, #tpu.memory_space<hbm>> -> memref<64x128xf32, #tpu.memory_space<hbm>>
        tpu.wait_dma2 semaphore(%run_scoped3A : memref<!tpu.dma_semaphore, #tpu.memory_space<semaphore_mem>>) src(%arg16 : memref<64x128xf32, #tpu.memory_space<vmem>>) dst(%dma_wait3A_65 : memref<64x128xf32, #tpu.memory_space<hbm>>)
        tpu.yield
      }) : () -> ()
      %scan3A_58 = arith.constant 0 : i32
      scf.yield %scan3A_58 : i32
    }
    %scan3A_45 = arith.constant 5 : i32
    return
  }
}

module attributes {stable_mosaic.version = 14 : i64} {
  func.func @_mm_body(%arg0: i32, %arg1: memref<2048x128xf32, #tpu.memory_space<vmem>>, %arg2: memref<128x128xf32, #tpu.memory_space<vmem>>, %arg3: memref<1x128xf32, #tpu.memory_space<vmem>>, %arg4: memref<2048x128xf32, #tpu.memory_space<vmem>>, %arg5: memref<2048x128xbf16, #tpu.memory_space<vmem>>) attributes {dimension_semantics = [#tpu.dimension_semantics<arbitrary>], iteration_bounds = array<i64: 5>, scalar_prefetch = 0 : i64, scratch_operands = 0 : i64, tpu.core_type = #tpu.core_type<tc>, window_params = [{transform_indices = @transform_0, window_bounds = array<i64: 2048, 128>}, {pipeline_mode = #tpu.pipeline_mode<synchronous>, transform_indices = @transform_1, window_bounds = array<i64: 128, 128>}, {pipeline_mode = #tpu.pipeline_mode<synchronous>, transform_indices = @transform_2, window_bounds = array<i64: 1, 128>}, {transform_indices = @transform_3, window_bounds = array<i64: 2048, 128>}, {transform_indices = @transform_4, window_bounds = array<i64: 2048, 128>}]} {
    %get3A = arith.constant 0 : index
    %get3A_0 = arith.constant 0 : index
    %get3A_1 = vector.load %arg1[%get3A, %get3A_0] : memref<2048x128xf32, #tpu.memory_space<vmem>>, vector<2048x128xf32>
    %get3A_2 = arith.constant 0 : index
    %get3A_3 = arith.constant 0 : index
    %get3A_4 = vector.load %arg2[%get3A_2, %get3A_3] : memref<128x128xf32, #tpu.memory_space<vmem>>, vector<128x128xf32>
    %dot_general3A = arith.constant dense<0.000000e+00> : vector<2048x128xf32>
    %dot_general3A_5 = tpu.matmul %get3A_1, %get3A_4, %dot_general3A {dimension_numbers = #tpu.dot_dimension_numbers<[1], [0], [0], [1], [0, 0, 1, 1], [], []>, transpose_lhs_hint = false} : vector<2048x128xf32>, vector<128x128xf32>, vector<2048x128xf32> -> vector<2048x128xf32>
    %get3A_6 = arith.constant 0 : index
    %get3A_7 = arith.constant 0 : index
    %get3A_8 = vector.load %arg3[%get3A_6, %get3A_7] : memref<1x128xf32, #tpu.memory_space<vmem>>, vector<1x128xf32>
    %add3A = vector.broadcast %get3A_8 : vector<1x128xf32> to vector<2048x128xf32>
    %add3A_9 = arith.addf %dot_general3A_5, %add3A : vector<2048x128xf32>
    %max3A = arith.constant 0.000000e+00 : f32
    %max3A_10 = vector.broadcast %max3A : f32 to vector<2048x128xf32>
    %max3A_11 = arith.maximumf %add3A_9, %max3A_10 : vector<2048x128xf32>
    %swap3A = arith.constant 0 : index
    %swap3A_12 = arith.constant 0 : index
    %swap3A_13 = vector.load %arg4[%swap3A, %swap3A_12] : memref<2048x128xf32, #tpu.memory_space<vmem>>, vector<2048x128xf32>
    tpu.vector_store %arg4[%swap3A, %swap3A_12], %max3A_11 {strides = array<i32>} : memref<2048x128xf32, #tpu.memory_space<vmem>>, vector<2048x128xf32>,
    %convert_element_type3A = arith.truncf %max3A_11 : vector<2048x128xf32> to vector<2048x128xbf16>
    %swap3A_14 = arith.constant 0 : index
    %swap3A_15 = arith.constant 0 : index
    %swap3A_16 = vector.load %arg5[%swap3A_14, %swap3A_15] : memref<2048x128xbf16, #tpu.memory_space<vmem>>, vector<2048x128xbf16>
    tpu.vector_store %arg5[%swap3A_14, %swap3A_15], %convert_element_type3A {strides = array<i32>} : memref<2048x128xbf16, #tpu.memory_space<vmem>>, vector<2048x128xbf16>,
    return
  }
  func.func @transform_0(%arg0: i32) -> (i32, i32) {
    %c0_i32 = arith.constant 0 : i32
    %c0_i32_0 = arith.constant 0 : i32
    return %arg0, %c0_i32 : i32, i32
  }
  func.func @transform_1(%arg0: i32) -> (i32, i32) {
    %c0_i32 = arith.constant 0 : i32
    %c0_i32_0 = arith.constant 0 : i32
    %c0_i32_1 = arith.constant 0 : i32
    return %c0_i32, %c0_i32_0 : i32, i32
  }
  func.func @transform_2(%arg0: i32) -> (i32, i32) {
    %c0_i32 = arith.constant 0 : i32
    %c0_i32_0 = arith.constant 0 : i32
    %c0_i32_1 = arith.constant 0 : i32
    return %c0_i32, %c0_i32_0 : i32, i32
  }
  func.func @transform_3(%arg0: i32) -> (i32, i32) {
    %c0_i32 = arith.constant 0 : i32
    %c0_i32_0 = arith.constant 0 : i32
    return %arg0, %c0_i32 : i32, i32
  }
  func.func @transform_4(%arg0: i32) -> (i32, i32) {
    %c0_i32 = arith.constant 0 : i32
    %c0_i32_0 = arith.constant 0 : i32
    return %arg0, %c0_i32 : i32, i32
  }
}

</mosaic_0001>

<sc_bundles>
// kernel: kernel.4.cloned.1.call-start
scs
__scs_entry_jumppad:
0x0: {  	(pc) =	sbr.rel $0x88, $3  }
0x1: {  	(tag) =	ssettag $0x0;
	lr =	simm.s32 $0x1  }
0x2: {  	[smem:$0x3F9D] =	sst lr;
	_ =	strace $0xD0000000  }
0x3: {  	_ = 	snop  }
0x4: {  	_ = 	snop  }
0x5: {  	_ = 	snop  }
0x6: {  	_ = 	snop  }
0x7: {  	_ = 	snop  }
__scs_overlays_trampoline_lowered:
0x8: {  	[smem:$0x3FAC] =	sst s0  }
0x9: {  	[smem:$0x3FAD] =	sst s1  }
0xa: {  	[smem:$0x3FAE] =	sst s2  }
0xb: {  	[smem:$0x3FAF] =	sst s3  }
0xc: {  	[smem:$0x3FB0] =	sst s4  }
0xd: {  	[smem:$0x3FB1] =	sst s5  }
0xe: {  	[smem:$0x3FB2] =	sst s6  }
0xf: {  	[smem:$0x3FB3] =	sst s7  }
0x10: {  	[smem:$0x3FB4] =	sst s8  }
0x11: {  	[smem:$0x3FB5] =	sst s9;
	s0 =	simm.s32 @!p0 $0x0  }
0x12: {  	s1 =	sld [smem:$0x3F9B];
	s0 =	simm.s32 @p0 $0x1  }
0x13: {  	[smem:$0x3FB6] =	sst s0;
	s0 =	simm.s32 @!p1 $0x0  }
0x14: {  	s2 =	sld [smem:$0x3F9A];
	s0 =	simm.s32 @p1 $0x1  }
0x15: {  	[smem:$0x3FB7] =	sst s0;
	s0 =	simm.s32 @!p2 $0x0  }
0x16: {  	s3 =	sld [smem:$0x3FDB];
	s0 =	simm.s32 @p2 $0x1  }
0x17: {  	s4 =	simm.s32 $0x1BF5;
	[smem:$0x3FB9] =	sst s0  }
0x18: {  	s0 =	sld [smem:$0x3F9C];
	_ =	swait.ge [sflag:s4], $0x0  }
0x19: {  	s7 =	sld [smem:$0x3F9D]  }
0x1a: {  	s8 =	sadd.s32 $0xFFFFE003, lr  }
0x1b: {  	s9 =	sadd.s32 $0xFFFFFEF7, lr;
	s5 =	simm.s32 $0xFFFFFFFF;
	p2 =	slt.u32 s8, $0xFFFFF086  }
0x1c: {  	p1 =	slt.u32 s9, $0xF7A;
	s5 =	simm.s32 @!p2 $0x0  }
0x1d: {  	s5 =	simm.s32 @p1 $0x1;
	p0 =	seq.s32 s7, s2  }
0x1e: {  	s7 =	smul.u32 @!p0 $0xF7A, s2;
	p2 =	seq.s32 @!p0 s5, $0x0  }
0x1f: {  	s9 =	smul.u32 $0xF7A, s1;
	s8 =	simm.s32 @!p0 $0x1BF5;
	p2 =	por !p2, p0  }
0x20: {  	[sflag:s8] =	ssyncset.s32 @!p0 $0xFFFFF086;
	s6 =	sadd.s32 @!p0 s3, s7;
	s7 =	simm.s32 @!p0 $0x108  }
0x21: {  	s3 =	sadd.s32 s3, s9;
	s6 =	sadd.s32 @!p0 $0x88, s6;
	s7 =	simm.s32 @p2 $0x1082  }
0x22: {  	[simem:s7], [sflag:s8] =	dma.local @!p0 [hbm:s6], $0xF7A  }
0x23: {  	s9 =	sor.u32 $0xD0000000, s2;
	s6 =	simm.s32 $0x108;
	_ =	swait.ge @!p0 [sflag:s8], $0x0  }
0x24: {  	s3 =	sadd.s32 $0x88, s3;
	s6 =	simm.s32 @!p1 $0x1082;
	[sflag:s4] =	ssyncset.s32 $0xFFFFF086  }
0x25: {  	[simem:s6], [sflag:s4] =	dma.local [hbm:s3], $0xF7A  }
0x26: {  	[smem:$0x3F9D] =	sst s1;
	(tag) =	ssettag s2;
	_ =	strace s9  }
0x27: {  	s1 =	sld [smem:$0x3FAD]  }
0x28: {  	s2 =	sld [smem:$0x3FAE]  }
0x29: {  	s4 =	sld [smem:$0x3FB0]  }
0x2a: {  	p0 =	seq.s32 s5, $0x0;
	s5 =	sld [smem:$0x3FB1]  }
0x2b: {  	s6 =	sld [smem:$0x3FB2]  }
0x2c: {  	s7 =	sld [smem:$0x3FB3]  }
0x2d: {  	s3 =	simm.s32 $0x108;
	s8 =	sld [smem:$0x3FB4]  }
0x2e: {  	s3 =	simm.s32 @!p0 $0x1082;
	s9 =	sld [smem:$0x3FB5]  }
0x2f: {  	lr =	sadd.s32 s0, s3;
	s0 =	sld [smem:$0x3FAC]  }
0x30: {  	s3 =	sld [smem:$0x3FAF]  }
0x31: {  	[smem:$0x3FB8] =	sst s10  }
0x32: {  	s10 =	sld [smem:$0x3FB6];
	_ =	sdelay $0x3  }
0x33: {  	p0 =	seq.s32 s10, $0x1;
	s10 =	sld [smem:$0x3FB8];
	_ =	sdelay $0x3  }
0x34: {  	[smem:$0x3FB8] =	sst s10  }
0x35: {  	s10 =	sld [smem:$0x3FB7];
	_ =	sdelay $0x3  }
0x36: {  	p1 =	seq.s32 s10, $0x1;
	s10 =	sld [smem:$0x3FB8];
	_ =	sdelay $0x3  }
0x37: {  	[smem:$0x3FB8] =	sst s10  }
0x38: {  	s10 =	sld [smem:$0x3FB9]  }
0x39: {  	_ = 	snop;
	(pc) =	sbr.ind lr, $3  }
0x3a: {  	_ = 	snop  }
0x3b: {  	_ = 	snop  }
0x3c: {  	p2 =	seq.s32 s10, $0x1;
	s10 =	sld [smem:$0x3FB8]  }
0x3d: {  	_ =	shalt  }
0x3e: {  	_ =	shalt  }
0x3f: {  	_ =	shalt  }
0x40: {  	_ =	shalt  }
0x41: {  	_ =	shalt  }
0x42: {  	_ =	shalt  }
0x43: {  	_ =	shalt  }
0x44: {  	_ =	shalt  }
0x45: {  	_ =	shalt  }
0x46: {  	_ =	shalt  }
0x47: {  	_ =	shalt  }
0x48: {  	_ =	shalt  }
0x49: {  	_ =	shalt  }
0x4a: {  	_ =	shalt  }
0x4b: {  	_ =	shalt  }
0x4c: {  	_ =	shalt  }
0x4d: {  	_ =	shalt  }
0x4e: {  	_ =	shalt  }
0x4f: {  	_ =	shalt  }
0x50: {  	_ =	shalt  }
0x51: {  	_ =	shalt  }
0x52: {  	_ =	shalt  }
0x53: {  	_ =	shalt  }
0x54: {  	_ =	shalt  }
0x55: {  	_ =	shalt  }
0x56: {  	_ =	shalt  }
0x57: {  	_ =	shalt  }
0x58: {  	_ =	shalt  }
0x59: {  	_ =	shalt  }
0x5a: {  	_ =	shalt  }
0x5b: {  	_ =	shalt  }
0x5c: {  	_ =	shalt  }
0x5d: {  	_ =	shalt  }
0x5e: {  	_ =	shalt  }
0x5f: {  	_ =	shalt  }
0x60: {  	_ =	shalt  }
0x61: {  	_ =	shalt  }
0x62: {  	_ =	shalt  }
0x63: {  	_ =	shalt  }
0x64: {  	_ =	shalt  }
0x65: {  	_ =	shalt  }
0x66: {  	_ =	shalt  }
0x67: {  	_ =	shalt  }
0x68: {  	_ =	shalt  }
0x69: {  	_ =	shalt  }
0x6a: {  	_ =	shalt  }
0x6b: {  	_ =	shalt  }
0x6c: {  	_ =	shalt  }
0x6d: {  	_ =	shalt  }
0x6e: {  	_ =	shalt  }
0x6f: {  	_ =	shalt  }
0x70: {  	_ =	shalt  }
0x71: {  	_ =	shalt  }
0x72: {  	_ =	shalt  }
0x73: {  	_ =	shalt  }
0x74: {  	_ =	shalt  }
0x75: {  	_ =	shalt  }
0x76: {  	_ =	shalt  }
0x77: {  	_ =	shalt  }
0x78: {  	_ =	shalt  }
0x79: {  	_ =	shalt  }
0x7a: {  	_ =	shalt  }
0x7b: {  	_ =	shalt  }
0x7c: {  	_ =	shalt  }
0x7d: {  	_ =	shalt  }
0x7e: {  	_ =	shalt  }
0x7f: {  	_ =	shalt  }
0x80: {  	_ =	shalt  }
0x81: {  	_ =	shalt  }
0x82: {  	_ =	shalt  }
0x83: {  	_ =	shalt  }
0x84: {  	_ =	shalt  }
0x85: {  	_ =	shalt  }
0x86: {  	_ =	shalt  }
0x87: {  	_ =	shalt  }
.Lfunc_end0:
.L_simem_size_0:
called_computation_lowered:
.L_overlay_start_0:
0x88: {  	s2 =	sld [smem:$0x3FD9]  }
0x89: {  	s3 =	sld [smem:$0x3FFE];
	_ =	sdelay $0x1  }
0x8a: {  	s1 =	srdreg.scid  }
0x8b: {  	s0 =	sand.u32 $0x1, s1  }
0x8c: {  	s17 =	sshll.u32 s0, $0xA;
	s2 =	sadd.s32 s3, s2  }
0x8d: {  	s2 =	sadd.s32 s2, s17  }
0x8e: {  	[smem:$0x3FC4] =	sst s2  }
0x8f: {  	_ = 	snop  }
0x90: {  	s2 =	sld [smem:$0x3FD0];
	(tm) =	ssettm $0x1  }
0x91: {  	s18 =	sld [smem:$0x3FFB];
	_ =	sdelay $0x3  }
0x92: {  	_ =	strace s18  }
0x93: {  	s3 =	sld [smem:$0x3FFC];
	_ =	sdelay $0x3  }
0x94: {  	_ =	strace s3  }
0x95: {  	s3 =	sld [smem:$0x3FFD];
	_ =	sdelay $0x3  }
0x96: {  	_ =	strace s3  }
0x97: {  	_ =	strace $0x8FFFFFFF  }
0x98: {  	s19 =	sld [smem:$0x3FDB];
	_ =	sdelay $0x1  }
0x99: {  	s4 =	simm.s32 $_scs_section_size  }
0x9a: {  	s5 =	simm.s32 $_size__tile_overlayer_lowered;
	s6 =	simm.s32 $_tile_overlayer_lowered  }
0x9b: {  	s22 =	simm.s32 $0x1BFF;
	s21 =	sshll.u32 s6, $0x1;
	s3 =	sadd.s32 s4, s19  }
0x9c: {  	s7 =	simm.s32 $0x0;
	s20 =	sshll.u32 s5, $0x1;
	s5 =	sadd.s32 s21, s3  }
0x9d: {  	[timem:s7], [sflag:s22] =	dma.local [hbm:s5], s20  }
0x9e: {  	_ =	swait.ge [sflag:s22], s20  }
0x9f: {  	s4 =	ssub.s32 $0x0, s20;
	[sflag:s22] =	ssyncset.done $0x0  }
0xa0: {  	[sflag:s22] =	ssyncadd.s32 s4;
	_ =	sdelay $0x1  }
0xa1: {  	s23 =	simm.s32 $0x1B8B  }
0xa2: {  	_ =	swait.ge [sflag:s23], $0x1  }
0xa3: {  	[sflag:s23] =	ssyncset.done $0x0  }
0xa4: {  	s25 =	simm.s32 $0x1B8E;
	s24 =	sld [smem:$0x3FFE];
	[sflag:s23] =	ssyncadd.s32 $0xFFFFFFFF  }
0xa5: {  	s26 =	simm.s32 $execute0_lowered;
	[smem:$0x3FD2] =	sst s25  }
0xa6: {  	s5 =	sshll.u32 s26, $0x1;
	_ =	strace $0x80000046;
	[dreg:$0x1] =	wrdreg $0xFFFFFFFF  }
0xa7: {  	s28 =	simm.s32 $_size_execute0_lowered;
	s3 =	sadd.s32 s3, s5;
	[dreg:$0x0] =	wrdreg $0x0  }
0xa8: {  	s5 =	sshll.u32 s28, $0x1;
	[dreg:$0x2] =	wrdreg s3  }
0xa9: {  	[dreg:$0x3] =	wrdreg s5  }
0xaa: {  	[dreg:$0x4] =	wrdreg $0xC0  }
0xab: {  	_ =	task [dreg:s7], $0x5FFFF  }
0xac: {  	[dreg:$0x1] =	wrdreg $0xFFFFFFFF  }
0xad: {  	[dreg:$0x0] =	wrdreg $0x60  }
0xae: {  	[dreg:$0x2] =	wrdreg s2  }
0xaf: {  	[dreg:$0x3] =	wrdreg s24  }
0xb0: {  	[dreg:$0x4] =	wrdreg $0x9  }
0xb1: {  	_ =	task.clear_ibuf [dreg:s7], $0x5FFFF;
	_ =	strace $0x90000046  }
0xb2: {  	s29 =	simm.s32 $0x9;
	_ =	strace $0x80000048  }
0xb3: {  	_ =	swait.ge [sflag:s29], $0x1  }
0xb4: {  	[sflag:s29] =	ssyncadd.s32 $0xFFFFFFFF  }
0xb5: {  	_ =	strace $0x90000048  }
0xb6: {  	_ =	sfence  }
0xb7: {  	s30 =	sld [smem:$0x0];
	_ =	sdelay $0x2  }
0xb8: {  	s31 =	sshll.u32 s1, $0xD;
	s1 =	sshrl.u32 s1, $0x2  }
0xb9: {  	s3 =	sand.u32 $0x4000, s31;
	s1 =	sadd.s32 s1, s30  }
0xba: {  	s0 =	sor.u32 s3, s0;
	s1 =	sshll.u32 s1, $0x11  }
0xbb: {  	s0 =	sor.u32 s1, s0  }
0xbc: {  	s0 =	sadd.s32 $0x8F2B, s0  }
0xbd: {  	[sflag:s0] =	ssyncadd.remote.s32 $0x1  }
0xbe: {  	_ =	sfence.sel $0xFFFF  }
0xbf: {  	[dreg:$0x0] =	wrdreg $0xFFFFFFFF;
	(pc) =	sbr.abs _section_cstart, $3  }
0xc0: {  	[dreg:$0x1] =	wrdreg $0xFFFFFFFF  }
0xc1: {  	_ =	task.clear_ibuf [dreg:s7], $0x2FFFF;
	_ =	strace $0x9FFFFFFF  }
0xc2: {  	(tm) =	ssettm $0x7FFFFFFF  }
0xc3: {  	_ =	shalt  }
tec
execute0_lowered:
.L_overlay_start_1:
0x0: {  	(tag) =	ssettag $0x1  }
0x1: {  	s0 =	srdreg.scid;
	s2 =	rddreg [dreg:$0x0]  }
0x2: {  	s1 =	stileid.u32;
	s9 =	rddreg [dreg:$0x1]  }
0x3: {  	s3 =	simm.s32 $0x0;
	s11 =	simm.s32 $0x5040;
	s12 =	simm.s32 $0x6940  }
0x4: {  	s13 =	simm.s32 $0x1;
	s14 =	simm.s32 $0x2;
	s15 =	simm.s32 $0x8240  }
0x5: {  	v1 =	vimm.s32 $0xBF79BF80;
	v2 =	vimm.s32 $0x0;
	s16 =	simm.s32 $0x8F00;
	s17 =	simm.s32 $0x40;
	s18 =	simm.s32 $0x9BC0  }
0x6: {  	v3 =	vimm.s32 $0x140;
	v4 =	vlaneseq.u32;
	v5 =	vimm.s32 $0x6;
	s19 =	simm.s32 $0x3;
	s20 =	simm.s32 $0xABC0;
	s21 =	simm.s32 $0x4  }
0x7: {  	v9 =	vimm.s32 $0x1;
	v10 =	vimm.s32 $0x2;
	v11 =	vimm.s32 $0x3;
	s22 =	simm.s32 $0xCBC0;
	s23 =	simm.s32 $0xEBC0;
	s24 =	simm.s32 $0x0  }
0x8: {  	v12 =	vimm.s32 $0x4;
	v13 =	vimm.s32 $0x5;
	v14 =	vimm.s32 $0x7;
	s0 =	sand.u32 $0x1, s0;
	s1 =	sshll.u32 s1, $0x1;
	[smem:$0x7FF] =	sst s3  }
0x9: {  	v15 =	vimm.s32 $0x8;
	v16 =	vimm.s32 $0x9;
	v17 =	vimm.s32 $0xA;
	s5 =	sadd.s32 $0x14200, s9;
	s1 =	sor.u32 s0, s1;
	s0 =	ssub.s32 $0x2, s0  }
0xa: {  	v18 =	vimm.s32 $0xB;
	v19 =	vimm.s32 $0xC;
	v20 =	vimm.s32 $0xD;
	s6 =	sadd.s32 $0xA400, s9;
	s4 =	smul.u32 $0x140, s1;
	s31 =	sshrl.u32 s0, $0x1  }
0xb: {  	v21 =	vimm.s32 $0xE;
	v22 =	vimm.s32 $0xF;
	s7 =	sadd.s32 $0x600, s9;
	s8 =	sadd.s32 $0x28200, s9;
	v6 =	vor.u32 $0x10, v4;
	s0 =	ssub.s32 s0, s31  }
0xc: {  	s9 =	sadd.s32 $0x50200, s9;
	v7 =	vor.u32 $0x20, v4;
	v8 =	vor.u32 $0x30, v4;
	_ =	strace $0x80000047;
	v0 =	vmov s4;
	s10 =	smax.u32 s0, $0x1  }
.LBB2_1:
0xd: {  	s1 =	simm.s32 $0x100;
	s0 =	simm.s32 $0x0  }
.LBB2_2:
0xe: {  	p0 =	sne.s32 s1, $0x14000;
	[tilespmem:s0+$0x30] =	vst v1;
	s25 =	smov.u32 s1;
	s1 =	sadd.s32 $0x100, s1  }
.Ltmp0:
0xf: {  	[tilespmem:s0+$0x20] =	vst v1;
	(pc) =	sbr.rel @p0 .LBB2_2-.Ltmp0, $3  }
0x10: {  	[tilespmem:s0+$0x0] =	vst v1  }
0x11: {  	[tilespmem:s0+$0x10] =	vst v1;
	_ =	sdelay $0x1  }
0x12: {  	s0 =	sshra.s32 s25, $0x2  }
0x13: {  	[tilespmem:s0+$0x30] =	vst v1  }
0x14: {  	[tilespmem:s0+$0x20] =	vst v1  }
.Ltmp1:
0x15: {  	[tilespmem:s0+$0x0] =	vst v1;
	(pc) =	sbr.rel .LBB2_4-.Ltmp1, $4  }
0x16: {  	[tilespmem:s0+$0x10] =	vst v1;
	s25 =	simm.s32 $0x0  }
0x17: {  	[tilespmem:s11], [sflag:$0x1] =	stream.linear.gather [hbm4b:s7+s25], $0xC80, $0x38;
	[tilespmem:$0x10BC0] =	vst v63  }
0x18: {  	_ = 	snop  }
0x19: {  	[tilespmem:s12], [sflag:$0x2] =	stream.linear.gather [hbm4b:s6+s25], $0xC80, $0x38;
	[tilespmem:$0x10BC0] =	vst v63  }
.LBB2_7:
0x1a: {  	p0 =	sne.s32 s25, $0x64  }
.Ltmp2:
0x1b: {  	_ = 	snop;
	(pc) =	sbr.rel @!p0 .LBB2_8-.Ltmp2, $1  }
0x1c: {  	_ =	sdelay $0x3  }
.LBB2_4:
0x1d: {  	_ =	swait.ge [sflag:s13], $0xC80;
	s0 =	smov.u32 s25;
	s25 =	sadd.s32 $0x1, s25  }
0x1e: {  	[sflag:s13] =	ssyncset.done $0x0;
	p0 =	seq.s32 s0, $0x63;
	s0 =	sand.u32 $0x1, s0  }
0x1f: {  	[sflag:s13] =	ssyncadd.s32 $0xFFFFF380;
	s1 =	sand.u32 @!p0 $0x1, s25;
	p1 =	seq.s32 s0, $0x1  }
0x20: {  	s0 =	simm.s32 $0xC80;
	s26 =	smul.u32 @!p0 $0x190, s25;
	_ =	swait.ge [sflag:s14], $0xC80  }
0x21: {  	s0 =	simm.s32 @!p1 $0x0;
	p1 =	seq.s32 @!p0 s1, $0x1;
	s1 =	simm.s32 @!p0 $0xC80  }
0x22: {  	[sflag:s14] =	ssyncset.done $0x0;
	p1 =	por !p1, p0;
	s28 =	sor.u32 $0x5040, s0  }
0x23: {  	s30 =	sadd.s32 @!p0 s7, s26;
	s26 =	sadd.s32 @!p0 s6, s26;
	s1 =	simm.s32 @p1 $0x0;
	v24 =	vmov s28  }
0x24: {  	[sflag:s14] =	ssyncadd.s32 $0xFFFFF380;
	s28 =	simm.s32 @!p0 $0x0;
	s29 =	sor.u32 @!p0 $0x5040, s1  }
0x25: {  	[tilespmem:s29], [sflag:$0x1] =	stream.linear.gather @!p0 [hbm4b:s30+s28], $0xC80, $0x38;
	[tilespmem:$0x10BC0] =	vst v63  }
0x26: {  	s31 =	sadd.s32 $0x6940, s0;
	s0 =	simm.s32 $0x0;
	s1 =	sadd.s32 @!p0 $0x6940, s1  }
0x27: {  	[tilespmem:s1], [sflag:$0x2] =	stream.linear.gather @!p0 [hbm4b:s26+s28], $0xC80, $0x38;
	[tilespmem:$0x10BC0] =	vst v63  }
0x28: {  	v26 =	vimm.s32 $0x0;
	v25 =	vimm.s32 $0x0;
	v23 =	vmov s31;
	s1 =	simm.s32 $0x40;
	v27 =	vld.idx.msk [tilespmem:v24+s0+$0x0 ss:$0x1], $0xffff  }
.LBB2_5:
0x29: {  	p0 =	sne.s32 s1, $0x31C0;
	_ =	sdelay $0x4  }
0x2a: {  	v27 =	vsub.s32 v27, v0  }
0x2b: {  	vm0 =	vlt.u32 v27, $0x140  }
0x2c: {  	v28 =	vsel vm0, $0x1, v2;
	v29 =	vmpcnt.ones.xlane vm0  }
0x2d: {  	(xrf0) =	vadd.scan.msk.s32 $0xffff, v28  }
0x2e: {  	v26 =	vadd.s32 v26, v29;
	_ =	sdelay $0x4  }
0x2f: {  	v28, _, _ =	vpop (xrf0)  }
0x30: {  	v28 =	vadd.s32 v28, v25;
	v25 =	vmov v26  }
0x31: {  	v29 =	vld.idx.msk [tilespmem:v23+s0+$0x0 ss:$0x1], $0xffff;
	v28 =	vadd.s32 $0xFFFFFFFF, v28;
	_ =	sdelay $0x2  }
.Ltmp3:
0x32: {  	(pc) =	sbr.rel @p0 .LBB2_5-.Ltmp3, $4  }
0x33: {  	_ = 	snop  }
0x34: {  	[tilespmem:v28+s15+$0x0] =	vst.idx.msk vm0, v27  }
0x35: {  	s0 =	sshra.s32 s1, $0x2;
	[tilespmem:v28+s16+$0x0] =	vst.idx.msk vm0, v29  }
0x36: {  	s1 =	sadd.s32 $0x40, s1;
	v27 =	vld.idx.msk [tilespmem:v24+s0+$0x0 ss:$0x1], $0xffff  }
0x37: {  	_ =	sdelay $0x3  }
0x38: {  	v24 =	vsub.s32 v27, v0  }
0x39: {  	vm0 =	vlt.u32 v24, $0x140  }
0x3a: {  	v62 =	vmpcnt.ones.xlane vm0;
	_ =	sdelay $0x1  }
0x3b: {  	v26 =	vadd.s32 v26, v62  }
0x3c: {  	(v2sf) =	vpush v26, $0x0;
	_ =	sdelay $0x4  }
0x3d: {  	v63 =	vsel vm0, $0x1, v2  }
0x3e: {  	(xrf0) =	vadd.scan.msk.s32 $0xffff, v63;
	_ =	sdelay $0x5  }
0x3f: {  	v26, _, _ =	vpop (xrf0)  }
0x40: {  	v25 =	vadd.s32 v26, v25  }
0x41: {  	v25 =	vadd.s32 $0xFFFFFFFF, v25  }
0x42: {  	v23 =	vld.idx.msk [tilespmem:v23+s0+$0x0 ss:$0x1], $0xffff;
	s30 =	spop (v2sf)  }
0x43: {  	s1 =	sadd.s32 $0x3F, s30  }
0x44: {  	s26 =	sand.u32 $0x3F, s1  }
0x45: {  	s31 =	sshra.s32 s1, $0x1F;
	p1 =	slt.s32 s1, $0x1;
	p0 =	sne.s32 s26, $0x0  }
0x46: {  	[tilespmem:v25+s15+$0x0] =	vst.idx.msk vm0, v24;
	s26 =	sshrl.u32 s31, $0x1A;
	p0 =	por !p1, !p0  }
0x47: {  	[tilespmem:v25+s16+$0x0] =	vst.idx.msk vm0, v23;
	s1 =	sadd.s32 s26, s1;
	s26 =	simm.s32 $0x1;
	p0 =	por !p0, !p0  }
0x48: {  	[tilespmem:s30+$0x8240] =	vst v3;
	s1 =	sshra.s32 s1, $0x6;
	s26 =	simm.s32 @!p0 $0x0  }
0x49: {  	[tilespmem:s30+$0x8F00] =	vst v2;
	s26 =	ssub.s32 s1, s26  }
0x4a: {  	[tilespmem:s30+$0x8250] =	vst v3;
	p0 =	slt.s32 s26, $0x1  }
.Ltmp4:
0x4b: {  	[tilespmem:s30+$0x8F10] =	vst v2;
	(pc) =	sbr.rel @p0 .LBB2_7-.Ltmp4, $4  }
0x4c: {  	[tilespmem:s30+$0x8260] =	vst v3  }
0x4d: {  	[tilespmem:s30+$0x8F20] =	vst v2  }
0x4e: {  	[tilespmem:s30+$0x8270] =	vst v3  }
0x4f: {  	s28 =	simm.s32 $0x0;
	s29 =	simm.s32 $0x8240;
	[tilespmem:s30+$0x8F30] =	vst v2  }
.LBB2_14:
0x50: {  	s0 =	sshll.u32 s28, $0x6  }
0x51: {  	s0 =	sadd.s32 $0x8F00, s0  }
0x52: {  	v23 =	vmov s29;
	[tilespmem:s18], [sflag:$0x3] =	stream.indirect.gather [hbm4b:s5+s17], $0x40, s0, s17, $0xb8;
	[tilespmem:$0x10BC0] =	vst v63  }
0x53: {  	_ =	swait.ge [sflag:s19], $0x1000  }
0x54: {  	[sflag:s19] =	ssyncset.done $0x0  }
0x55: {  	s30 =	simm.s32 $0x9DC0;
	s31 =	simm.s32 $0x0;
	[sflag:s19] =	ssyncadd.s32 $0xFFFFF000  }
.LBB2_15:
0x56: {  	s0 =	sshra.s32 s31, $0x2  }
0x57: {  	v24 =	vld.idx.msk [tilespmem:v23+s0+$0x0 ss:$0x1], $0xffff;
	_ =	sdelay $0x4  }
0x58: {  	v25 =	vperm.xlane v24, v2;
	_ =	sdelay $0x1  }
0x59: {  	v25 =	vshll.u32 v25, $0x6  }
0x5a: {  	v26 =	vor.u32 v4, v25;
	_ =	sdelay $0x3  }
0x5b: {  	v28 =	vld [tilespmem:s30+$0xFFFFFE00]  }
0x5c: {  	v27 =	vld.idx.msk [tilespmem:v26+s3+$0x0], $0xffff;
	_ =	sdelay $0x1  }
0x5d: {  	v29 =	vor.u32 v6, v25;
	_ =	sdelay $0x2  }
0x5e: {  	v27 =	vmax.bf16 v27, v28  }
0x5f: {  	[tilespmem:v26+s3+$0x0] =	vst.idx.msk $0xffff, v27  }
0x60: {  	v26 =	vld.idx.msk [tilespmem:v29+s3+$0x0], $0xffff  }
0x61: {  	v27 =	vld [tilespmem:s30+$0xFFFFFE10];
	_ =	sdelay $0x1  }
0x62: {  	v35 =	vor.u32 v7, v25;
	_ =	sdelay $0x2  }
0x63: {  	v26 =	vmax.bf16 v26, v27  }
0x64: {  	[tilespmem:v29+s3+$0x0] =	vst.idx.msk $0xffff, v26  }
0x65: {  	v26 =	vld.idx.msk [tilespmem:v35+s3+$0x0], $0xffff  }
0x66: {  	v36 =	vld [tilespmem:s30+$0xFFFFFE20];
	_ =	sdelay $0x1  }
0x67: {  	v25 =	vor.u32 v8, v25;
	_ =	sdelay $0x2  }
0x68: {  	v26 =	vmax.bf16 v26, v36  }
0x69: {  	[tilespmem:v35+s3+$0x0] =	vst.idx.msk $0xffff, v26  }
0x6a: {  	v37 =	vperm.xlane v24, v9;
	v26 =	vld.idx.msk [tilespmem:v25+s3+$0x0], $0xffff  }
0x6b: {  	v28 =	vld [tilespmem:s30+$0xFFFFFE30]  }
0x6c: {  	v27 =	vshll.u32 v37, $0x6  }
0x6d: {  	v38 =	vor.u32 v4, v27;
	_ =	sdelay $0x2  }
0x6e: {  	v26 =	vmax.bf16 v26, v28  }
0x6f: {  	[tilespmem:v25+s3+$0x0] =	vst.idx.msk $0xffff, v26  }
0x70: {  	v25 =	vld.idx.msk [tilespmem:v38+s3+$0x0], $0xffff  }
0x71: {  	v26 =	vld [tilespmem:s30+$0xFFFFFE40];
	_ =	sdelay $0x1  }
0x72: {  	v39 =	vor.u32 v6, v27;
	_ =	sdelay $0x2  }
0x73: {  	v25 =	vmax.bf16 v25, v26  }
0x74: {  	[tilespmem:v38+s3+$0x0] =	vst.idx.msk $0xffff, v25  }
0x75: {  	v25 =	vld.idx.msk [tilespmem:v39+s3+$0x0], $0xffff  }
0x76: {  	v40 =	vld [tilespmem:s30+$0xFFFFFE50];
	_ =	sdelay $0x1  }
0x77: {  	v41 =	vor.u32 v7, v27;
	_ =	sdelay $0x2  }
0x78: {  	v25 =	vmax.bf16 v25, v40  }
0x79: {  	[tilespmem:v39+s3+$0x0] =	vst.idx.msk $0xffff, v25  }
0x7a: {  	v25 =	vld.idx.msk [tilespmem:v41+s3+$0x0], $0xffff  }
0x7b: {  	v42 =	vld [tilespmem:s30+$0xFFFFFE60];
	_ =	sdelay $0x1  }
0x7c: {  	v27 =	vor.u32 v8, v27;
	_ =	sdelay $0x2  }
0x7d: {  	v25 =	vmax.bf16 v25, v42  }
0x7e: {  	[tilespmem:v41+s3+$0x0] =	vst.idx.msk $0xffff, v25  }
0x7f: {  	v43 =	vperm.xlane v24, v10;
	v25 =	vld.idx.msk [tilespmem:v27+s3+$0x0], $0xffff  }
0x80: {  	v28 =	vld [tilespmem:s30+$0xFFFFFE70]  }
0x81: {  	v26 =	vshll.u32 v43, $0x6  }
0x82: {  	v44 =	vor.u32 v4, v26;
	_ =	sdelay $0x2  }
0x83: {  	v25 =	vmax.bf16 v25, v28  }
0x84: {  	[tilespmem:v27+s3+$0x0] =	vst.idx.msk $0xffff, v25  }
0x85: {  	v25 =	vld.idx.msk [tilespmem:v44+s3+$0x0], $0xffff  }
0x86: {  	v27 =	vld [tilespmem:s30+$0xFFFFFE80];
	_ =	sdelay $0x1  }
0x87: {  	v45 =	vor.u32 v6, v26;
	_ =	sdelay $0x2  }
0x88: {  	v25 =	vmax.bf16 v25, v27  }
0x89: {  	[tilespmem:v44+s3+$0x0] =	vst.idx.msk $0xffff, v25  }
0x8a: {  	v25 =	vld.idx.msk [tilespmem:v45+s3+$0x0], $0xffff  }
0x8b: {  	v46 =	vld [tilespmem:s30+$0xFFFFFE90];
	_ =	sdelay $0x1  }
0x8c: {  	v47 =	vor.u32 v7, v26;
	_ =	sdelay $0x2  }
0x8d: {  	v25 =	vmax.bf16 v25, v46  }
0x8e: {  	[tilespmem:v45+s3+$0x0] =	vst.idx.msk $0xffff, v25  }
0x8f: {  	v25 =	vld.idx.msk [tilespmem:v47+s3+$0x0], $0xffff  }
0x90: {  	v48 =	vld [tilespmem:s30+$0xFFFFFEA0];
	_ =	sdelay $0x1  }
0x91: {  	v26 =	vor.u32 v8, v26;
	_ =	sdelay $0x2  }
0x92: {  	v25 =	vmax.bf16 v25, v48  }
0x93: {  	[tilespmem:v47+s3+$0x0] =	vst.idx.msk $0xffff, v25  }
0x94: {  	v49 =	vperm.xlane v24, v11;
	v25 =	vld.idx.msk [tilespmem:v26+s3+$0x0], $0xffff  }
0x95: {  	v28 =	vld [tilespmem:s30+$0xFFFFFEB0]  }
0x96: {  	v27 =	vshll.u32 v49, $0x6  }
0x97: {  	v50 =	vor.u32 v4, v27;
	_ =	sdelay $0x2  }
0x98: {  	v25 =	vmax.bf16 v25, v28  }
0x99: {  	[tilespmem:v26+s3+$0x0] =	vst.idx.msk $0xffff, v25  }
0x9a: {  	v25 =	vld.idx.msk [tilespmem:v50+s3+$0x0], $0xffff  }
0x9b: {  	v26 =	vld [tilespmem:s30+$0xFFFFFEC0];
	_ =	sdelay $0x1  }
0x9c: {  	v51 =	vor.u32 v6, v27;
	_ =	sdelay $0x2  }
0x9d: {  	v25 =	vmax.bf16 v25, v26  }
0x9e: {  	[tilespmem:v50+s3+$0x0] =	vst.idx.msk $0xffff, v25  }
0x9f: {  	v25 =	vld.idx.msk [tilespmem:v51+s3+$0x0], $0xffff  }
0xa0: {  	v52 =	vld [tilespmem:s30+$0xFFFFFED0];
	_ =	sdelay $0x1  }
0xa1: {  	v53 =	vor.u32 v7, v27;
	_ =	sdelay $0x2  }
0xa2: {  	v25 =	vmax.bf16 v25, v52  }
0xa3: {  	[tilespmem:v51+s3+$0x0] =	vst.idx.msk $0xffff, v25  }
0xa4: {  	v25 =	vld.idx.msk [tilespmem:v53+s3+$0x0], $0xffff  }
0xa5: {  	v54 =	vld [tilespmem:s30+$0xFFFFFEE0];
	_ =	sdelay $0x1  }
0xa6: {  	v27 =	vor.u32 v8, v27;
	_ =	sdelay $0x2  }
0xa7: {  	v25 =	vmax.bf16 v25, v54  }
0xa8: {  	[tilespmem:v53+s3+$0x0] =	vst.idx.msk $0xffff, v25  }
0xa9: {  	v55 =	vperm.xlane v24, v12;
	v25 =	vld.idx.msk [tilespmem:v27+s3+$0x0], $0xffff  }
0xaa: {  	v28 =	vld [tilespmem:s30+$0xFFFFFEF0]  }
0xab: {  	v26 =	vshll.u32 v55, $0x6  }
0xac: {  	v56 =	vor.u32 v4, v26;
	_ =	sdelay $0x2  }
0xad: {  	v25 =	vmax.bf16 v25, v28  }
0xae: {  	[tilespmem:v27+s3+$0x0] =	vst.idx.msk $0xffff, v25  }
0xaf: {  	v25 =	vld.idx.msk [tilespmem:v56+s3+$0x0], $0xffff  }
0xb0: {  	v27 =	vld [tilespmem:s30+$0xFFFFFF00];
	_ =	sdelay $0x1  }
0xb1: {  	v57 =	vor.u32 v6, v26;
	_ =	sdelay $0x2  }
0xb2: {  	v25 =	vmax.bf16 v25, v27  }
0xb3: {  	[tilespmem:v56+s3+$0x0] =	vst.idx.msk $0xffff, v25  }
0xb4: {  	v25 =	vld.idx.msk [tilespmem:v57+s3+$0x0], $0xffff  }
0xb5: {  	v58 =	vld [tilespmem:s30+$0xFFFFFF10];
	_ =	sdelay $0x1  }
0xb6: {  	v59 =	vor.u32 v7, v26;
	_ =	sdelay $0x2  }
0xb7: {  	v25 =	vmax.bf16 v25, v58  }
0xb8: {  	[tilespmem:v57+s3+$0x0] =	vst.idx.msk $0xffff, v25  }
0xb9: {  	v25 =	vld.idx.msk [tilespmem:v59+s3+$0x0], $0xffff  }
0xba: {  	v60 =	vld [tilespmem:s30+$0xFFFFFF20];
	_ =	sdelay $0x1  }
0xbb: {  	v26 =	vor.u32 v8, v26;
	_ =	sdelay $0x2  }
0xbc: {  	v25 =	vmax.bf16 v25, v60  }
0xbd: {  	[tilespmem:v59+s3+$0x0] =	vst.idx.msk $0xffff, v25  }
0xbe: {  	v61 =	vperm.xlane v24, v13;
	v25 =	vld.idx.msk [tilespmem:v26+s3+$0x0], $0xffff  }
0xbf: {  	v28 =	vld [tilespmem:s30+$0xFFFFFF30]  }
0xc0: {  	v27 =	vshll.u32 v61, $0x6  }
0xc1: {  	v62 =	vor.u32 v4, v27;
	_ =	sdelay $0x2  }
0xc2: {  	v25 =	vmax.bf16 v25, v28  }
0xc3: {  	[tilespmem:v26+s3+$0x0] =	vst.idx.msk $0xffff, v25  }
0xc4: {  	v25 =	vld.idx.msk [tilespmem:v62+s3+$0x0], $0xffff  }
0xc5: {  	v26 =	vld [tilespmem:s30+$0xFFFFFF40];
	_ =	sdelay $0x1  }
0xc6: {  	v63 =	vor.u32 v6, v27;
	_ =	sdelay $0x2  }
0xc7: {  	v25 =	vmax.bf16 v25, v26  }
0xc8: {  	[tilespmem:v62+s3+$0x0] =	vst.idx.msk $0xffff, v25  }
0xc9: {  	v25 =	vld.idx.msk [tilespmem:v63+s3+$0x0], $0xffff  }
0xca: {  	v32 =	vld [tilespmem:s30+$0xFFFFFF50];
	_ =	sdelay $0x1  }
0xcb: {  	v33 =	vor.u32 v7, v27;
	_ =	sdelay $0x2  }
0xcc: {  	v25 =	vmax.bf16 v25, v32  }
0xcd: {  	[tilespmem:v63+s3+$0x0] =	vst.idx.msk $0xffff, v25  }
0xce: {  	v25 =	vld.idx.msk [tilespmem:v33+s3+$0x0], $0xffff  }
0xcf: {  	v34 =	vld [tilespmem:s30+$0xFFFFFF60];
	_ =	sdelay $0x1  }
0xd0: {  	v27 =	vor.u32 v8, v27;
	_ =	sdelay $0x2  }
0xd1: {  	v25 =	vmax.bf16 v25, v34  }
0xd2: {  	[tilespmem:v33+s3+$0x0] =	vst.idx.msk $0xffff, v25  }
0xd3: {  	v35 =	vperm.xlane v24, v5;
	v25 =	vld.idx.msk [tilespmem:v27+s3+$0x0], $0xffff  }
0xd4: {  	v28 =	vld [tilespmem:s30+$0xFFFFFF70]  }
0xd5: {  	v26 =	vshll.u32 v35, $0x6  }
0xd6: {  	v36 =	vor.u32 v4, v26;
	_ =	sdelay $0x2  }
0xd7: {  	v25 =	vmax.bf16 v25, v28  }
0xd8: {  	[tilespmem:v27+s3+$0x0] =	vst.idx.msk $0xffff, v25  }
0xd9: {  	v25 =	vld.idx.msk [tilespmem:v36+s3+$0x0], $0xffff  }
0xda: {  	v27 =	vld [tilespmem:s30+$0xFFFFFF80];
	_ =	sdelay $0x1  }
0xdb: {  	v37 =	vor.u32 v6, v26;
	_ =	sdelay $0x2  }
0xdc: {  	v25 =	vmax.bf16 v25, v27  }
0xdd: {  	[tilespmem:v36+s3+$0x0] =	vst.idx.msk $0xffff, v25  }
0xde: {  	v25 =	vld.idx.msk [tilespmem:v37+s3+$0x0], $0xffff  }
0xdf: {  	v38 =	vld [tilespmem:s30+$0xFFFFFF90];
	_ =	sdelay $0x1  }
0xe0: {  	v39 =	vor.u32 v7, v26;
	_ =	sdelay $0x2  }
0xe1: {  	v25 =	vmax.bf16 v25, v38  }
0xe2: {  	[tilespmem:v37+s3+$0x0] =	vst.idx.msk $0xffff, v25  }
0xe3: {  	v25 =	vld.idx.msk [tilespmem:v39+s3+$0x0], $0xffff  }
0xe4: {  	v40 =	vld [tilespmem:s30+$0xFFFFFFA0];
	_ =	sdelay $0x1  }
0xe5: {  	v26 =	vor.u32 v8, v26;
	_ =	sdelay $0x2  }
0xe6: {  	v25 =	vmax.bf16 v25, v40  }
0xe7: {  	[tilespmem:v39+s3+$0x0] =	vst.idx.msk $0xffff, v25  }
0xe8: {  	v41 =	vperm.xlane v24, v14;
	v25 =	vld.idx.msk [tilespmem:v26+s3+$0x0], $0xffff  }
0xe9: {  	v28 =	vld [tilespmem:s30+$0xFFFFFFB0]  }
0xea: {  	v27 =	vshll.u32 v41, $0x6  }
0xeb: {  	v42 =	vor.u32 v4, v27;
	_ =	sdelay $0x2  }
0xec: {  	v25 =	vmax.bf16 v25, v28  }
0xed: {  	[tilespmem:v26+s3+$0x0] =	vst.idx.msk $0xffff, v25  }
0xee: {  	v25 =	vld.idx.msk [tilespmem:v42+s3+$0x0], $0xffff  }
0xef: {  	v26 =	vld [tilespmem:s30+$0xFFFFFFC0];
	_ =	sdelay $0x1  }
0xf0: {  	v43 =	vor.u32 v6, v27;
	_ =	sdelay $0x2  }
0xf1: {  	v25 =	vmax.bf16 v25, v26  }
0xf2: {  	[tilespmem:v42+s3+$0x0] =	vst.idx.msk $0xffff, v25  }
0xf3: {  	v25 =	vld.idx.msk [tilespmem:v43+s3+$0x0], $0xffff  }
0xf4: {  	v44 =	vld [tilespmem:s30+$0xFFFFFFD0];
	_ =	sdelay $0x1  }
0xf5: {  	v45 =	vor.u32 v7, v27;
	_ =	sdelay $0x2  }
0xf6: {  	v25 =	vmax.bf16 v25, v44  }
0xf7: {  	[tilespmem:v43+s3+$0x0] =	vst.idx.msk $0xffff, v25  }
0xf8: {  	v25 =	vld.idx.msk [tilespmem:v45+s3+$0x0], $0xffff  }
0xf9: {  	v46 =	vld [tilespmem:s30+$0xFFFFFFE0];
	_ =	sdelay $0x1  }
0xfa: {  	v27 =	vor.u32 v8, v27;
	_ =	sdelay $0x2  }
0xfb: {  	v25 =	vmax.bf16 v25, v46  }
0xfc: {  	[tilespmem:v45+s3+$0x0] =	vst.idx.msk $0xffff, v25  }
0xfd: {  	v47 =	vperm.xlane v24, v15;
	v25 =	vld.idx.msk [tilespmem:v27+s3+$0x0], $0xffff  }
0xfe: {  	v28 =	vld [tilespmem:s30+$0xFFFFFFF0]  }
0xff: {  	v26 =	vshll.u32 v47, $0x6  }
0x100: {  	v48 =	vor.u32 v4, v26;
	_ =	sdelay $0x2  }
0x101: {  	v25 =	vmax.bf16 v25, v28  }
0x102: {  	[tilespmem:v27+s3+$0x0] =	vst.idx.msk $0xffff, v25  }
0x103: {  	v25 =	vld.idx.msk [tilespmem:v48+s3+$0x0], $0xffff  }
0x104: {  	v27 =	vld [tilespmem:s30+$0x0];
	_ =	sdelay $0x1  }
0x105: {  	v49 =	vor.u32 v6, v26;
	_ =	sdelay $0x2  }
0x106: {  	v25 =	vmax.bf16 v25, v27  }
0x107: {  	[tilespmem:v48+s3+$0x0] =	vst.idx.msk $0xffff, v25  }
0x108: {  	v25 =	vld.idx.msk [tilespmem:v49+s3+$0x0], $0xffff  }
0x109: {  	v50 =	vld [tilespmem:s30+$0x10];
	_ =	sdelay $0x1  }
0x10a: {  	v51 =	vor.u32 v7, v26;
	_ =	sdelay $0x2  }
0x10b: {  	v25 =	vmax.bf16 v25, v50  }
0x10c: {  	[tilespmem:v49+s3+$0x0] =	vst.idx.msk $0xffff, v25  }
0x10d: {  	v25 =	vld.idx.msk [tilespmem:v51+s3+$0x0], $0xffff  }
0x10e: {  	v52 =	vld [tilespmem:s30+$0x20];
	_ =	sdelay $0x1  }
0x10f: {  	v26 =	vor.u32 v8, v26;
	_ =	sdelay $0x2  }
0x110: {  	v25 =	vmax.bf16 v25, v52  }
0x111: {  	[tilespmem:v51+s3+$0x0] =	vst.idx.msk $0xffff, v25  }
0x112: {  	v53 =	vperm.xlane v24, v16;
	v25 =	vld.idx.msk [tilespmem:v26+s3+$0x0], $0xffff  }
0x113: {  	v28 =	vld [tilespmem:s30+$0x30]  }
0x114: {  	v27 =	vshll.u32 v53, $0x6  }
0x115: {  	v54 =	vor.u32 v4, v27;
	_ =	sdelay $0x2  }
0x116: {  	v25 =	vmax.bf16 v25, v28  }
0x117: {  	[tilespmem:v26+s3+$0x0] =	vst.idx.msk $0xffff, v25  }
0x118: {  	v25 =	vld.idx.msk [tilespmem:v54+s3+$0x0], $0xffff  }
0x119: {  	v26 =	vld [tilespmem:s30+$0x40];
	_ =	sdelay $0x1  }
0x11a: {  	v55 =	vor.u32 v6, v27;
	_ =	sdelay $0x2  }
0x11b: {  	v25 =	vmax.bf16 v25, v26  }
0x11c: {  	[tilespmem:v54+s3+$0x0] =	vst.idx.msk $0xffff, v25  }
0x11d: {  	v25 =	vld.idx.msk [tilespmem:v55+s3+$0x0], $0xffff  }
0x11e: {  	v56 =	vld [tilespmem:s30+$0x50];
	_ =	sdelay $0x1  }
0x11f: {  	v57 =	vor.u32 v7, v27;
	_ =	sdelay $0x2  }
0x120: {  	v25 =	vmax.bf16 v25, v56  }
0x121: {  	[tilespmem:v55+s3+$0x0] =	vst.idx.msk $0xffff, v25  }
0x122: {  	v25 =	vld.idx.msk [tilespmem:v57+s3+$0x0], $0xffff  }
0x123: {  	v58 =	vld [tilespmem:s30+$0x60];
	_ =	sdelay $0x1  }
0x124: {  	v27 =	vor.u32 v8, v27;
	_ =	sdelay $0x2  }
0x125: {  	v25 =	vmax.bf16 v25, v58  }
0x126: {  	[tilespmem:v57+s3+$0x0] =	vst.idx.msk $0xffff, v25  }
0x127: {  	v59 =	vperm.xlane v24, v17;
	v25 =	vld.idx.msk [tilespmem:v27+s3+$0x0], $0xffff  }
0x128: {  	v28 =	vld [tilespmem:s30+$0x70]  }
0x129: {  	v26 =	vshll.u32 v59, $0x6  }
0x12a: {  	v60 =	vor.u32 v4, v26;
	_ =	sdelay $0x2  }
0x12b: {  	v25 =	vmax.bf16 v25, v28  }
0x12c: {  	[tilespmem:v27+s3+$0x0] =	vst.idx.msk $0xffff, v25  }
0x12d: {  	v25 =	vld.idx.msk [tilespmem:v60+s3+$0x0], $0xffff  }
0x12e: {  	v27 =	vld [tilespmem:s30+$0x80];
	_ =	sdelay $0x1  }
0x12f: {  	v61 =	vor.u32 v6, v26;
	_ =	sdelay $0x2  }
0x130: {  	v25 =	vmax.bf16 v25, v27  }
0x131: {  	[tilespmem:v60+s3+$0x0] =	vst.idx.msk $0xffff, v25  }
0x132: {  	v25 =	vld.idx.msk [tilespmem:v61+s3+$0x0], $0xffff  }
0x133: {  	v62 =	vld [tilespmem:s30+$0x90];
	_ =	sdelay $0x1  }
0x134: {  	v63 =	vor.u32 v7, v26;
	_ =	sdelay $0x2  }
0x135: {  	v25 =	vmax.bf16 v25, v62  }
0x136: {  	[tilespmem:v61+s3+$0x0] =	vst.idx.msk $0xffff, v25  }
0x137: {  	v25 =	vld.idx.msk [tilespmem:v63+s3+$0x0], $0xffff  }
0x138: {  	v32 =	vld [tilespmem:s30+$0xA0];
	_ =	sdelay $0x1  }
0x139: {  	v26 =	vor.u32 v8, v26;
	_ =	sdelay $0x2  }
0x13a: {  	v25 =	vmax.bf16 v25, v32  }
0x13b: {  	[tilespmem:v63+s3+$0x0] =	vst.idx.msk $0xffff, v25  }
0x13c: {  	v33 =	vperm.xlane v24, v18;
	v25 =	vld.idx.msk [tilespmem:v26+s3+$0x0], $0xffff  }
0x13d: {  	v28 =	vld [tilespmem:s30+$0xB0]  }
0x13e: {  	v27 =	vshll.u32 v33, $0x6  }
0x13f: {  	v34 =	vor.u32 v4, v27;
	_ =	sdelay $0x2  }
0x140: {  	v25 =	vmax.bf16 v25, v28  }
0x141: {  	[tilespmem:v26+s3+$0x0] =	vst.idx.msk $0xffff, v25  }
0x142: {  	v25 =	vld.idx.msk [tilespmem:v34+s3+$0x0], $0xffff  }
0x143: {  	v26 =	vld [tilespmem:s30+$0xC0];
	_ =	sdelay $0x1  }
0x144: {  	v35 =	vor.u32 v6, v27;
	_ =	sdelay $0x2  }
0x145: {  	v25 =	vmax.bf16 v25, v26  }
0x146: {  	[tilespmem:v34+s3+$0x0] =	vst.idx.msk $0xffff, v25  }
0x147: {  	v25 =	vld.idx.msk [tilespmem:v35+s3+$0x0], $0xffff  }
0x148: {  	v36 =	vld [tilespmem:s30+$0xD0];
	_ =	sdelay $0x1  }
0x149: {  	v37 =	vor.u32 v7, v27;
	_ =	sdelay $0x2  }
0x14a: {  	v25 =	vmax.bf16 v25, v36  }
0x14b: {  	[tilespmem:v35+s3+$0x0] =	vst.idx.msk $0xffff, v25  }
0x14c: {  	v25 =	vld.idx.msk [tilespmem:v37+s3+$0x0], $0xffff  }
0x14d: {  	v38 =	vld [tilespmem:s30+$0xE0];
	_ =	sdelay $0x1  }
0x14e: {  	v27 =	vor.u32 v8, v27;
	_ =	sdelay $0x2  }
0x14f: {  	v25 =	vmax.bf16 v25, v38  }
0x150: {  	[tilespmem:v37+s3+$0x0] =	vst.idx.msk $0xffff, v25  }
0x151: {  	v39 =	vperm.xlane v24, v19;
	v25 =	vld.idx.msk [tilespmem:v27+s3+$0x0], $0xffff  }
0x152: {  	v28 =	vld [tilespmem:s30+$0xF0]  }
0x153: {  	v26 =	vshll.u32 v39, $0x6  }
0x154: {  	v40 =	vor.u32 v4, v26;
	_ =	sdelay $0x2  }
0x155: {  	v25 =	vmax.bf16 v25, v28  }
0x156: {  	[tilespmem:v27+s3+$0x0] =	vst.idx.msk $0xffff, v25  }
0x157: {  	v25 =	vld.idx.msk [tilespmem:v40+s3+$0x0], $0xffff  }
0x158: {  	v27 =	vld [tilespmem:s30+$0x100];
	_ =	sdelay $0x1  }
0x159: {  	v41 =	vor.u32 v6, v26;
	_ =	sdelay $0x2  }
0x15a: {  	v25 =	vmax.bf16 v25, v27  }
0x15b: {  	[tilespmem:v40+s3+$0x0] =	vst.idx.msk $0xffff, v25  }
0x15c: {  	v25 =	vld.idx.msk [tilespmem:v41+s3+$0x0], $0xffff  }
0x15d: {  	v42 =	vld [tilespmem:s30+$0x110];
	_ =	sdelay $0x1  }
0x15e: {  	v43 =	vor.u32 v7, v26;
	_ =	sdelay $0x2  }
0x15f: {  	v25 =	vmax.bf16 v25, v42  }
0x160: {  	[tilespmem:v41+s3+$0x0] =	vst.idx.msk $0xffff, v25  }
0x161: {  	v25 =	vld.idx.msk [tilespmem:v43+s3+$0x0], $0xffff  }
0x162: {  	v44 =	vld [tilespmem:s30+$0x120];
	_ =	sdelay $0x1  }
0x163: {  	v26 =	vor.u32 v8, v26;
	_ =	sdelay $0x2  }
0x164: {  	v25 =	vmax.bf16 v25, v44  }
0x165: {  	[tilespmem:v43+s3+$0x0] =	vst.idx.msk $0xffff, v25  }
0x166: {  	v45 =	vperm.xlane v24, v20;
	v25 =	vld.idx.msk [tilespmem:v26+s3+$0x0], $0xffff  }
0x167: {  	v28 =	vld [tilespmem:s30+$0x130]  }
0x168: {  	v27 =	vshll.u32 v45, $0x6  }
0x169: {  	v46 =	vor.u32 v4, v27;
	_ =	sdelay $0x2  }
0x16a: {  	v25 =	vmax.bf16 v25, v28  }
0x16b: {  	[tilespmem:v26+s3+$0x0] =	vst.idx.msk $0xffff, v25  }
0x16c: {  	v25 =	vld.idx.msk [tilespmem:v46+s3+$0x0], $0xffff  }
0x16d: {  	v26 =	vld [tilespmem:s30+$0x140];
	_ =	sdelay $0x1  }
0x16e: {  	v47 =	vor.u32 v6, v27;
	_ =	sdelay $0x2  }
0x16f: {  	v25 =	vmax.bf16 v25, v26  }
0x170: {  	[tilespmem:v46+s3+$0x0] =	vst.idx.msk $0xffff, v25  }
0x171: {  	v25 =	vld.idx.msk [tilespmem:v47+s3+$0x0], $0xffff  }
0x172: {  	v48 =	vld [tilespmem:s30+$0x150];
	_ =	sdelay $0x1  }
0x173: {  	v49 =	vor.u32 v7, v27;
	_ =	sdelay $0x2  }
0x174: {  	v25 =	vmax.bf16 v25, v48  }
0x175: {  	[tilespmem:v47+s3+$0x0] =	vst.idx.msk $0xffff, v25  }
0x176: {  	v25 =	vld.idx.msk [tilespmem:v49+s3+$0x0], $0xffff  }
0x177: {  	v50 =	vld [tilespmem:s30+$0x160];
	_ =	sdelay $0x1  }
0x178: {  	v27 =	vor.u32 v8, v27;
	_ =	sdelay $0x2  }
0x179: {  	v25 =	vmax.bf16 v25, v50  }
0x17a: {  	[tilespmem:v49+s3+$0x0] =	vst.idx.msk $0xffff, v25  }
0x17b: {  	v51 =	vperm.xlane v24, v21;
	v25 =	vld.idx.msk [tilespmem:v27+s3+$0x0], $0xffff  }
0x17c: {  	v28 =	vld [tilespmem:s30+$0x170]  }
0x17d: {  	v26 =	vshll.u32 v51, $0x6  }
0x17e: {  	v52 =	vor.u32 v4, v26;
	_ =	sdelay $0x2  }
0x17f: {  	v25 =	vmax.bf16 v25, v28  }
0x180: {  	[tilespmem:v27+s3+$0x0] =	vst.idx.msk $0xffff, v25  }
0x181: {  	v25 =	vld.idx.msk [tilespmem:v52+s3+$0x0], $0xffff  }
0x182: {  	v27 =	vld [tilespmem:s30+$0x180];
	_ =	sdelay $0x1  }
0x183: {  	v53 =	vor.u32 v6, v26;
	_ =	sdelay $0x2  }
0x184: {  	v25 =	vmax.bf16 v25, v27  }
0x185: {  	[tilespmem:v52+s3+$0x0] =	vst.idx.msk $0xffff, v25  }
0x186: {  	v25 =	vld.idx.msk [tilespmem:v53+s3+$0x0], $0xffff  }
0x187: {  	v54 =	vld [tilespmem:s30+$0x190];
	_ =	sdelay $0x1  }
0x188: {  	v55 =	vor.u32 v7, v26;
	_ =	sdelay $0x2  }
0x189: {  	v25 =	vmax.bf16 v25, v54  }
0x18a: {  	[tilespmem:v53+s3+$0x0] =	vst.idx.msk $0xffff, v25  }
0x18b: {  	v25 =	vld.idx.msk [tilespmem:v55+s3+$0x0], $0xffff  }
0x18c: {  	v56 =	vld [tilespmem:s30+$0x1A0];
	_ =	sdelay $0x1  }
0x18d: {  	v26 =	vor.u32 v8, v26;
	_ =	sdelay $0x2  }
0x18e: {  	v25 =	vmax.bf16 v25, v56  }
0x18f: {  	[tilespmem:v55+s3+$0x0] =	vst.idx.msk $0xffff, v25  }
0x190: {  	v24 =	vperm.xlane v24, v22;
	v25 =	vld.idx.msk [tilespmem:v26+s3+$0x0], $0xffff  }
0x191: {  	v57 =	vld [tilespmem:s30+$0x1B0]  }
0x192: {  	v24 =	vshll.u32 v24, $0x6  }
0x193: {  	v58 =	vor.u32 v4, v24;
	_ =	sdelay $0x2  }
0x194: {  	v25 =	vmax.bf16 v25, v57  }
0x195: {  	[tilespmem:v26+s3+$0x0] =	vst.idx.msk $0xffff, v25  }
0x196: {  	v25 =	vld.idx.msk [tilespmem:v58+s3+$0x0], $0xffff  }
0x197: {  	v26 =	vld [tilespmem:s30+$0x1C0];
	_ =	sdelay $0x1  }
0x198: {  	v59 =	vor.u32 v6, v24;
	_ =	sdelay $0x2  }
0x199: {  	v25 =	vmax.bf16 v25, v26  }
0x19a: {  	[tilespmem:v58+s3+$0x0] =	vst.idx.msk $0xffff, v25  }
0x19b: {  	v25 =	vld.idx.msk [tilespmem:v59+s3+$0x0], $0xffff  }
0x19c: {  	v60 =	vld [tilespmem:s30+$0x1D0];
	_ =	sdelay $0x1  }
0x19d: {  	v61 =	vor.u32 v7, v24;
	_ =	sdelay $0x2  }
0x19e: {  	v25 =	vmax.bf16 v25, v60  }
0x19f: {  	[tilespmem:v59+s3+$0x0] =	vst.idx.msk $0xffff, v25  }
0x1a0: {  	v25 =	vld.idx.msk [tilespmem:v61+s3+$0x0], $0xffff  }
0x1a1: {  	v62 =	vld [tilespmem:s30+$0x1E0];
	_ =	sdelay $0x1  }
0x1a2: {  	v24 =	vor.u32 v8, v24;
	_ =	sdelay $0x2  }
0x1a3: {  	v25 =	vmax.bf16 v25, v62  }
0x1a4: {  	[tilespmem:v61+s3+$0x0] =	vst.idx.msk $0xffff, v25  }
0x1a5: {  	v25 =	vld.idx.msk [tilespmem:v24+s3+$0x0], $0xffff  }
0x1a6: {  	v63 =	vld [tilespmem:s30+$0x1F0]  }
0x1a7: {  	p0 =	sne.s32 s31, $0xC0  }
.Ltmp5:
0x1a8: {  	_ = 	snop;
	(pc) =	sbr.rel @p0 .LBB2_15-.Ltmp5, $3  }
0x1a9: {  	_ =	sdelay $0x1  }
0x1aa: {  	v25 =	vmax.bf16 v25, v63  }
0x1ab: {  	s31 =	sadd.s32 $0x40, s31;
	s30 =	sadd.s32 $0x400, s30;
	[tilespmem:v24+s3+$0x0] =	vst.idx.msk $0xffff, v25  }
0x1ac: {  	s28 =	sadd.s32 $0x1, s28  }
0x1ad: {  	p0 =	seq.s32 s28, s26  }
.Ltmp6:
0x1ae: {  	_ = 	snop;
	(pc) =	sbr.rel @!p0 .LBB2_14-.Ltmp6, $4  }
.Ltmp7:
0x1af: {  	_ = 	snop;
	(pc) =	sbr.rel @p0 .LBB2_7-.Ltmp7, $4  }
0x1b0: {  	_ = 	snop  }
0x1b1: {  	_ = 	snop  }
0x1b2: {  	s29 =	sadd.s32 $0x40, s29  }
0x1b3: {  	_ = 	snop  }
.LBB2_8:
0x1b4: {  	s25 =	simm.s32 $0x0;
	s26 =	simm.s32 $0x20;
	s28 =	simm.s32 $0x0  }
.LBB2_9:
0x1b5: {  	s0 =	sshll.u32 s28, $0x6  }
0x1b6: {  	s0 =	sadd.s32 s4, s0  }
0x1b7: {  	v24 =	vmul.u32 $0x2, v4;
	s29 =	sshll.u32 s0, $0x4  }
0x1b8: {  	s0 =	simm.s32 $0x0;
	s1 =	sadd.s32 s2, s29  }
0x1b9: {  	v25 =	vor.u32 s0, v24;
	[tilespmem:s20], [sflag:$0x4] =	stream.linear.gather [hbm4b:s1+s25], $0x2000, $0x38;
	[tilespmem:$0x10BC0] =	vst v63  }
0x1ba: {  	_ =	swait.ge [sflag:s21], $0x2000  }
0x1bb: {  	[sflag:s21] =	ssyncset.done $0x0  }
0x1bc: {  	[sflag:s21] =	ssyncadd.s32 $0xFFFFE000  }
0x1bd: {  	v26 =	vld [tilespmem:s26+$0xFFFFFFE0]  }
0x1be: {  	v27 =	vld.idx.msk [tilespmem:v25+s20+$0x0], $0xffff;
	_ =	sdelay $0x2  }
0x1bf: {  	v23 =	vor.u32 $0x1, v24  }
0x1c0: {  	v29 =	vor.u32 s0, v23;
	v28 =	vunpack.i.l.bf16.f32 v26  }
0x1c1: {  	vm0 =	vge.f32 v28, $0.0e+00;
	v28 =	vsub.f32 v28, v27  }
0x1c2: {  	v27 =	vnsel vm0, $0x0, v27  }
0x1c3: {  	[tilespmem:v25+s22+$0x0] =	vst.idx.msk $0xffff, v27;
	v27 =	vnsel vm0, $0x0, v28  }
0x1c4: {  	[tilespmem:v25+s23+$0x0] =	vst.idx.msk $0xffff, v27  }
0x1c5: {  	v27 =	vld.idx.msk [tilespmem:v29+s20+$0x0], $0xffff;
	_ =	sdelay $0x3  }
0x1c6: {  	v26 =	vunpack.i.u.bf16.f32 v26;
	v25 =	vor.u32 $0x20, v24  }
0x1c7: {  	vm0 =	vge.f32 v26, $0.0e+00;
	v28 =	vor.u32 s0, v25;
	v26 =	vsub.f32 v26, v27  }
0x1c8: {  	v27 =	vnsel vm0, $0x0, v27  }
0x1c9: {  	[tilespmem:v29+s22+$0x0] =	vst.idx.msk $0xffff, v27;
	v26 =	vnsel vm0, $0x0, v26  }
0x1ca: {  	[tilespmem:v29+s23+$0x0] =	vst.idx.msk $0xffff, v26  }
0x1cb: {  	v27 =	vld [tilespmem:s26+$0xFFFFFFF0]  }
0x1cc: {  	v29 =	vld.idx.msk [tilespmem:v28+s20+$0x0], $0xffff;
	_ =	sdelay $0x2  }
0x1cd: {  	v26 =	vor.u32 $0x21, v24  }
0x1ce: {  	v31 =	vor.u32 s0, v26;
	v30 =	vunpack.i.l.bf16.f32 v27  }
0x1cf: {  	vm0 =	vge.f32 v30, $0.0e+00;
	v30 =	vsub.f32 v30, v29  }
0x1d0: {  	v29 =	vnsel vm0, $0x0, v29  }
0x1d1: {  	[tilespmem:v28+s22+$0x0] =	vst.idx.msk $0xffff, v29;
	v29 =	vnsel vm0, $0x0, v30  }
0x1d2: {  	[tilespmem:v28+s23+$0x0] =	vst.idx.msk $0xffff, v29  }
0x1d3: {  	v28 =	vld.idx.msk [tilespmem:v31+s20+$0x0], $0xffff;
	_ =	sdelay $0x3  }
0x1d4: {  	v29 =	vunpack.i.u.bf16.f32 v27;
	v27 =	vor.u32 $0x40, v24  }
0x1d5: {  	vm0 =	vge.f32 v29, $0.0e+00;
	v30 =	vor.u32 s0, v27;
	v29 =	vsub.f32 v29, v28  }
0x1d6: {  	v28 =	vnsel vm0, $0x0, v28  }
0x1d7: {  	[tilespmem:v31+s22+$0x0] =	vst.idx.msk $0xffff, v28;
	v28 =	vnsel vm0, $0x0, v29  }
0x1d8: {  	[tilespmem:v31+s23+$0x0] =	vst.idx.msk $0xffff, v28  }
0x1d9: {  	v29 =	vld [tilespmem:s26+$0x0]  }
0x1da: {  	v31 =	vld.idx.msk [tilespmem:v30+s20+$0x0], $0xffff;
	_ =	sdelay $0x2  }
0x1db: {  	v28 =	vor.u32 $0x41, v24  }
0x1dc: {  	v32 =	vor.u32 s0, v28;
	v33 =	vunpack.i.l.bf16.f32 v29  }
0x1dd: {  	vm0 =	vge.f32 v33, $0.0e+00;
	v33 =	vsub.f32 v33, v31  }
0x1de: {  	v31 =	vnsel vm0, $0x0, v31  }
0x1df: {  	[tilespmem:v30+s22+$0x0] =	vst.idx.msk $0xffff, v31;
	v31 =	vnsel vm0, $0x0, v33  }
0x1e0: {  	[tilespmem:v30+s23+$0x0] =	vst.idx.msk $0xffff, v31  }
0x1e1: {  	v30 =	vld.idx.msk [tilespmem:v32+s20+$0x0], $0xffff;
	_ =	sdelay $0x3  }
0x1e2: {  	v31 =	vunpack.i.u.bf16.f32 v29;
	v29 =	vor.u32 $0x60, v24  }
0x1e3: {  	vm0 =	vge.f32 v31, $0.0e+00;
	v62 =	vor.u32 s0, v29;
	v31 =	vsub.f32 v31, v30  }
0x1e4: {  	v30 =	vnsel vm0, $0x0, v30  }
0x1e5: {  	[tilespmem:v32+s22+$0x0] =	vst.idx.msk $0xffff, v30;
	v30 =	vnsel vm0, $0x0, v31  }
0x1e6: {  	[tilespmem:v32+s23+$0x0] =	vst.idx.msk $0xffff, v30  }
0x1e7: {  	v32 =	vld [tilespmem:s26+$0x10]  }
0x1e8: {  	v34 =	vld.idx.msk [tilespmem:v62+s20+$0x0], $0xffff;
	_ =	sdelay $0x2  }
0x1e9: {  	v30 =	vor.u32 $0x61, v24  }
0x1ea: {  	v31 =	vor.u32 s0, v30;
	v35 =	vunpack.i.l.bf16.f32 v32  }
0x1eb: {  	vm0 =	vge.f32 v35, $0.0e+00;
	v35 =	vsub.f32 v35, v34  }
0x1ec: {  	v34 =	vnsel vm0, $0x0, v34  }
0x1ed: {  	[tilespmem:v62+s22+$0x0] =	vst.idx.msk $0xffff, v34;
	v63 =	vnsel vm0, $0x0, v35  }
0x1ee: {  	[tilespmem:v62+s23+$0x0] =	vst.idx.msk $0xffff, v63  }
0x1ef: {  	v33 =	vunpack.i.u.bf16.f32 v32;
	v32 =	vld.idx.msk [tilespmem:v31+s20+$0x0], $0xffff;
	_ =	sdelay $0x2  }
0x1f0: {  	s30 =	simm.s32 $0x80;
	s31 =	smov.u32 s26;
	s1 =	simm.s32 $0x2;
	vm0 =	vge.f32 v33, $0.0e+00  }
.LBB2_10:
0x1f1: {  	p0 =	sne.s32 s1, $0x3F  }
0x1f2: {  	v34 =	vor.u32 s30, v24;
	v35 =	vnsel vm0, $0x0, v32;
	v32 =	vsub.f32 v33, v32;
	s31 =	sadd.s32 $0x40, s31;
	s0 =	smov.u32 s1;
	s1 =	sadd.s32 $0x1, s1  }
0x1f3: {  	[tilespmem:v31+s22+$0x0] =	vst.idx.msk $0xffff, v35  }
0x1f4: {  	v32 =	vnsel vm0, $0x0, v32  }
0x1f5: {  	[tilespmem:v31+s23+$0x0] =	vst.idx.msk $0xffff, v32  }
0x1f6: {  	v31 =	vld [tilespmem:s31+$0xFFFFFFE0]  }
0x1f7: {  	v32 =	vld.idx.msk [tilespmem:v34+s20+$0x0], $0xffff;
	_ =	sdelay $0x3  }
0x1f8: {  	v33 =	vor.u32 $0x1, v24  }
0x1f9: {  	v33 =	vor.u32 s30, v33;
	v35 =	vunpack.i.l.bf16.f32 v31  }
0x1fa: {  	vm0 =	vge.f32 v35, $0.0e+00;
	v35 =	vsub.f32 v35, v32  }
0x1fb: {  	v32 =	vnsel vm0, $0x0, v32  }
0x1fc: {  	[tilespmem:v34+s22+$0x0] =	vst.idx.msk $0xffff, v32;
	v32 =	vnsel vm0, $0x0, v35  }
0x1fd: {  	[tilespmem:v34+s23+$0x0] =	vst.idx.msk $0xffff, v32  }
0x1fe: {  	v32 =	vld.idx.msk [tilespmem:v33+s20+$0x0], $0xffff;
	_ =	sdelay $0x3  }
0x1ff: {  	v31 =	vunpack.i.u.bf16.f32 v31;
	v34 =	vor.u32 $0x20, v24  }
0x200: {  	vm0 =	vge.f32 v31, $0.0e+00;
	v34 =	vor.u32 s30, v34  }
0x201: {  	v35 =	vnsel vm0, $0x0, v32;
	v31 =	vsub.f32 v31, v32;
	_ =	sdelay $0x1  }
0x202: {  	v31 =	vnsel vm0, $0x0, v31;
	[tilespmem:v33+s22+$0x0] =	vst.idx.msk $0xffff, v35  }
0x203: {  	[tilespmem:v33+s23+$0x0] =	vst.idx.msk $0xffff, v31  }
0x204: {  	v31 =	vld [tilespmem:s31+$0xFFFFFFF0]  }
0x205: {  	v32 =	vld.idx.msk [tilespmem:v34+s20+$0x0], $0xffff;
	_ =	sdelay $0x2  }
0x206: {  	v33 =	vor.u32 $0x21, v24  }
0x207: {  	v33 =	vor.u32 s30, v33;
	v35 =	vunpack.i.l.bf16.f32 v31  }
0x208: {  	vm0 =	vge.f32 v35, $0.0e+00  }
0x209: {  	v36 =	vnsel vm0, $0x0, v32;
	v32 =	vsub.f32 v35, v32  }
0x20a: {  	[tilespmem:v34+s22+$0x0] =	vst.idx.msk $0xffff, v36  }
0x20b: {  	v32 =	vnsel vm0, $0x0, v32  }
0x20c: {  	[tilespmem:v34+s23+$0x0] =	vst.idx.msk $0xffff, v32  }
0x20d: {  	v32 =	vld.idx.msk [tilespmem:v33+s20+$0x0], $0xffff;
	_ =	sdelay $0x3  }
0x20e: {  	v31 =	vunpack.i.u.bf16.f32 v31;
	v34 =	vor.u32 $0x40, v24  }
0x20f: {  	vm0 =	vge.f32 v31, $0.0e+00;
	v34 =	vor.u32 s30, v34  }
0x210: {  	v35 =	vnsel vm0, $0x0, v32;
	v31 =	vsub.f32 v31, v32  }
0x211: {  	[tilespmem:v33+s22+$0x0] =	vst.idx.msk $0xffff, v35  }
0x212: {  	v31 =	vnsel vm0, $0x0, v31  }
0x213: {  	[tilespmem:v33+s23+$0x0] =	vst.idx.msk $0xffff, v31  }
0x214: {  	v31 =	vld [tilespmem:s31+$0x0]  }
0x215: {  	v32 =	vld.idx.msk [tilespmem:v34+s20+$0x0], $0xffff;
	_ =	sdelay $0x1  }
0x216: {  	v33 =	vor.u32 $0x41, v24  }
0x217: {  	v33 =	vor.u32 s30, v33  }
0x218: {  	v35 =	vunpack.i.l.bf16.f32 v31  }
0x219: {  	vm0 =	vge.f32 v35, $0.0e+00  }
0x21a: {  	v36 =	vnsel vm0, $0x0, v32;
	v32 =	vsub.f32 v35, v32  }
0x21b: {  	[tilespmem:v34+s22+$0x0] =	vst.idx.msk $0xffff, v36  }
0x21c: {  	v32 =	vnsel vm0, $0x0, v32  }
0x21d: {  	[tilespmem:v34+s23+$0x0] =	vst.idx.msk $0xffff, v32  }
0x21e: {  	v32 =	vld.idx.msk [tilespmem:v33+s20+$0x0], $0xffff;
	_ =	sdelay $0x2  }
0x21f: {  	v31 =	vunpack.i.u.bf16.f32 v31  }
0x220: {  	vm0 =	vge.f32 v31, $0.0e+00;
	v34 =	vor.u32 $0x60, v24  }
0x221: {  	v34 =	vor.u32 s30, v34  }
0x222: {  	v35 =	vnsel vm0, $0x0, v32;
	v31 =	vsub.f32 v31, v32  }
0x223: {  	[tilespmem:v33+s22+$0x0] =	vst.idx.msk $0xffff, v35  }
0x224: {  	v31 =	vnsel vm0, $0x0, v31  }
0x225: {  	[tilespmem:v33+s23+$0x0] =	vst.idx.msk $0xffff, v31  }
0x226: {  	v33 =	vld [tilespmem:s31+$0x10]  }
0x227: {  	v32 =	vld.idx.msk [tilespmem:v34+s20+$0x0], $0xffff  }
0x228: {  	v31 =	vor.u32 $0x61, v24  }
0x229: {  	v31 =	vor.u32 s30, v31;
	_ =	sdelay $0x1  }
0x22a: {  	v35 =	vunpack.i.l.bf16.f32 v33  }
0x22b: {  	vm0 =	vge.f32 v35, $0.0e+00  }
0x22c: {  	v36 =	vnsel vm0, $0x0, v32;
	v32 =	vsub.f32 v35, v32  }
0x22d: {  	[tilespmem:v34+s22+$0x0] =	vst.idx.msk $0xffff, v36  }
0x22e: {  	v32 =	vnsel vm0, $0x0, v32  }
0x22f: {  	[tilespmem:v34+s23+$0x0] =	vst.idx.msk $0xffff, v32  }
0x230: {  	v32 =	vld.idx.msk [tilespmem:v31+s20+$0x0], $0xffff  }
.Ltmp8:
0x231: {  	(pc) =	sbr.rel @p0 .LBB2_10-.Ltmp8, $3  }
0x232: {  	v33 =	vunpack.i.u.bf16.f32 v33  }
0x233: {  	vm0 =	vge.f32 v33, $0.0e+00;
	_ =	sdelay $0x1  }
0x234: {  	s30 =	sshll.u32 s0, $0x7  }
0x235: {  	_ =	sdelay $0x1  }
0x236: {  	v24 =	vor.u32 s30, v24;
	v33 =	vsub.f32 v33, v32  }
0x237: {  	v49 =	vnsel vm0, $0x0, v32  }
0x238: {  	[tilespmem:v31+s22+$0x0] =	vst.idx.msk $0xffff, v49;
	v50 =	vnsel vm0, $0x0, v33  }
0x239: {  	s0 =	sadd.s32 $0x40, s31;
	[tilespmem:v31+s23+$0x0] =	vst.idx.msk $0xffff, v50  }
0x23a: {  	v31 =	vld [tilespmem:s0+$0xFFFFFFE0]  }
0x23b: {  	v32 =	vld.idx.msk [tilespmem:v24+s20+$0x0], $0xffff;
	_ =	sdelay $0x3  }
0x23c: {  	v23 =	vor.u32 s30, v23;
	v51 =	vunpack.i.l.bf16.f32 v31  }
0x23d: {  	vm8 =	vge.f32 v51, $0.0e+00;
	v33 =	vsub.f32 v51, v32  }
0x23e: {  	v32 =	vnsel vm8, $0x0, v32  }
0x23f: {  	[tilespmem:v24+s22+$0x0] =	vst.idx.msk $0xffff, v32;
	v52 =	vnsel vm8, $0x0, v33  }
0x240: {  	[tilespmem:v24+s23+$0x0] =	vst.idx.msk $0xffff, v52  }
0x241: {  	v24 =	vld.idx.msk [tilespmem:v23+s20+$0x0], $0xffff;
	_ =	sdelay $0x3  }
0x242: {  	v31 =	vunpack.i.u.bf16.f32 v31  }
0x243: {  	v25 =	vor.u32 s30, v25;
	vm9 =	vge.f32 v31, $0.0e+00;
	v31 =	vsub.f32 v31, v24  }
0x244: {  	v24 =	vnsel vm9, $0x0, v24  }
0x245: {  	[tilespmem:v23+s22+$0x0] =	vst.idx.msk $0xffff, v24;
	v53 =	vnsel vm9, $0x0, v31  }
0x246: {  	[tilespmem:v23+s23+$0x0] =	vst.idx.msk $0xffff, v53  }
0x247: {  	v23 =	vld [tilespmem:s0+$0xFFFFFFF0]  }
0x248: {  	v24 =	vld.idx.msk [tilespmem:v25+s20+$0x0], $0xffff;
	_ =	sdelay $0x3  }
0x249: {  	v26 =	vor.u32 s30, v26;
	v54 =	vunpack.i.l.bf16.f32 v23  }
0x24a: {  	vm10 =	vge.f32 v54, $0.0e+00;
	v31 =	vsub.f32 v54, v24  }
0x24b: {  	v24 =	vnsel vm10, $0x0, v24  }
0x24c: {  	[tilespmem:v25+s22+$0x0] =	vst.idx.msk $0xffff, v24;
	v55 =	vnsel vm10, $0x0, v31  }
0x24d: {  	[tilespmem:v25+s23+$0x0] =	vst.idx.msk $0xffff, v55  }
0x24e: {  	v24 =	vld.idx.msk [tilespmem:v26+s20+$0x0], $0xffff;
	_ =	sdelay $0x3  }
0x24f: {  	v23 =	vunpack.i.u.bf16.f32 v23  }
0x250: {  	v56 =	vor.u32 s30, v27;
	vm11 =	vge.f32 v23, $0.0e+00;
	v23 =	vsub.f32 v23, v24  }
0x251: {  	v24 =	vnsel vm11, $0x0, v24  }
0x252: {  	[tilespmem:v26+s22+$0x0] =	vst.idx.msk $0xffff, v24;
	v23 =	vnsel vm11, $0x0, v23  }
0x253: {  	[tilespmem:v26+s23+$0x0] =	vst.idx.msk $0xffff, v23  }
0x254: {  	v23 =	vld [tilespmem:s0+$0x0]  }
0x255: {  	v24 =	vld.idx.msk [tilespmem:v56+s20+$0x0], $0xffff;
	_ =	sdelay $0x3  }
0x256: {  	v57 =	vor.u32 s30, v28;
	v58 =	vunpack.i.l.bf16.f32 v23  }
0x257: {  	vm12 =	vge.f32 v58, $0.0e+00;
	v27 =	vsub.f32 v58, v24  }
0x258: {  	v24 =	vnsel vm12, $0x0, v24  }
0x259: {  	[tilespmem:v56+s22+$0x0] =	vst.idx.msk $0xffff, v24;
	v59 =	vnsel vm12, $0x0, v27  }
0x25a: {  	[tilespmem:v56+s23+$0x0] =	vst.idx.msk $0xffff, v59  }
0x25b: {  	v24 =	vld.idx.msk [tilespmem:v57+s20+$0x0], $0xffff;
	_ =	sdelay $0x3  }
0x25c: {  	v23 =	vunpack.i.u.bf16.f32 v23  }
0x25d: {  	v60 =	vor.u32 s30, v29;
	vm13 =	vge.f32 v23, $0.0e+00;
	v23 =	vsub.f32 v23, v24  }
0x25e: {  	v24 =	vnsel vm13, $0x0, v24  }
0x25f: {  	[tilespmem:v57+s22+$0x0] =	vst.idx.msk $0xffff, v24;
	v23 =	vnsel vm13, $0x0, v23  }
0x260: {  	[tilespmem:v57+s23+$0x0] =	vst.idx.msk $0xffff, v23  }
0x261: {  	v23 =	vld [tilespmem:s0+$0x10]  }
0x262: {  	v24 =	vld.idx.msk [tilespmem:v60+s20+$0x0], $0xffff;
	_ =	sdelay $0x3  }
0x263: {  	v61 =	vor.u32 s30, v30;
	v62 =	vunpack.i.l.bf16.f32 v23  }
0x264: {  	vm14 =	vge.f32 v62, $0.0e+00;
	v27 =	vsub.f32 v62, v24  }
0x265: {  	v24 =	vnsel vm14, $0x0, v24  }
0x266: {  	[tilespmem:v60+s22+$0x0] =	vst.idx.msk $0xffff, v24;
	v63 =	vnsel vm14, $0x0, v27  }
0x267: {  	[tilespmem:v60+s23+$0x0] =	vst.idx.msk $0xffff, v63  }
0x268: {  	v24 =	vld.idx.msk [tilespmem:v61+s20+$0x0], $0xffff;
	_ =	sdelay $0x3  }
0x269: {  	v23 =	vunpack.i.u.bf16.f32 v23  }
0x26a: {  	vm15 =	vge.f32 v23, $0.0e+00;
	v23 =	vsub.f32 v23, v24  }
0x26b: {  	v24 =	vnsel vm15, $0x0, v24  }
0x26c: {  	[tilespmem:v61+s22+$0x0] =	vst.idx.msk $0xffff, v24;
	v23 =	vnsel vm15, $0x0, v23  }
0x26d: {  	s30 =	sadd.s32 s8, s29;
	[tilespmem:v61+s23+$0x0] =	vst.idx.msk $0xffff, v23  }
0x26e: {  	[hbm4b:s30+s3] =	stream.linear.scatter [tilespmem:s22], [sflag:$0x4], $0x2000, $0x38;
	[tilespmem:$0x10BC0] =	vst v63  }
0x26f: {  	s28 =	sadd.s32 $0x1, s28;
	_ =	swait.ge [sflag:s21], $0x2000  }
0x270: {  	p0 =	sne.s32 s28, $0x5;
	[sflag:s21] =	ssyncset.done $0x0  }
.Ltmp9:
0x271: {  	s31 =	sadd.s32 s9, s29;
	[sflag:s21] =	ssyncadd.s32 $0xFFFFE000;
	(pc) =	sbr.rel @p0 .LBB2_9-.Ltmp9, $4  }
0x272: {  	[hbm4b:s31+s3] =	stream.linear.scatter [tilespmem:s23], [sflag:$0x4], $0x2000, $0x38;
	[tilespmem:$0x10BC0] =	vst v63  }
0x273: {  	_ =	swait.ge [sflag:s21], $0x2000  }
0x274: {  	[sflag:s21] =	ssyncset.done $0x0  }
0x275: {  	s26 =	sadd.s32 $0x1000, s26;
	[sflag:s21] =	ssyncadd.s32 $0xFFFFE000  }
0x276: {  	s24 =	sadd.s32 $0x1, s24  }
0x277: {  	p0 =	sne.s32 s24, s10  }
.Ltmp10:
0x278: {  	_ = 	snop;
	(pc) =	sbr.rel @p0 .LBB2_1-.Ltmp10, $1  }
0x279: {  	_ =	sdelay $0x3  }
0x27a: {  	_ =	sfence.sel $0x180000  }
0x27b: {  	[bflag:$0x0] =	sbarrier.arrive $0xFFFF  }
0x27c: {  	_ =	strace $0x90000047  }
0x27d: {  	s0 =	stileid.u32;
	[bflag:$0x2] =	sbarrier.arrive $0xFFFF  }
0x27e: {  	p0 =	sne.s32 s0, $0x0;
	s0 =	rddreg [dreg:$0x2]  }
0x27f: {  	s0 =	sadd.s32 @!p0 $0x100000, s0  }
0x280: {  	[sflag:s0] =	ssyncadd.tile.s32 @!p0 $0x1;
	_ =	shalt  }
.Lfunc_end2:
_tile_overlayer_lowered:
.L_overlay_start_2:
0x281: {  	(tag) =	ssettag $0x2  }
0x282: {  	s0 =	rddreg [dreg:$0x0];
	s2 =	stileid.u32  }
0x283: {  	s1 =	rddreg [dreg:$0x1];
	p0 =	sne.s32 s2, $0x0  }
0x284: {  	s3 =	rddreg [dreg:$0x2];
	[bflag:$0x3] =	sbarrier.arrive $0xFFFF;
	s2 =	simm.s32 @!p0 $0x1C04  }
0x285: {  	[timem:s3], [sflag:s2] =	dma.local @!p0 [hbm:s0], s1  }
0x286: {  	s0 =	simm.s32 @!p0 $0x4  }
0x287: {  	_ =	swait.ge @!p0 [sflag:s0], s1  }
0x288: {  	s1 =	ssub.s32 @!p0 $0x0, s1;
	[sflag:s0] =	ssyncset.done @!p0 $0x0  }
0x289: {  	[sflag:s0] =	ssyncadd.s32 @!p0 s1  }
0x28a: {  	[bflag:$0x3] =	sbarrier.arrive $0xFFFF  }
0x28b: {  	_ =	shalt  }

</sc_bundles>
